<compile_context>
chip_gen: v7x
topology: tpu7x:2x2x1
jax: 0.10.2.dev20260603
libtpu: 0.0.44.dev20260713+nightly
codegen_flags: <defaults>
</compile_context>

<pallas_src>
import functools

import jax
import jax.numpy as jnp
from jax import lax
from jax.experimental import pallas as pl
from jax.experimental.pallas import tpu as pltpu
from jax.experimental.pallas import tpu_sc as plsc

VOCAB = 1000000
D = 128
C = 2
B = 4096
S = 200

NC = 2
NS = 16
NW = NC * NS
RW = B // NW
NG = RW // 16
NT = RW // 3 + 1
CH = (56, 48, 48, 48)
CO = (0, 56, 104, 152)
NV = D // 16

_mesh = plsc.VectorSubcoreMesh(core_axis_name="c", subcore_axis_name="s")


@functools.partial(
    pl.kernel,
    out_type=jax.ShapeDtypeStruct((B * C,), jnp.float32),
    mesh=_mesh,
    compiler_params=pltpu.CompilerParams(needs_layout_passes=False),
    scratch_types=[
        pltpu.VMEM((RW * S,), jnp.int32),
        pltpu.VMEM((S, D), jnp.float32),
        pltpu.VMEM((S, D), jnp.float32),
        pltpu.VMEM((S, D), jnp.float32),
        pltpu.VMEM((C, D), jnp.float32),
        pltpu.VMEM((16,), jnp.float32),
        pltpu.VMEM((256,), jnp.float32),
        pltpu.VMEM((256,), jnp.float32),
        pltpu.VMEM((32,), jnp.float32),
        pltpu.VMEM((RW * C,), jnp.float32),
        pltpu.SemaphoreType.DMA,
        pltpu.SemaphoreType.DMA,
        pltpu.SemaphoreType.DMA,
    ],
)
def _fasttext_sc(x_hbm, emb_hbm, w_hbm, b_hbm, out_hbm,
                 idx_all, rows0, rows1, rows2, w_v, b_v, pbuf0, pbuf1,
                 itl, out_v, sem0, sem1, sem2):
    wid = lax.axis_index("s") * NC + lax.axis_index("c")
    base = wid * RW
    pltpu.sync_copy(x_hbm.at[pl.ds(base * S, RW * S)], idx_all)
    pltpu.sync_copy(w_hbm, w_v)
    pltpu.sync_copy(b_hbm, b_v.at[pl.ds(0, C)])
    inv_s = jnp.float32(1.0 / S)
    bvec = b_v[...]
    lane = lax.iota(jnp.int32, 16)
    ilv0 = (lane // 2) + (lane % 2) * 16
    ilv1 = ilv0 + 8
    w_regs = [[w_v[c, pl.ds(j * 16, 16)] for j in range(NV)] for c in range(C)]

    bufs = (rows0, rows1, rows2)
    sems = (sem0, sem1, sem2)

    def fire(i, rows_buf, sem):
        off = jnp.minimum(i, RW - 1) * S
        for n, o in zip(CH, CO):
            pltpu.async_copy(
                emb_hbm.at[idx_all.at[pl.ds(off + o, n)]],
                rows_buf.at[pl.ds(o, n)], sem)

    def drain(rows_buf, sem):
        for n, o in zip(CH, CO):
            pltpu.make_async_copy(
                emb_hbm.at[idx_all.at[pl.ds(0, n)]],
                rows_buf.at[pl.ds(o, n)], sem).wait()

    def reduce_project(rows_buf, i):
        def red(s, acc):
            return tuple(
                acc[j] + rows_buf[s, pl.ds(j * 16, 16)] for j in range(NV))

        acc = lax.fori_loop(
            0, S, red,
            tuple(jnp.zeros((16,), jnp.float32) for _ in range(NV)),
            unroll=8)
        k = i % 16
        for c, pb in ((0, pbuf0), (1, pbuf1)):
            pv = acc[0] * w_regs[c][0]
            for j in range(1, NV):
                pv = pv + acc[j] * w_regs[c][j]
            pb[pl.ds(k * 16, 16)] = pv

        @pl.when(k == 15)
        def _flush():
            for c, pb in ((0, pbuf0), (1, pbuf1)):
                tot = jnp.zeros((16,), jnp.float32)
                for l in range(16):
                    tot = tot + plsc.load_gather(pb, [lane * 16 + l])
                itl[pl.ds(c * 16, 16)] = tot * inv_s + bvec[c]
            g32 = (i // 16) * 32
            out_v[pl.ds(g32, 16)] = plsc.load_gather(itl, [ilv0])
            out_v[pl.ds(g32 + 16, 16)] = plsc.load_gather(itl, [ilv1])

    fire(0, bufs[0], sems[0])
    fire(1, bufs[1], sems[1])

    def triple_body(t, carry):
        i0 = 3 * t
        for j in range(3):
            fire(i0 + j + 2, bufs[(j + 2) % 3], sems[(j + 2) % 3])
            drain(bufs[j], sems[j])
            reduce_project(bufs[j], i0 + j)
        return carry

    lax.fori_loop(0, NT, triple_body, 0)
    drain(bufs[0], sems[0])
    drain(bufs[1], sems[1])
    pltpu.sync_copy(out_v, out_hbm.at[pl.ds(base * C, RW * C)])


def kernel(x, emb, W, b):
    out = _fasttext_sc(x.astype(jnp.int32).reshape(-1), emb, W,
                       b.astype(jnp.float32))
    return out.reshape(B, C)

# --- scband reference (transcript-rebuilt; emitter-appended) ---
"""Pipeline reference for scband-fast-text-47485158424911 (READ-ONLY COPY).

The authoritative reference and input builder live on the scoring server;
editing this copy changes nothing except your own understanding.
"""

import jax, jax.numpy as jnp
import numpy as np

VOCAB = 1000000
EMBED_DIM = 128
CLASS_NUM = 2
BATCH = 4096
SEQ = 200

def setup_inputs(seed: int = 0) -> dict:
    key = jax.random.key(seed)
    k_idx, k_emb, k_w, k_b = jax.random.split(key, 4)
    x = jax.random.randint(k_idx, (BATCH, SEQ), 0, VOCAB, dtype=jnp.int64 if jax.config.jax_enable_x64 else jnp.int32)
    emb = jax.random.normal(k_emb, (VOCAB, EMBED_DIM), dtype=jnp.float32)
    W = jax.random.normal(k_w, (CLASS_NUM, EMBED_DIM), dtype=jnp.float32) * (1.0 / np.sqrt(EMBED_DIM))
    b = jax.random.normal(k_b, (CLASS_NUM,), dtype=jnp.float32) * 0.01
    return {"x": x, "emb": emb, "W": W, "b": b}

def reference(x, emb, W, b):
    # nn.Embedding lookup -> gather
    e = jnp.take(emb, x, axis=0)          # [B, S, D]
    m = jnp.mean(e, axis=1)               # [B, D]
    out = m @ W.T + b                     # [B, C]
    return out

if __name__ == "__main__":
    import jax
    _d = setup_inputs()
    print(jax.jit(kernel)(*tuple(_d.values())))

</pallas_src>

<mosaic_0001>
#map = affine_map<(d0, d1) -> (0)>
#map1 = affine_map<(d0, d1) -> (0, 0)>
module attributes {stable_mosaic.version = 14 : i64} {
  func.func @_fasttext_sc(%arg0: i32, %arg1: i32, %arg2: memref<819200xi32, #tpu.memory_space<hbm>>, %arg3: memref<1000000x128xf32, #tpu.memory_space<hbm>>, %arg4: memref<2x128xf32, #tpu.memory_space<hbm>>, %arg5: memref<2xf32, #tpu.memory_space<hbm>>, %arg6: memref<8192xf32, #tpu.memory_space<hbm>>, %arg7: memref<25600xi32, #tpu.memory_space<vmem>>, %arg8: memref<200x128xf32, #tpu.memory_space<vmem>>, %arg9: memref<200x128xf32, #tpu.memory_space<vmem>>, %arg10: memref<200x128xf32, #tpu.memory_space<vmem>>, %arg11: memref<2x128xf32, #tpu.memory_space<vmem>>, %arg12: memref<16xf32, #tpu.memory_space<vmem>>, %arg13: memref<256xf32, #tpu.memory_space<vmem>>, %arg14: memref<256xf32, #tpu.memory_space<vmem>>, %arg15: memref<32xf32, #tpu.memory_space<vmem>>, %arg16: memref<256xf32, #tpu.memory_space<vmem>>, %arg17: memref<!tpu.dma_semaphore, #tpu.memory_space<semaphore_mem>>, %arg18: memref<!tpu.dma_semaphore, #tpu.memory_space<semaphore_mem>>, %arg19: memref<!tpu.dma_semaphore, #tpu.memory_space<semaphore_mem>>) attributes {dimension_semantics = [#tpu.dimension_semantics<core_parallel>, #tpu.dimension_semantics<subcore_parallel>], iteration_bounds = array<i64: 2, 16>, scalar_prefetch = 0 : i64, scratch_operands = 13 : i64, tpu.core_type = #tpu.core_type<sc_vector_subcore>, window_params = [{transform_indices = #map}, {transform_indices = #map1}, {transform_indices = #map1}, {transform_indices = #map}, {transform_indices = #map}]} {
    %mul3A = arith.constant 2 : i32
    %mul3A_0 = arith.muli %arg1, %mul3A : i32
    %add3A = arith.addi %mul3A_0, %arg0 : i32
    %mul3A_1 = arith.constant 128 : i32
    %mul3A_2 = arith.muli %add3A, %mul3A_1 : i32
    %mul3A_3 = arith.constant 200 : i32
    %mul3A_4 = arith.muli %mul3A_2, %mul3A_3 : i32
    "tpu.region"() ({
      %run_scoped3A = tpu.sem_alloc : memref<!tpu.dma_semaphore, #tpu.memory_space<semaphore_mem>>
      %dma_start3A_271 = tpu.memref_slice %arg2[%mul3A_4] : memref<819200xi32, #tpu.memory_space<hbm>> -> memref<25600xi32, #tpu.memory_space<hbm>>
      %dma_start3A_272 = tpu.memref_slice %arg2[%mul3A_4] : memref<819200xi32, #tpu.memory_space<hbm>> -> memref<25600xi32, #tpu.memory_space<hbm>>
      tpu.enqueue_dma source(%dma_start3A_272 : memref<25600xi32, #tpu.memory_space<hbm>>) target(%arg7 : memref<25600xi32, #tpu.memory_space<vmem>>) target_semaphore(%run_scoped3A : memref<!tpu.dma_semaphore, #tpu.memory_space<semaphore_mem>>)
      %dma_wait3A_273 = tpu.memref_slice %arg2[%mul3A_4] : memref<819200xi32, #tpu.memory_space<hbm>> -> memref<25600xi32, #tpu.memory_space<hbm>>
      %dma_wait3A_274 = tpu.memref_slice %arg2[%mul3A_4] : memref<819200xi32, #tpu.memory_space<hbm>> -> memref<25600xi32, #tpu.memory_space<hbm>>
      tpu.wait_dma2 semaphore(%run_scoped3A : memref<!tpu.dma_semaphore, #tpu.memory_space<semaphore_mem>>) src(%dma_wait3A_274 : memref<25600xi32, #tpu.memory_space<hbm>>) dst(%arg7 : memref<25600xi32, #tpu.memory_space<vmem>>)
      tpu.yield
    }) : () -> ()
    "tpu.region"() ({
      %run_scoped3A = tpu.sem_alloc : memref<!tpu.dma_semaphore, #tpu.memory_space<semaphore_mem>>
      tpu.enqueue_dma source(%arg4 : memref<2x128xf32, #tpu.memory_space<hbm>>) target(%arg11 : memref<2x128xf32, #tpu.memory_space<vmem>>) target_semaphore(%run_scoped3A : memref<!tpu.dma_semaphore, #tpu.memory_space<semaphore_mem>>)
      tpu.wait_dma2 semaphore(%run_scoped3A : memref<!tpu.dma_semaphore, #tpu.memory_space<semaphore_mem>>) src(%arg4 : memref<2x128xf32, #tpu.memory_space<hbm>>) dst(%arg11 : memref<2x128xf32, #tpu.memory_space<vmem>>)
      tpu.yield
    }) : () -> ()
    "tpu.region"() ({
      %run_scoped3A = tpu.sem_alloc : memref<!tpu.dma_semaphore, #tpu.memory_space<semaphore_mem>>
      %dma_start3A_271 = arith.constant 0 : i32
      %dma_start3A_272 = tpu.memref_slice %arg12[%dma_start3A_271] : memref<16xf32, #tpu.memory_space<vmem>> -> memref<2xf32, #tpu.memory_space<vmem>>
      %dma_start3A_273 = arith.constant 0 : i32
      %dma_start3A_274 = tpu.memref_slice %arg12[%dma_start3A_273] : memref<16xf32, #tpu.memory_space<vmem>> -> memref<2xf32, #tpu.memory_space<vmem>>
      tpu.enqueue_dma source(%arg5 : memref<2xf32, #tpu.memory_space<hbm>>) target(%dma_start3A_274 : memref<2xf32, #tpu.memory_space<vmem>>) target_semaphore(%run_scoped3A : memref<!tpu.dma_semaphore, #tpu.memory_space<semaphore_mem>>)
      %dma_wait3A_275 = arith.constant 0 : i32
      %dma_wait3A_276 = tpu.memref_slice %arg12[%dma_wait3A_275] : memref<16xf32, #tpu.memory_space<vmem>> -> memref<2xf32, #tpu.memory_space<vmem>>
      %dma_wait3A_277 = arith.constant 0 : i32
      %dma_wait3A_278 = tpu.memref_slice %arg12[%dma_wait3A_277] : memref<16xf32, #tpu.memory_space<vmem>> -> memref<2xf32, #tpu.memory_space<vmem>>
      tpu.wait_dma2 semaphore(%run_scoped3A : memref<!tpu.dma_semaphore, #tpu.memory_space<semaphore_mem>>) src(%arg5 : memref<2xf32, #tpu.memory_space<hbm>>) dst(%dma_wait3A_278 : memref<2xf32, #tpu.memory_space<vmem>>)
      tpu.yield
    }) : () -> ()
    %get3A = arith.constant 0 : index
    %get3A_5 = tpu.vector_load %arg12[%get3A] {strides = array<i32>} : memref<16xf32, #tpu.memory_space<vmem>>, vector<16xf32>,
    %iota3A = tpu.iota {dimensions = array<i32: 0>} : vector<16xi32>
    %jit3A = arith.constant 2 : i32
    %div3A = vector.broadcast %jit3A : i32 to vector<16xi32>
    %div3A_6 = arith.divsi %iota3A, %div3A : vector<16xi32>
    %sign3A = arith.constant 0 : i32
    %sign3A_7 = vector.broadcast %sign3A : i32 to vector<16xi32>
    %sign3A_8 = arith.cmpi sgt, %iota3A, %sign3A_7 : vector<16xi32>
    %sign3A_9 = arith.extui %sign3A_8 : vector<16xi1> to vector<16xi32>
    %sign3A_10 = arith.constant 0 : i32
    %sign3A_11 = vector.broadcast %sign3A_10 : i32 to vector<16xi32>
    %sign3A_12 = arith.cmpi slt, %iota3A, %sign3A_11 : vector<16xi32>
    %sign3A_13 = arith.extui %sign3A_12 : vector<16xi1> to vector<16xi32>
    %sign3A_14 = arith.subi %sign3A_9, %sign3A_13 : vector<16xi32>
    %sign3A_15 = arith.constant 0 : i32
    %sign3A_16 = arith.cmpi sgt, %jit3A, %sign3A_15 : i32
    %sign3A_17 = arith.extui %sign3A_16 : i1 to i32
    %sign3A_18 = arith.constant 0 : i32
    %sign3A_19 = arith.cmpi slt, %jit3A, %sign3A_18 : i32
    %sign3A_20 = arith.extui %sign3A_19 : i1 to i32
    %sign3A_21 = arith.subi %sign3A_17, %sign3A_20 : i32
    %ne3A = vector.broadcast %sign3A_21 : i32 to vector<16xi32>
    %ne3A_22 = arith.cmpi ne, %sign3A_14, %ne3A : vector<16xi32>
    %rem3A = vector.broadcast %jit3A : i32 to vector<16xi32>
    %rem3A_23 = arith.remsi %iota3A, %rem3A : vector<16xi32>
    %ne3A_24 = arith.constant 0 : i32
    %ne3A_25 = vector.broadcast %ne3A_24 : i32 to vector<16xi32>
    %ne3A_26 = arith.cmpi ne, %rem3A_23, %ne3A_25 : vector<16xi32>
    %and3A = arith.andi %ne3A_22, %ne3A_26 : vector<16xi1>
    %sub3A = arith.constant 1 : i32
    %sub3A_27 = vector.broadcast %sub3A : i32 to vector<16xi32>
    %sub3A_28 = arith.subi %div3A_6, %sub3A_27 : vector<16xi32>
    %select_n3A = arith.select %and3A, %sub3A_28, %div3A_6 : vector<16xi1>, vector<16xi32>
    %jit3A_29 = arith.constant 2 : i32
    %eq3A = arith.constant 0 : i32
    %eq3A_30 = arith.cmpi eq, %jit3A_29, %eq3A : i32
    %jit3A_31 = arith.constant 1 : i32
    %select_n3A_32 = arith.select %eq3A_30, %jit3A_31, %jit3A_29 : i32
    %rem3A_33 = vector.broadcast %select_n3A_32 : i32 to vector<16xi32>
    %rem3A_34 = arith.remsi %iota3A, %rem3A_33 : vector<16xi32>
    %ne3A_35 = arith.constant 0 : i32
    %ne3A_36 = vector.broadcast %ne3A_35 : i32 to vector<16xi32>
    %ne3A_37 = arith.cmpi ne, %rem3A_34, %ne3A_36 : vector<16xi32>
    %lt3A = arith.constant 0 : i32
    %lt3A_38 = vector.broadcast %lt3A : i32 to vector<16xi32>
    %lt3A_39 = arith.cmpi slt, %rem3A_34, %lt3A_38 : vector<16xi32>
    %lt3A_40 = arith.constant 0 : i32
    %lt3A_41 = arith.cmpi slt, %select_n3A_32, %lt3A_40 : i32
    %ne3A_42 = vector.broadcast %lt3A_41 : i1 to vector<16xi1>
    %ne3A_43 = vector.broadcast %ne3A_42 : vector<16xi1> to vector<16xi1>
    %ne3A_44 = arith.xori %lt3A_39, %ne3A_43 : vector<16xi1>
    %and3A_45 = arith.andi %ne3A_44, %ne3A_37 : vector<16xi1>
    %add3A_46 = vector.broadcast %select_n3A_32 : i32 to vector<16xi32>
    %add3A_47 = arith.addi %rem3A_34, %add3A_46 : vector<16xi32>
    %select_n3A_48 = arith.select %and3A_45, %add3A_47, %rem3A_34 : vector<16xi1>, vector<16xi32>
    %mul3A_49 = arith.constant 16 : i32
    %mul3A_50 = vector.broadcast %mul3A_49 : i32 to vector<16xi32>
    %mul3A_51 = arith.muli %select_n3A_48, %mul3A_50 : vector<16xi32>
    %add3A_52 = arith.addi %select_n3A, %mul3A_51 : vector<16xi32>
    %add3A_53 = arith.constant 8 : i32
    %add3A_54 = vector.broadcast %add3A_53 : i32 to vector<16xi32>
    %add3A_55 = arith.addi %add3A_52, %add3A_54 : vector<16xi32>
    %get3A_56 = arith.constant 0 : i32
    %get3A_57 = arith.index_cast %get3A_56 : i32 to index
    %get3A_58 = arith.constant 0 : index
    %get3A_59 = tpu.vector_load %arg11[%get3A_57, %get3A_58] {strides = array<i32>} : memref<2x128xf32, #tpu.memory_space<vmem>>, vector<16xf32>,
    %get3A_60 = arith.constant 0 : i32
    %get3A_61 = arith.index_cast %get3A_60 : i32 to index
    %get3A_62 = arith.constant 16 : index
    %get3A_63 = tpu.vector_load %arg11[%get3A_61, %get3A_62] {strides = array<i32>} : memref<2x128xf32, #tpu.memory_space<vmem>>, vector<16xf32>,
    %get3A_64 = arith.constant 0 : i32
    %get3A_65 = arith.index_cast %get3A_64 : i32 to index
    %get3A_66 = arith.constant 32 : index
    %get3A_67 = tpu.vector_load %arg11[%get3A_65, %get3A_66] {strides = array<i32>} : memref<2x128xf32, #tpu.memory_space<vmem>>, vector<16xf32>,
    %get3A_68 = arith.constant 0 : i32
    %get3A_69 = arith.index_cast %get3A_68 : i32 to index
    %get3A_70 = arith.constant 48 : index
    %get3A_71 = tpu.vector_load %arg11[%get3A_69, %get3A_70] {strides = array<i32>} : memref<2x128xf32, #tpu.memory_space<vmem>>, vector<16xf32>,
    %get3A_72 = arith.constant 0 : i32
    %get3A_73 = arith.index_cast %get3A_72 : i32 to index
    %get3A_74 = arith.constant 64 : index
    %get3A_75 = tpu.vector_load %arg11[%get3A_73, %get3A_74] {strides = array<i32>} : memref<2x128xf32, #tpu.memory_space<vmem>>, vector<16xf32>,
    %get3A_76 = arith.constant 0 : i32
    %get3A_77 = arith.index_cast %get3A_76 : i32 to index
    %get3A_78 = arith.constant 80 : index
    %get3A_79 = tpu.vector_load %arg11[%get3A_77, %get3A_78] {strides = array<i32>} : memref<2x128xf32, #tpu.memory_space<vmem>>, vector<16xf32>,
    %get3A_80 = arith.constant 0 : i32
    %get3A_81 = arith.index_cast %get3A_80 : i32 to index
    %get3A_82 = arith.constant 96 : index
    %get3A_83 = tpu.vector_load %arg11[%get3A_81, %get3A_82] {strides = array<i32>} : memref<2x128xf32, #tpu.memory_space<vmem>>, vector<16xf32>,
    %get3A_84 = arith.constant 0 : i32
    %get3A_85 = arith.index_cast %get3A_84 : i32 to index
    %get3A_86 = arith.constant 112 : index
    %get3A_87 = tpu.vector_load %arg11[%get3A_85, %get3A_86] {strides = array<i32>} : memref<2x128xf32, #tpu.memory_space<vmem>>, vector<16xf32>,
    %get3A_88 = arith.constant 1 : i32
    %get3A_89 = arith.index_cast %get3A_88 : i32 to index
    %get3A_90 = arith.constant 0 : index
    %get3A_91 = tpu.vector_load %arg11[%get3A_89, %get3A_90] {strides = array<i32>} : memref<2x128xf32, #tpu.memory_space<vmem>>, vector<16xf32>,
    %get3A_92 = arith.constant 1 : i32
    %get3A_93 = arith.index_cast %get3A_92 : i32 to index
    %get3A_94 = arith.constant 16 : index
    %get3A_95 = tpu.vector_load %arg11[%get3A_93, %get3A_94] {strides = array<i32>} : memref<2x128xf32, #tpu.memory_space<vmem>>, vector<16xf32>,
    %get3A_96 = arith.constant 1 : i32
    %get3A_97 = arith.index_cast %get3A_96 : i32 to index
    %get3A_98 = arith.constant 32 : index
    %get3A_99 = tpu.vector_load %arg11[%get3A_97, %get3A_98] {strides = array<i32>} : memref<2x128xf32, #tpu.memory_space<vmem>>, vector<16xf32>,
    %get3A_100 = arith.constant 1 : i32
    %get3A_101 = arith.index_cast %get3A_100 : i32 to index
    %get3A_102 = arith.constant 48 : index
    %get3A_103 = tpu.vector_load %arg11[%get3A_101, %get3A_102] {strides = array<i32>} : memref<2x128xf32, #tpu.memory_space<vmem>>, vector<16xf32>,
    %get3A_104 = arith.constant 1 : i32
    %get3A_105 = arith.index_cast %get3A_104 : i32 to index
    %get3A_106 = arith.constant 64 : index
    %get3A_107 = tpu.vector_load %arg11[%get3A_105, %get3A_106] {strides = array<i32>} : memref<2x128xf32, #tpu.memory_space<vmem>>, vector<16xf32>,
    %get3A_108 = arith.constant 1 : i32
    %get3A_109 = arith.index_cast %get3A_108 : i32 to index
    %get3A_110 = arith.constant 80 : index
    %get3A_111 = tpu.vector_load %arg11[%get3A_109, %get3A_110] {strides = array<i32>} : memref<2x128xf32, #tpu.memory_space<vmem>>, vector<16xf32>,
    %get3A_112 = arith.constant 1 : i32
    %get3A_113 = arith.index_cast %get3A_112 : i32 to index
    %get3A_114 = arith.constant 96 : index
    %get3A_115 = tpu.vector_load %arg11[%get3A_113, %get3A_114] {strides = array<i32>} : memref<2x128xf32, #tpu.memory_space<vmem>>, vector<16xf32>,
    %get3A_116 = arith.constant 1 : i32
    %get3A_117 = arith.index_cast %get3A_116 : i32 to index
    %get3A_118 = arith.constant 112 : index
    %get3A_119 = tpu.vector_load %arg11[%get3A_117, %get3A_118] {strides = array<i32>} : memref<2x128xf32, #tpu.memory_space<vmem>>, vector<16xf32>,
    %min3A = arith.constant 0 : i32
    %min3A_120 = arith.constant 127 : i32
    %min3A_121 = arith.minsi %min3A, %min3A_120 : i32
    %mul3A_122 = arith.constant 200 : i32
    %mul3A_123 = arith.muli %min3A_121, %mul3A_122 : i32
    %add3A_124 = arith.constant 0 : i32
    %add3A_125 = arith.addi %mul3A_123, %add3A_124 : i32
    %dma_start3A = arith.constant 0 : i32
    %dma_start3A_126 = arith.constant 0 : i32
    %dma_start3A_127 = tpu.memref_slice %arg8[%dma_start3A, %dma_start3A_126] : memref<200x128xf32, #tpu.memory_space<vmem>> -> memref<56x128xf32, #tpu.memory_space<vmem>>
    %dma_start3A_128 = tpu.memref_slice %arg7[%add3A_125] : memref<25600xi32, #tpu.memory_space<vmem>> -> memref<56xi32, #tpu.memory_space<vmem>>
    %dma_start3A_129 = arith.constant 0 : i32
    %dma_start3A_130 = arith.constant 0 : i32
    %dma_start3A_131 = tpu.memref_slice %arg3[%dma_start3A_129, %dma_start3A_130] : memref<1000000x128xf32, #tpu.memory_space<hbm>> -> memref<1000000x128xf32, #tpu.memory_space<hbm>>
    tpu.enqueue_indirect_dma source(%dma_start3A_131 : memref<1000000x128xf32, #tpu.memory_space<hbm>>) target(%dma_start3A_127 : memref<56x128xf32, #tpu.memory_space<vmem>>) offsets(%dma_start3A_128 : memref<56xi32, #tpu.memory_space<vmem>>) semaphore(%arg17 : memref<!tpu.dma_semaphore, #tpu.memory_space<semaphore_mem>>)
    %add3A_132 = arith.constant 56 : i32
    %add3A_133 = arith.addi %mul3A_123, %add3A_132 : i32
    %dma_start3A_134 = arith.constant 56 : i32
    %dma_start3A_135 = arith.constant 0 : i32
    %dma_start3A_136 = tpu.memref_slice %arg8[%dma_start3A_134, %dma_start3A_135] : memref<200x128xf32, #tpu.memory_space<vmem>> -> memref<48x128xf32, #tpu.memory_space<vmem>>
    %dma_start3A_137 = tpu.memref_slice %arg7[%add3A_133] : memref<25600xi32, #tpu.memory_space<vmem>> -> memref<48xi32, #tpu.memory_space<vmem>>
    %dma_start3A_138 = arith.constant 0 : i32
    %dma_start3A_139 = arith.constant 0 : i32
    %dma_start3A_140 = tpu.memref_slice %arg3[%dma_start3A_138, %dma_start3A_139] : memref<1000000x128xf32, #tpu.memory_space<hbm>> -> memref<1000000x128xf32, #tpu.memory_space<hbm>>
    tpu.enqueue_indirect_dma source(%dma_start3A_140 : memref<1000000x128xf32, #tpu.memory_space<hbm>>) target(%dma_start3A_136 : memref<48x128xf32, #tpu.memory_space<vmem>>) offsets(%dma_start3A_137 : memref<48xi32, #tpu.memory_space<vmem>>) semaphore(%arg17 : memref<!tpu.dma_semaphore, #tpu.memory_space<semaphore_mem>>)
    %add3A_141 = arith.constant 104 : i32
    %add3A_142 = arith.addi %mul3A_123, %add3A_141 : i32
    %dma_start3A_143 = arith.constant 104 : i32
    %dma_start3A_144 = arith.constant 0 : i32
    %dma_start3A_145 = tpu.memref_slice %arg8[%dma_start3A_143, %dma_start3A_144] : memref<200x128xf32, #tpu.memory_space<vmem>> -> memref<48x128xf32, #tpu.memory_space<vmem>>
    %dma_start3A_146 = tpu.memref_slice %arg7[%add3A_142] : memref<25600xi32, #tpu.memory_space<vmem>> -> memref<48xi32, #tpu.memory_space<vmem>>
    %dma_start3A_147 = arith.constant 0 : i32
    %dma_start3A_148 = arith.constant 0 : i32
    %dma_start3A_149 = tpu.memref_slice %arg3[%dma_start3A_147, %dma_start3A_148] : memref<1000000x128xf32, #tpu.memory_space<hbm>> -> memref<1000000x128xf32, #tpu.memory_space<hbm>>
    tpu.enqueue_indirect_dma source(%dma_start3A_149 : memref<1000000x128xf32, #tpu.memory_space<hbm>>) target(%dma_start3A_145 : memref<48x128xf32, #tpu.memory_space<vmem>>) offsets(%dma_start3A_146 : memref<48xi32, #tpu.memory_space<vmem>>) semaphore(%arg17 : memref<!tpu.dma_semaphore, #tpu.memory_space<semaphore_mem>>)
    %add3A_150 = arith.constant 152 : i32
    %add3A_151 = arith.addi %mul3A_123, %add3A_150 : i32
    %dma_start3A_152 = arith.constant 152 : i32
    %dma_start3A_153 = arith.constant 0 : i32
    %dma_start3A_154 = tpu.memref_slice %arg8[%dma_start3A_152, %dma_start3A_153] : memref<200x128xf32, #tpu.memory_space<vmem>> -> memref<48x128xf32, #tpu.memory_space<vmem>>
    %dma_start3A_155 = tpu.memref_slice %arg7[%add3A_151] : memref<25600xi32, #tpu.memory_space<vmem>> -> memref<48xi32, #tpu.memory_space<vmem>>
    %dma_start3A_156 = arith.constant 0 : i32
    %dma_start3A_157 = arith.constant 0 : i32
    %dma_start3A_158 = tpu.memref_slice %arg3[%dma_start3A_156, %dma_start3A_157] : memref<1000000x128xf32, #tpu.memory_space<hbm>> -> memref<1000000x128xf32, #tpu.memory_space<hbm>>
    tpu.enqueue_indirect_dma source(%dma_start3A_158 : memref<1000000x128xf32, #tpu.memory_space<hbm>>) target(%dma_start3A_154 : memref<48x128xf32, #tpu.memory_space<vmem>>) offsets(%dma_start3A_155 : memref<48xi32, #tpu.memory_space<vmem>>) semaphore(%arg17 : memref<!tpu.dma_semaphore, #tpu.memory_space<semaphore_mem>>)
    %min3A_159 = arith.constant 1 : i32
    %min3A_160 = arith.constant 127 : i32
    %min3A_161 = arith.minsi %min3A_159, %min3A_160 : i32
    %mul3A_162 = arith.constant 200 : i32
    %mul3A_163 = arith.muli %min3A_161, %mul3A_162 : i32
    %add3A_164 = arith.constant 0 : i32
    %add3A_165 = arith.addi %mul3A_163, %add3A_164 : i32
    %dma_start3A_166 = arith.constant 0 : i32
    %dma_start3A_167 = arith.constant 0 : i32
    %dma_start3A_168 = tpu.memref_slice %arg9[%dma_start3A_166, %dma_start3A_167] : memref<200x128xf32, #tpu.memory_space<vmem>> -> memref<56x128xf32, #tpu.memory_space<vmem>>
    %dma_start3A_169 = tpu.memref_slice %arg7[%add3A_165] : memref<25600xi32, #tpu.memory_space<vmem>> -> memref<56xi32, #tpu.memory_space<vmem>>
    %dma_start3A_170 = arith.constant 0 : i32
    %dma_start3A_171 = arith.constant 0 : i32
    %dma_start3A_172 = tpu.memref_slice %arg3[%dma_start3A_170, %dma_start3A_171] : memref<1000000x128xf32, #tpu.memory_space<hbm>> -> memref<1000000x128xf32, #tpu.memory_space<hbm>>
    tpu.enqueue_indirect_dma source(%dma_start3A_172 : memref<1000000x128xf32, #tpu.memory_space<hbm>>) target(%dma_start3A_168 : memref<56x128xf32, #tpu.memory_space<vmem>>) offsets(%dma_start3A_169 : memref<56xi32, #tpu.memory_space<vmem>>) semaphore(%arg18 : memref<!tpu.dma_semaphore, #tpu.memory_space<semaphore_mem>>)
    %add3A_173 = arith.constant 56 : i32
    %add3A_174 = arith.addi %mul3A_163, %add3A_173 : i32
    %dma_start3A_175 = arith.constant 56 : i32
    %dma_start3A_176 = arith.constant 0 : i32
    %dma_start3A_177 = tpu.memref_slice %arg9[%dma_start3A_175, %dma_start3A_176] : memref<200x128xf32, #tpu.memory_space<vmem>> -> memref<48x128xf32, #tpu.memory_space<vmem>>
    %dma_start3A_178 = tpu.memref_slice %arg7[%add3A_174] : memref<25600xi32, #tpu.memory_space<vmem>> -> memref<48xi32, #tpu.memory_space<vmem>>
    %dma_start3A_179 = arith.constant 0 : i32
    %dma_start3A_180 = arith.constant 0 : i32
    %dma_start3A_181 = tpu.memref_slice %arg3[%dma_start3A_179, %dma_start3A_180] : memref<1000000x128xf32, #tpu.memory_space<hbm>> -> memref<1000000x128xf32, #tpu.memory_space<hbm>>
    tpu.enqueue_indirect_dma source(%dma_start3A_181 : memref<1000000x128xf32, #tpu.memory_space<hbm>>) target(%dma_start3A_177 : memref<48x128xf32, #tpu.memory_space<vmem>>) offsets(%dma_start3A_178 : memref<48xi32, #tpu.memory_space<vmem>>) semaphore(%arg18 : memref<!tpu.dma_semaphore, #tpu.memory_space<semaphore_mem>>)
    %add3A_182 = arith.constant 104 : i32
    %add3A_183 = arith.addi %mul3A_163, %add3A_182 : i32
    %dma_start3A_184 = arith.constant 104 : i32
    %dma_start3A_185 = arith.constant 0 : i32
    %dma_start3A_186 = tpu.memref_slice %arg9[%dma_start3A_184, %dma_start3A_185] : memref<200x128xf32, #tpu.memory_space<vmem>> -> memref<48x128xf32, #tpu.memory_space<vmem>>
    %dma_start3A_187 = tpu.memref_slice %arg7[%add3A_183] : memref<25600xi32, #tpu.memory_space<vmem>> -> memref<48xi32, #tpu.memory_space<vmem>>
    %dma_start3A_188 = arith.constant 0 : i32
    %dma_start3A_189 = arith.constant 0 : i32
    %dma_start3A_190 = tpu.memref_slice %arg3[%dma_start3A_188, %dma_start3A_189] : memref<1000000x128xf32, #tpu.memory_space<hbm>> -> memref<1000000x128xf32, #tpu.memory_space<hbm>>
    tpu.enqueue_indirect_dma source(%dma_start3A_190 : memref<1000000x128xf32, #tpu.memory_space<hbm>>) target(%dma_start3A_186 : memref<48x128xf32, #tpu.memory_space<vmem>>) offsets(%dma_start3A_187 : memref<48xi32, #tpu.memory_space<vmem>>) semaphore(%arg18 : memref<!tpu.dma_semaphore, #tpu.memory_space<semaphore_mem>>)
    %add3A_191 = arith.constant 152 : i32
    %add3A_192 = arith.addi %mul3A_163, %add3A_191 : i32
    %dma_start3A_193 = arith.constant 152 : i32
    %dma_start3A_194 = arith.constant 0 : i32
    %dma_start3A_195 = tpu.memref_slice %arg9[%dma_start3A_193, %dma_start3A_194] : memref<200x128xf32, #tpu.memory_space<vmem>> -> memref<48x128xf32, #tpu.memory_space<vmem>>
    %dma_start3A_196 = tpu.memref_slice %arg7[%add3A_192] : memref<25600xi32, #tpu.memory_space<vmem>> -> memref<48xi32, #tpu.memory_space<vmem>>
    %dma_start3A_197 = arith.constant 0 : i32
    %dma_start3A_198 = arith.constant 0 : i32
    %dma_start3A_199 = tpu.memref_slice %arg3[%dma_start3A_197, %dma_start3A_198] : memref<1000000x128xf32, #tpu.memory_space<hbm>> -> memref<1000000x128xf32, #tpu.memory_space<hbm>>
    tpu.enqueue_indirect_dma source(%dma_start3A_199 : memref<1000000x128xf32, #tpu.memory_space<hbm>>) target(%dma_start3A_195 : memref<48x128xf32, #tpu.memory_space<vmem>>) offsets(%dma_start3A_196 : memref<48xi32, #tpu.memory_space<vmem>>) semaphore(%arg18 : memref<!tpu.dma_semaphore, #tpu.memory_space<semaphore_mem>>)
    %scan3A = arith.constant 0 : i32
    %scan3A_200 = arith.constant 5.000000e-03 : f32
    %scan3A_201 = arith.constant 0 : i32
    %scan3A_202 = arith.constant 43 : i32
    %scan3A_203 = arith.addi %scan3A_201, %scan3A_202 : i32
    %scan3A_204 = arith.constant 1 : i32
    scf.for %scan3A_271 = %scan3A_201 to %scan3A_203 step %scan3A_204  : i32 {
      %mul3A_272 = arith.constant 3 : i32
      %mul3A_273 = arith.muli %mul3A_272, %scan3A_271 : i32
      %add3A_274 = arith.constant 0 : i32
      %add3A_275 = arith.addi %mul3A_273, %add3A_274 : i32
      %add3A_276 = arith.constant 2 : i32
      %add3A_277 = arith.addi %add3A_275, %add3A_276 : i32
      %min3A_278 = arith.constant 127 : i32
      %min3A_279 = arith.minsi %add3A_277, %min3A_278 : i32
      %mul3A_280 = arith.constant 200 : i32
      %mul3A_281 = arith.muli %min3A_279, %mul3A_280 : i32
      %add3A_282 = arith.constant 0 : i32
      %add3A_283 = arith.addi %mul3A_281, %add3A_282 : i32
      %dma_start3A_284 = arith.constant 0 : i32
      %dma_start3A_285 = arith.constant 0 : i32
      %dma_start3A_286 = tpu.memref_slice %arg10[%dma_start3A_284, %dma_start3A_285] : memref<200x128xf32, #tpu.memory_space<vmem>> -> memref<56x128xf32, #tpu.memory_space<vmem>>
      %dma_start3A_287 = tpu.memref_slice %arg7[%add3A_283] : memref<25600xi32, #tpu.memory_space<vmem>> -> memref<56xi32, #tpu.memory_space<vmem>>
      %dma_start3A_288 = arith.constant 0 : i32
      %dma_start3A_289 = arith.constant 0 : i32
      %dma_start3A_290 = tpu.memref_slice %arg3[%dma_start3A_288, %dma_start3A_289] : memref<1000000x128xf32, #tpu.memory_space<hbm>> -> memref<1000000x128xf32, #tpu.memory_space<hbm>>
      tpu.enqueue_indirect_dma source(%dma_start3A_290 : memref<1000000x128xf32, #tpu.memory_space<hbm>>) target(%dma_start3A_286 : memref<56x128xf32, #tpu.memory_space<vmem>>) offsets(%dma_start3A_287 : memref<56xi32, #tpu.memory_space<vmem>>) semaphore(%arg19 : memref<!tpu.dma_semaphore, #tpu.memory_space<semaphore_mem>>)
      %add3A_291 = arith.constant 56 : i32
      %add3A_292 = arith.addi %mul3A_281, %add3A_291 : i32
      %dma_start3A_293 = arith.constant 56 : i32
      %dma_start3A_294 = arith.constant 0 : i32
      %dma_start3A_295 = tpu.memref_slice %arg10[%dma_start3A_293, %dma_start3A_294] : memref<200x128xf32, #tpu.memory_space<vmem>> -> memref<48x128xf32, #tpu.memory_space<vmem>>
      %dma_start3A_296 = tpu.memref_slice %arg7[%add3A_292] : memref<25600xi32, #tpu.memory_space<vmem>> -> memref<48xi32, #tpu.memory_space<vmem>>
      %dma_start3A_297 = arith.constant 0 : i32
      %dma_start3A_298 = arith.constant 0 : i32
      %dma_start3A_299 = tpu.memref_slice %arg3[%dma_start3A_297, %dma_start3A_298] : memref<1000000x128xf32, #tpu.memory_space<hbm>> -> memref<1000000x128xf32, #tpu.memory_space<hbm>>
      tpu.enqueue_indirect_dma source(%dma_start3A_299 : memref<1000000x128xf32, #tpu.memory_space<hbm>>) target(%dma_start3A_295 : memref<48x128xf32, #tpu.memory_space<vmem>>) offsets(%dma_start3A_296 : memref<48xi32, #tpu.memory_space<vmem>>) semaphore(%arg19 : memref<!tpu.dma_semaphore, #tpu.memory_space<semaphore_mem>>)
      %add3A_300 = arith.constant 104 : i32
      %add3A_301 = arith.addi %mul3A_281, %add3A_300 : i32
      %dma_start3A_302 = arith.constant 104 : i32
      %dma_start3A_303 = arith.constant 0 : i32
      %dma_start3A_304 = tpu.memref_slice %arg10[%dma_start3A_302, %dma_start3A_303] : memref<200x128xf32, #tpu.memory_space<vmem>> -> memref<48x128xf32, #tpu.memory_space<vmem>>
      %dma_start3A_305 = tpu.memref_slice %arg7[%add3A_301] : memref<25600xi32, #tpu.memory_space<vmem>> -> memref<48xi32, #tpu.memory_space<vmem>>
      %dma_start3A_306 = arith.constant 0 : i32
      %dma_start3A_307 = arith.constant 0 : i32
      %dma_start3A_308 = tpu.memref_slice %arg3[%dma_start3A_306, %dma_start3A_307] : memref<1000000x128xf32, #tpu.memory_space<hbm>> -> memref<1000000x128xf32, #tpu.memory_space<hbm>>
      tpu.enqueue_indirect_dma source(%dma_start3A_308 : memref<1000000x128xf32, #tpu.memory_space<hbm>>) target(%dma_start3A_304 : memref<48x128xf32, #tpu.memory_space<vmem>>) offsets(%dma_start3A_305 : memref<48xi32, #tpu.memory_space<vmem>>) semaphore(%arg19 : memref<!tpu.dma_semaphore, #tpu.memory_space<semaphore_mem>>)
      %add3A_309 = arith.constant 152 : i32
      %add3A_310 = arith.addi %mul3A_281, %add3A_309 : i32
      %dma_start3A_311 = arith.constant 152 : i32
      %dma_start3A_312 = arith.constant 0 : i32
      %dma_start3A_313 = tpu.memref_slice %arg10[%dma_start3A_311, %dma_start3A_312] : memref<200x128xf32, #tpu.memory_space<vmem>> -> memref<48x128xf32, #tpu.memory_space<vmem>>
      %dma_start3A_314 = tpu.memref_slice %arg7[%add3A_310] : memref<25600xi32, #tpu.memory_space<vmem>> -> memref<48xi32, #tpu.memory_space<vmem>>
      %dma_start3A_315 = arith.constant 0 : i32
      %dma_start3A_316 = arith.constant 0 : i32
      %dma_start3A_317 = tpu.memref_slice %arg3[%dma_start3A_315, %dma_start3A_316] : memref<1000000x128xf32, #tpu.memory_space<hbm>> -> memref<1000000x128xf32, #tpu.memory_space<hbm>>
      tpu.enqueue_indirect_dma source(%dma_start3A_317 : memref<1000000x128xf32, #tpu.memory_space<hbm>>) target(%dma_start3A_313 : memref<48x128xf32, #tpu.memory_space<vmem>>) offsets(%dma_start3A_314 : memref<48xi32, #tpu.memory_space<vmem>>) semaphore(%arg19 : memref<!tpu.dma_semaphore, #tpu.memory_space<semaphore_mem>>)
      %dma_wait3A_318 = arith.constant 0 : i32
      %dma_wait3A_319 = arith.constant 0 : i32
      %dma_wait3A_320 = tpu.memref_slice %arg8[%dma_wait3A_318, %dma_wait3A_319] : memref<200x128xf32, #tpu.memory_space<vmem>> -> memref<56x128xf32, #tpu.memory_space<vmem>>
      %dma_wait3A_321 = arith.constant 0 : i32
      %dma_wait3A_322 = tpu.memref_slice %arg7[%dma_wait3A_321] : memref<25600xi32, #tpu.memory_space<vmem>> -> memref<56xi32, #tpu.memory_space<vmem>>
      %dma_wait3A_323 = arith.constant 0 : i32
      %dma_wait3A_324 = arith.constant 0 : i32
      %dma_wait3A_325 = tpu.memref_slice %arg3[%dma_wait3A_323, %dma_wait3A_324] : memref<1000000x128xf32, #tpu.memory_space<hbm>> -> memref<1000000x128xf32, #tpu.memory_space<hbm>>
      tpu.wait_indirect_dma semaphore(%arg17 : memref<!tpu.dma_semaphore, #tpu.memory_space<semaphore_mem>>) src(%dma_wait3A_325 : memref<1000000x128xf32, #tpu.memory_space<hbm>>) dst(%dma_wait3A_320 : memref<56x128xf32, #tpu.memory_space<vmem>>)
      %dma_wait3A_326 = arith.constant 56 : i32
      %dma_wait3A_327 = arith.constant 0 : i32
      %dma_wait3A_328 = tpu.memref_slice %arg8[%dma_wait3A_326, %dma_wait3A_327] : memref<200x128xf32, #tpu.memory_space<vmem>> -> memref<48x128xf32, #tpu.memory_space<vmem>>
      %dma_wait3A_329 = arith.constant 0 : i32
      %dma_wait3A_330 = tpu.memref_slice %arg7[%dma_wait3A_329] : memref<25600xi32, #tpu.memory_space<vmem>> -> memref<48xi32, #tpu.memory_space<vmem>>
      %dma_wait3A_331 = arith.constant 0 : i32
      %dma_wait3A_332 = arith.constant 0 : i32
      %dma_wait3A_333 = tpu.memref_slice %arg3[%dma_wait3A_331, %dma_wait3A_332] : memref<1000000x128xf32, #tpu.memory_space<hbm>> -> memref<1000000x128xf32, #tpu.memory_space<hbm>>
      tpu.wait_indirect_dma semaphore(%arg17 : memref<!tpu.dma_semaphore, #tpu.memory_space<semaphore_mem>>) src(%dma_wait3A_333 : memref<1000000x128xf32, #tpu.memory_space<hbm>>) dst(%dma_wait3A_328 : memref<48x128xf32, #tpu.memory_space<vmem>>)
      %dma_wait3A_334 = arith.constant 104 : i32
      %dma_wait3A_335 = arith.constant 0 : i32
      %dma_wait3A_336 = tpu.memref_slice %arg8[%dma_wait3A_334, %dma_wait3A_335] : memref<200x128xf32, #tpu.memory_space<vmem>> -> memref<48x128xf32, #tpu.memory_space<vmem>>
      %dma_wait3A_337 = arith.constant 0 : i32
      %dma_wait3A_338 = tpu.memref_slice %arg7[%dma_wait3A_337] : memref<25600xi32, #tpu.memory_space<vmem>> -> memref<48xi32, #tpu.memory_space<vmem>>
      %dma_wait3A_339 = arith.constant 0 : i32
      %dma_wait3A_340 = arith.constant 0 : i32
      %dma_wait3A_341 = tpu.memref_slice %arg3[%dma_wait3A_339, %dma_wait3A_340] : memref<1000000x128xf32, #tpu.memory_space<hbm>> -> memref<1000000x128xf32, #tpu.memory_space<hbm>>
      tpu.wait_indirect_dma semaphore(%arg17 : memref<!tpu.dma_semaphore, #tpu.memory_space<semaphore_mem>>) src(%dma_wait3A_341 : memref<1000000x128xf32, #tpu.memory_space<hbm>>) dst(%dma_wait3A_336 : memref<48x128xf32, #tpu.memory_space<vmem>>)
      %dma_wait3A_342 = arith.constant 152 : i32
      %dma_wait3A_343 = arith.constant 0 : i32
      %dma_wait3A_344 = tpu.memref_slice %arg8[%dma_wait3A_342, %dma_wait3A_343] : memref<200x128xf32, #tpu.memory_space<vmem>> -> memref<48x128xf32, #tpu.memory_space<vmem>>
      %dma_wait3A_345 = arith.constant 0 : i32
      %dma_wait3A_346 = tpu.memref_slice %arg7[%dma_wait3A_345] : memref<25600xi32, #tpu.memory_space<vmem>> -> memref<48xi32, #tpu.memory_space<vmem>>
      %dma_wait3A_347 = arith.constant 0 : i32
      %dma_wait3A_348 = arith.constant 0 : i32
      %dma_wait3A_349 = tpu.memref_slice %arg3[%dma_wait3A_347, %dma_wait3A_348] : memref<1000000x128xf32, #tpu.memory_space<hbm>> -> memref<1000000x128xf32, #tpu.memory_space<hbm>>
      tpu.wait_indirect_dma semaphore(%arg17 : memref<!tpu.dma_semaphore, #tpu.memory_space<semaphore_mem>>) src(%dma_wait3A_349 : memref<1000000x128xf32, #tpu.memory_space<hbm>>) dst(%dma_wait3A_344 : memref<48x128xf32, #tpu.memory_space<vmem>>)
      %add3A_350 = arith.constant 0 : i32
      %add3A_351 = arith.addi %mul3A_273, %add3A_350 : i32
      %broadcast_in_dim3A = arith.constant 0.000000e+00 : f32
      %broadcast_in_dim3A_352 = vector.broadcast %broadcast_in_dim3A : f32 to vector<16xf32>
      %broadcast_in_dim3A_353 = arith.constant 0.000000e+00 : f32
      %broadcast_in_dim3A_354 = vector.broadcast %broadcast_in_dim3A_353 : f32 to vector<16xf32>
      %broadcast_in_dim3A_355 = arith.constant 0.000000e+00 : f32
      %broadcast_in_dim3A_356 = vector.broadcast %broadcast_in_dim3A_355 : f32 to vector<16xf32>
      %broadcast_in_dim3A_357 = arith.constant 0.000000e+00 : f32
      %broadcast_in_dim3A_358 = vector.broadcast %broadcast_in_dim3A_357 : f32 to vector<16xf32>
      %broadcast_in_dim3A_359 = arith.constant 0.000000e+00 : f32
      %broadcast_in_dim3A_360 = vector.broadcast %broadcast_in_dim3A_359 : f32 to vector<16xf32>
      %broadcast_in_dim3A_361 = arith.constant 0.000000e+00 : f32
      %broadcast_in_dim3A_362 = vector.broadcast %broadcast_in_dim3A_361 : f32 to vector<16xf32>
      %broadcast_in_dim3A_363 = arith.constant 0.000000e+00 : f32
      %broadcast_in_dim3A_364 = vector.broadcast %broadcast_in_dim3A_363 : f32 to vector<16xf32>
      %broadcast_in_dim3A_365 = arith.constant 0.000000e+00 : f32
      %broadcast_in_dim3A_366 = vector.broadcast %broadcast_in_dim3A_365 : f32 to vector<16xf32>
      %scan3A_367 = arith.constant 0 : i32
      %scan3A_368 = arith.constant 200 : i32
      %scan3A_369 = arith.addi %scan3A_367, %scan3A_368 : i32
      %scan3A_370 = arith.constant 8 : i32
      %scan3A_371:8 = scf.for %scan3A_747 = %scan3A_367 to %scan3A_369 step %scan3A_370 iter_args(%scan3A_748 = %broadcast_in_dim3A_352, %scan3A_749 = %broadcast_in_dim3A_354, %scan3A_750 = %broadcast_in_dim3A_356, %scan3A_751 = %broadcast_in_dim3A_358, %scan3A_752 = %broadcast_in_dim3A_360, %scan3A_753 = %broadcast_in_dim3A_362, %scan3A_754 = %broadcast_in_dim3A_364, %scan3A_755 = %broadcast_in_dim3A_366) -> (vector<16xf32>, vector<16xf32>, vector<16xf32>, vector<16xf32>, vector<16xf32>, vector<16xf32>, vector<16xf32>, vector<16xf32>)  : i32 {
        %get3A_756 = arith.index_cast %scan3A_747 : i32 to index
        %get3A_757 = arith.constant 0 : index
        %get3A_758 = tpu.vector_load %arg8[%get3A_756, %get3A_757] {strides = array<i32>} : memref<200x128xf32, #tpu.memory_space<vmem>>, vector<16xf32>,
        %add3A_759 = arith.addf %scan3A_748, %get3A_758 : vector<16xf32>
        %get3A_760 = arith.index_cast %scan3A_747 : i32 to index
        %get3A_761 = arith.constant 16 : index
        %get3A_762 = tpu.vector_load %arg8[%get3A_760, %get3A_761] {strides = array<i32>} : memref<200x128xf32, #tpu.memory_space<vmem>>, vector<16xf32>,
        %add3A_763 = arith.addf %scan3A_749, %get3A_762 : vector<16xf32>
        %get3A_764 = arith.index_cast %scan3A_747 : i32 to index
        %get3A_765 = arith.constant 32 : index
        %get3A_766 = tpu.vector_load %arg8[%get3A_764, %get3A_765] {strides = array<i32>} : memref<200x128xf32, #tpu.memory_space<vmem>>, vector<16xf32>,
        %add3A_767 = arith.addf %scan3A_750, %get3A_766 : vector<16xf32>
        %get3A_768 = arith.index_cast %scan3A_747 : i32 to index
        %get3A_769 = arith.constant 48 : index
        %get3A_770 = tpu.vector_load %arg8[%get3A_768, %get3A_769] {strides = array<i32>} : memref<200x128xf32, #tpu.memory_space<vmem>>, vector<16xf32>,
        %add3A_771 = arith.addf %scan3A_751, %get3A_770 : vector<16xf32>
        %get3A_772 = arith.index_cast %scan3A_747 : i32 to index
        %get3A_773 = arith.constant 64 : index
        %get3A_774 = tpu.vector_load %arg8[%get3A_772, %get3A_773] {strides = array<i32>} : memref<200x128xf32, #tpu.memory_space<vmem>>, vector<16xf32>,
        %add3A_775 = arith.addf %scan3A_752, %get3A_774 : vector<16xf32>
        %get3A_776 = arith.index_cast %scan3A_747 : i32 to index
        %get3A_777 = arith.constant 80 : index
        %get3A_778 = tpu.vector_load %arg8[%get3A_776, %get3A_777] {strides = array<i32>} : memref<200x128xf32, #tpu.memory_space<vmem>>, vector<16xf32>,
        %add3A_779 = arith.addf %scan3A_753, %get3A_778 : vector<16xf32>
        %get3A_780 = arith.index_cast %scan3A_747 : i32 to index
        %get3A_781 = arith.constant 96 : index
        %get3A_782 = tpu.vector_load %arg8[%get3A_780, %get3A_781] {strides = array<i32>} : memref<200x128xf32, #tpu.memory_space<vmem>>, vector<16xf32>,
        %add3A_783 = arith.addf %scan3A_754, %get3A_782 : vector<16xf32>
        %get3A_784 = arith.index_cast %scan3A_747 : i32 to index
        %get3A_785 = arith.constant 112 : index
        %get3A_786 = tpu.vector_load %arg8[%get3A_784, %get3A_785] {strides = array<i32>} : memref<200x128xf32, #tpu.memory_space<vmem>>, vector<16xf32>,
        %add3A_787 = arith.addf %scan3A_755, %get3A_786 : vector<16xf32>
        %scan3A_788 = arith.constant 1 : i32
        %scan3A_789 = arith.addi %scan3A_747, %scan3A_788 : i32
        %get3A_790 = arith.index_cast %scan3A_789 : i32 to index
        %get3A_791 = arith.constant 0 : index
        %get3A_792 = tpu.vector_load %arg8[%get3A_790, %get3A_791] {strides = array<i32>} : memref<200x128xf32, #tpu.memory_space<vmem>>, vector<16xf32>,
        %add3A_793 = arith.addf %add3A_759, %get3A_792 : vector<16xf32>
        %get3A_794 = arith.index_cast %scan3A_789 : i32 to index
        %get3A_795 = arith.constant 16 : index
        %get3A_796 = tpu.vector_load %arg8[%get3A_794, %get3A_795] {strides = array<i32>} : memref<200x128xf32, #tpu.memory_space<vmem>>, vector<16xf32>,
        %add3A_797 = arith.addf %add3A_763, %get3A_796 : vector<16xf32>
        %get3A_798 = arith.index_cast %scan3A_789 : i32 to index
        %get3A_799 = arith.constant 32 : index
        %get3A_800 = tpu.vector_load %arg8[%get3A_798, %get3A_799] {strides = array<i32>} : memref<200x128xf32, #tpu.memory_space<vmem>>, vector<16xf32>,
        %add3A_801 = arith.addf %add3A_767, %get3A_800 : vector<16xf32>
        %get3A_802 = arith.index_cast %scan3A_789 : i32 to index
        %get3A_803 = arith.constant 48 : index
        %get3A_804 = tpu.vector_load %arg8[%get3A_802, %get3A_803] {strides = array<i32>} : memref<200x128xf32, #tpu.memory_space<vmem>>, vector<16xf32>,
        %add3A_805 = arith.addf %add3A_771, %get3A_804 : vector<16xf32>
        %get3A_806 = arith.index_cast %scan3A_789 : i32 to index
        %get3A_807 = arith.constant 64 : index
        %get3A_808 = tpu.vector_load %arg8[%get3A_806, %get3A_807] {strides = array<i32>} : memref<200x128xf32, #tpu.memory_space<vmem>>, vector<16xf32>,
        %add3A_809 = arith.addf %add3A_775, %get3A_808 : vector<16xf32>
        %get3A_810 = arith.index_cast %scan3A_789 : i32 to index
        %get3A_811 = arith.constant 80 : index
        %get3A_812 = tpu.vector_load %arg8[%get3A_810, %get3A_811] {strides = array<i32>} : memref<200x128xf32, #tpu.memory_space<vmem>>, vector<16xf32>,
        %add3A_813 = arith.addf %add3A_779, %get3A_812 : vector<16xf32>
        %get3A_814 = arith.index_cast %scan3A_789 : i32 to index
        %get3A_815 = arith.constant 96 : index
        %get3A_816 = tpu.vector_load %arg8[%get3A_814, %get3A_815] {strides = array<i32>} : memref<200x128xf32, #tpu.memory_space<vmem>>, vector<16xf32>,
        %add3A_817 = arith.addf %add3A_783, %get3A_816 : vector<16xf32>
        %get3A_818 = arith.index_cast %scan3A_789 : i32 to index
        %get3A_819 = arith.constant 112 : index
        %get3A_820 = tpu.vector_load %arg8[%get3A_818, %get3A_819] {strides = array<i32>} : memref<200x128xf32, #tpu.memory_space<vmem>>, vector<16xf32>,
        %add3A_821 = arith.addf %add3A_787, %get3A_820 : vector<16xf32>
        %scan3A_822 = arith.constant 2 : i32
        %scan3A_823 = arith.addi %scan3A_747, %scan3A_822 : i32
        %get3A_824 = arith.index_cast %scan3A_823 : i32 to index
        %get3A_825 = arith.constant 0 : index
        %get3A_826 = tpu.vector_load %arg8[%get3A_824, %get3A_825] {strides = array<i32>} : memref<200x128xf32, #tpu.memory_space<vmem>>, vector<16xf32>,
        %add3A_827 = arith.addf %add3A_793, %get3A_826 : vector<16xf32>
        %get3A_828 = arith.index_cast %scan3A_823 : i32 to index
        %get3A_829 = arith.constant 16 : index
        %get3A_830 = tpu.vector_load %arg8[%get3A_828, %get3A_829] {strides = array<i32>} : memref<200x128xf32, #tpu.memory_space<vmem>>, vector<16xf32>,
        %add3A_831 = arith.addf %add3A_797, %get3A_830 : vector<16xf32>
        %get3A_832 = arith.index_cast %scan3A_823 : i32 to index
        %get3A_833 = arith.constant 32 : index
        %get3A_834 = tpu.vector_load %arg8[%get3A_832, %get3A_833] {strides = array<i32>} : memref<200x128xf32, #tpu.memory_space<vmem>>, vector<16xf32>,
        %add3A_835 = arith.addf %add3A_801, %get3A_834 : vector<16xf32>
        %get3A_836 = arith.index_cast %scan3A_823 : i32 to index
        %get3A_837 = arith.constant 48 : index
        %get3A_838 = tpu.vector_load %arg8[%get3A_836, %get3A_837] {strides = array<i32>} : memref<200x128xf32, #tpu.memory_space<vmem>>, vector<16xf32>,
        %add3A_839 = arith.addf %add3A_805, %get3A_838 : vector<16xf32>
        %get3A_840 = arith.index_cast %scan3A_823 : i32 to index
        %get3A_841 = arith.constant 64 : index
        %get3A_842 = tpu.vector_load %arg8[%get3A_840, %get3A_841] {strides = array<i32>} : memref<200x128xf32, #tpu.memory_space<vmem>>, vector<16xf32>,
        %add3A_843 = arith.addf %add3A_809, %get3A_842 : vector<16xf32>
        %get3A_844 = arith.index_cast %scan3A_823 : i32 to index
        %get3A_845 = arith.constant 80 : index
        %get3A_846 = tpu.vector_load %arg8[%get3A_844, %get3A_845] {strides = array<i32>} : memref<200x128xf32, #tpu.memory_space<vmem>>, vector<16xf32>,
        %add3A_847 = arith.addf %add3A_813, %get3A_846 : vector<16xf32>
        %get3A_848 = arith.index_cast %scan3A_823 : i32 to index
        %get3A_849 = arith.constant 96 : index
        %get3A_850 = tpu.vector_load %arg8[%get3A_848, %get3A_849] {strides = array<i32>} : memref<200x128xf32, #tpu.memory_space<vmem>>, vector<16xf32>,
        %add3A_851 = arith.addf %add3A_817, %get3A_850 : vector<16xf32>
        %get3A_852 = arith.index_cast %scan3A_823 : i32 to index
        %get3A_853 = arith.constant 112 : index
        %get3A_854 = tpu.vector_load %arg8[%get3A_852, %get3A_853] {strides = array<i32>} : memref<200x128xf32, #tpu.memory_space<vmem>>, vector<16xf32>,
        %add3A_855 = arith.addf %add3A_821, %get3A_854 : vector<16xf32>
        %scan3A_856 = arith.constant 3 : i32
        %scan3A_857 = arith.addi %scan3A_747, %scan3A_856 : i32
        %get3A_858 = arith.index_cast %scan3A_857 : i32 to index
        %get3A_859 = arith.constant 0 : index
        %get3A_860 = tpu.vector_load %arg8[%get3A_858, %get3A_859] {strides = array<i32>} : memref<200x128xf32, #tpu.memory_space<vmem>>, vector<16xf32>,
        %add3A_861 = arith.addf %add3A_827, %get3A_860 : vector<16xf32>
        %get3A_862 = arith.index_cast %scan3A_857 : i32 to index
        %get3A_863 = arith.constant 16 : index
        %get3A_864 = tpu.vector_load %arg8[%get3A_862, %get3A_863] {strides = array<i32>} : memref<200x128xf32, #tpu.memory_space<vmem>>, vector<16xf32>,
        %add3A_865 = arith.addf %add3A_831, %get3A_864 : vector<16xf32>
        %get3A_866 = arith.index_cast %scan3A_857 : i32 to index
        %get3A_867 = arith.constant 32 : index
        %get3A_868 = tpu.vector_load %arg8[%get3A_866, %get3A_867] {strides = array<i32>} : memref<200x128xf32, #tpu.memory_space<vmem>>, vector<16xf32>,
        %add3A_869 = arith.addf %add3A_835, %get3A_868 : vector<16xf32>
        %get3A_870 = arith.index_cast %scan3A_857 : i32 to index
        %get3A_871 = arith.constant 48 : index
        %get3A_872 = tpu.vector_load %arg8[%get3A_870, %get3A_871] {strides = array<i32>} : memref<200x128xf32, #tpu.memory_space<vmem>>, vector<16xf32>,
        %add3A_873 = arith.addf %add3A_839, %get3A_872 : vector<16xf32>
        %get3A_874 = arith.index_cast %scan3A_857 : i32 to index
        %get3A_875 = arith.constant 64 : index
        %get3A_876 = tpu.vector_load %arg8[%get3A_874, %get3A_875] {strides = array<i32>} : memref<200x128xf32, #tpu.memory_space<vmem>>, vector<16xf32>,
        %add3A_877 = arith.addf %add3A_843, %get3A_876 : vector<16xf32>
        %get3A_878 = arith.index_cast %scan3A_857 : i32 to index
        %get3A_879 = arith.constant 80 : index
        %get3A_880 = tpu.vector_load %arg8[%get3A_878, %get3A_879] {strides = array<i32>} : memref<200x128xf32, #tpu.memory_space<vmem>>, vector<16xf32>,
        %add3A_881 = arith.addf %add3A_847, %get3A_880 : vector<16xf32>
        %get3A_882 = arith.index_cast %scan3A_857 : i32 to index
        %get3A_883 = arith.constant 96 : index
        %get3A_884 = tpu.vector_load %arg8[%get3A_882, %get3A_883] {strides = array<i32>} : memref<200x128xf32, #tpu.memory_space<vmem>>, vector<16xf32>,
        %add3A_885 = arith.addf %add3A_851, %get3A_884 : vector<16xf32>
        %get3A_886 = arith.index_cast %scan3A_857 : i32 to index
        %get3A_887 = arith.constant 112 : index
        %get3A_888 = tpu.vector_load %arg8[%get3A_886, %get3A_887] {strides = array<i32>} : memref<200x128xf32, #tpu.memory_space<vmem>>, vector<16xf32>,
        %add3A_889 = arith.addf %add3A_855, %get3A_888 : vector<16xf32>
        %scan3A_890 = arith.constant 4 : i32
        %scan3A_891 = arith.addi %scan3A_747, %scan3A_890 : i32
        %get3A_892 = arith.index_cast %scan3A_891 : i32 to index
        %get3A_893 = arith.constant 0 : index
        %get3A_894 = tpu.vector_load %arg8[%get3A_892, %get3A_893] {strides = array<i32>} : memref<200x128xf32, #tpu.memory_space<vmem>>, vector<16xf32>,
        %add3A_895 = arith.addf %add3A_861, %get3A_894 : vector<16xf32>
        %get3A_896 = arith.index_cast %scan3A_891 : i32 to index
        %get3A_897 = arith.constant 16 : index
        %get3A_898 = tpu.vector_load %arg8[%get3A_896, %get3A_897] {strides = array<i32>} : memref<200x128xf32, #tpu.memory_space<vmem>>, vector<16xf32>,
        %add3A_899 = arith.addf %add3A_865, %get3A_898 : vector<16xf32>
        %get3A_900 = arith.index_cast %scan3A_891 : i32 to index
        %get3A_901 = arith.constant 32 : index
        %get3A_902 = tpu.vector_load %arg8[%get3A_900, %get3A_901] {strides = array<i32>} : memref<200x128xf32, #tpu.memory_space<vmem>>, vector<16xf32>,
        %add3A_903 = arith.addf %add3A_869, %get3A_902 : vector<16xf32>
        %get3A_904 = arith.index_cast %scan3A_891 : i32 to index
        %get3A_905 = arith.constant 48 : index
        %get3A_906 = tpu.vector_load %arg8[%get3A_904, %get3A_905] {strides = array<i32>} : memref<200x128xf32, #tpu.memory_space<vmem>>, vector<16xf32>,
        %add3A_907 = arith.addf %add3A_873, %get3A_906 : vector<16xf32>
        %get3A_908 = arith.index_cast %scan3A_891 : i32 to index
        %get3A_909 = arith.constant 64 : index
        %get3A_910 = tpu.vector_load %arg8[%get3A_908, %get3A_909] {strides = array<i32>} : memref<200x128xf32, #tpu.memory_space<vmem>>, vector<16xf32>,
        %add3A_911 = arith.addf %add3A_877, %get3A_910 : vector<16xf32>
        %get3A_912 = arith.index_cast %scan3A_891 : i32 to index
        %get3A_913 = arith.constant 80 : index
        %get3A_914 = tpu.vector_load %arg8[%get3A_912, %get3A_913] {strides = array<i32>} : memref<200x128xf32, #tpu.memory_space<vmem>>, vector<16xf32>,
        %add3A_915 = arith.addf %add3A_881, %get3A_914 : vector<16xf32>
        %get3A_916 = arith.index_cast %scan3A_891 : i32 to index
        %get3A_917 = arith.constant 96 : index
        %get3A_918 = tpu.vector_load %arg8[%get3A_916, %get3A_917] {strides = array<i32>} : memref<200x128xf32, #tpu.memory_space<vmem>>, vector<16xf32>,
        %add3A_919 = arith.addf %add3A_885, %get3A_918 : vector<16xf32>
        %get3A_920 = arith.index_cast %scan3A_891 : i32 to index
        %get3A_921 = arith.constant 112 : index
        %get3A_922 = tpu.vector_load %arg8[%get3A_920, %get3A_921] {strides = array<i32>} : memref<200x128xf32, #tpu.memory_space<vmem>>, vector<16xf32>,
        %add3A_923 = arith.addf %add3A_889, %get3A_922 : vector<16xf32>
        %scan3A_924 = arith.constant 5 : i32
        %scan3A_925 = arith.addi %scan3A_747, %scan3A_924 : i32
        %get3A_926 = arith.index_cast %scan3A_925 : i32 to index
        %get3A_927 = arith.constant 0 : index
        %get3A_928 = tpu.vector_load %arg8[%get3A_926, %get3A_927] {strides = array<i32>} : memref<200x128xf32, #tpu.memory_space<vmem>>, vector<16xf32>,
        %add3A_929 = arith.addf %add3A_895, %get3A_928 : vector<16xf32>
        %get3A_930 = arith.index_cast %scan3A_925 : i32 to index
        %get3A_931 = arith.constant 16 : index
        %get3A_932 = tpu.vector_load %arg8[%get3A_930, %get3A_931] {strides = array<i32>} : memref<200x128xf32, #tpu.memory_space<vmem>>, vector<16xf32>,
        %add3A_933 = arith.addf %add3A_899, %get3A_932 : vector<16xf32>
        %get3A_934 = arith.index_cast %scan3A_925 : i32 to index
        %get3A_935 = arith.constant 32 : index
        %get3A_936 = tpu.vector_load %arg8[%get3A_934, %get3A_935] {strides = array<i32>} : memref<200x128xf32, #tpu.memory_space<vmem>>, vector<16xf32>,
        %add3A_937 = arith.addf %add3A_903, %get3A_936 : vector<16xf32>
        %get3A_938 = arith.index_cast %scan3A_925 : i32 to index
        %get3A_939 = arith.constant 48 : index
        %get3A_940 = tpu.vector_load %arg8[%get3A_938, %get3A_939] {strides = array<i32>} : memref<200x128xf32, #tpu.memory_space<vmem>>, vector<16xf32>,
        %add3A_941 = arith.addf %add3A_907, %get3A_940 : vector<16xf32>
        %get3A_942 = arith.index_cast %scan3A_925 : i32 to index
        %get3A_943 = arith.constant 64 : index
        %get3A_944 = tpu.vector_load %arg8[%get3A_942, %get3A_943] {strides = array<i32>} : memref<200x128xf32, #tpu.memory_space<vmem>>, vector<16xf32>,
        %add3A_945 = arith.addf %add3A_911, %get3A_944 : vector<16xf32>
        %get3A_946 = arith.index_cast %scan3A_925 : i32 to index
        %get3A_947 = arith.constant 80 : index
        %get3A_948 = tpu.vector_load %arg8[%get3A_946, %get3A_947] {strides = array<i32>} : memref<200x128xf32, #tpu.memory_space<vmem>>, vector<16xf32>,
        %add3A_949 = arith.addf %add3A_915, %get3A_948 : vector<16xf32>
        %get3A_950 = arith.index_cast %scan3A_925 : i32 to index
        %get3A_951 = arith.constant 96 : index
        %get3A_952 = tpu.vector_load %arg8[%get3A_950, %get3A_951] {strides = array<i32>} : memref<200x128xf32, #tpu.memory_space<vmem>>, vector<16xf32>,
        %add3A_953 = arith.addf %add3A_919, %get3A_952 : vector<16xf32>
        %get3A_954 = arith.index_cast %scan3A_925 : i32 to index
        %get3A_955 = arith.constant 112 : index
        %get3A_956 = tpu.vector_load %arg8[%get3A_954, %get3A_955] {strides = array<i32>} : memref<200x128xf32, #tpu.memory_space<vmem>>, vector<16xf32>,
        %add3A_957 = arith.addf %add3A_923, %get3A_956 : vector<16xf32>
        %scan3A_958 = arith.constant 6 : i32
        %scan3A_959 = arith.addi %scan3A_747, %scan3A_958 : i32
        %get3A_960 = arith.index_cast %scan3A_959 : i32 to index
        %get3A_961 = arith.constant 0 : index
        %get3A_962 = tpu.vector_load %arg8[%get3A_960, %get3A_961] {strides = array<i32>} : memref<200x128xf32, #tpu.memory_space<vmem>>, vector<16xf32>,
        %add3A_963 = arith.addf %add3A_929, %get3A_962 : vector<16xf32>
        %get3A_964 = arith.index_cast %scan3A_959 : i32 to index
        %get3A_965 = arith.constant 16 : index
        %get3A_966 = tpu.vector_load %arg8[%get3A_964, %get3A_965] {strides = array<i32>} : memref<200x128xf32, #tpu.memory_space<vmem>>, vector<16xf32>,
        %add3A_967 = arith.addf %add3A_933, %get3A_966 : vector<16xf32>
        %get3A_968 = arith.index_cast %scan3A_959 : i32 to index
        %get3A_969 = arith.constant 32 : index
        %get3A_970 = tpu.vector_load %arg8[%get3A_968, %get3A_969] {strides = array<i32>} : memref<200x128xf32, #tpu.memory_space<vmem>>, vector<16xf32>,
        %add3A_971 = arith.addf %add3A_937, %get3A_970 : vector<16xf32>
        %get3A_972 = arith.index_cast %scan3A_959 : i32 to index
        %get3A_973 = arith.constant 48 : index
        %get3A_974 = tpu.vector_load %arg8[%get3A_972, %get3A_973] {strides = array<i32>} : memref<200x128xf32, #tpu.memory_space<vmem>>, vector<16xf32>,
        %add3A_975 = arith.addf %add3A_941, %get3A_974 : vector<16xf32>
        %get3A_976 = arith.index_cast %scan3A_959 : i32 to index
        %get3A_977 = arith.constant 64 : index
        %get3A_978 = tpu.vector_load %arg8[%get3A_976, %get3A_977] {strides = array<i32>} : memref<200x128xf32, #tpu.memory_space<vmem>>, vector<16xf32>,
        %add3A_979 = arith.addf %add3A_945, %get3A_978 : vector<16xf32>
        %get3A_980 = arith.index_cast %scan3A_959 : i32 to index
        %get3A_981 = arith.constant 80 : index
        %get3A_982 = tpu.vector_load %arg8[%get3A_980, %get3A_981] {strides = array<i32>} : memref<200x128xf32, #tpu.memory_space<vmem>>, vector<16xf32>,
        %add3A_983 = arith.addf %add3A_949, %get3A_982 : vector<16xf32>
        %get3A_984 = arith.index_cast %scan3A_959 : i32 to index
        %get3A_985 = arith.constant 96 : index
        %get3A_986 = tpu.vector_load %arg8[%get3A_984, %get3A_985] {strides = array<i32>} : memref<200x128xf32, #tpu.memory_space<vmem>>, vector<16xf32>,
        %add3A_987 = arith.addf %add3A_953, %get3A_986 : vector<16xf32>
        %get3A_988 = arith.index_cast %scan3A_959 : i32 to index
        %get3A_989 = arith.constant 112 : index
        %get3A_990 = tpu.vector_load %arg8[%get3A_988, %get3A_989] {strides = array<i32>} : memref<200x128xf32, #tpu.memory_space<vmem>>, vector<16xf32>,
        %add3A_991 = arith.addf %add3A_957, %get3A_990 : vector<16xf32>
        %scan3A_992 = arith.constant 7 : i32
        %scan3A_993 = arith.addi %scan3A_747, %scan3A_992 : i32
        %get3A_994 = arith.index_cast %scan3A_993 : i32 to index
        %get3A_995 = arith.constant 0 : index
        %get3A_996 = tpu.vector_load %arg8[%get3A_994, %get3A_995] {strides = array<i32>} : memref<200x128xf32, #tpu.memory_space<vmem>>, vector<16xf32>,
        %add3A_997 = arith.addf %add3A_963, %get3A_996 : vector<16xf32>
        %get3A_998 = arith.index_cast %scan3A_993 : i32 to index
        %get3A_999 = arith.constant 16 : index
        %get3A_1000 = tpu.vector_load %arg8[%get3A_998, %get3A_999] {strides = array<i32>} : memref<200x128xf32, #tpu.memory_space<vmem>>, vector<16xf32>,
        %add3A_1001 = arith.addf %add3A_967, %get3A_1000 : vector<16xf32>
        %get3A_1002 = arith.index_cast %scan3A_993 : i32 to index
        %get3A_1003 = arith.constant 32 : index
        %get3A_1004 = tpu.vector_load %arg8[%get3A_1002, %get3A_1003] {strides = array<i32>} : memref<200x128xf32, #tpu.memory_space<vmem>>, vector<16xf32>,
        %add3A_1005 = arith.addf %add3A_971, %get3A_1004 : vector<16xf32>
        %get3A_1006 = arith.index_cast %scan3A_993 : i32 to index
        %get3A_1007 = arith.constant 48 : index
        %get3A_1008 = tpu.vector_load %arg8[%get3A_1006, %get3A_1007] {strides = array<i32>} : memref<200x128xf32, #tpu.memory_space<vmem>>, vector<16xf32>,
        %add3A_1009 = arith.addf %add3A_975, %get3A_1008 : vector<16xf32>
        %get3A_1010 = arith.index_cast %scan3A_993 : i32 to index
        %get3A_1011 = arith.constant 64 : index
        %get3A_1012 = tpu.vector_load %arg8[%get3A_1010, %get3A_1011] {strides = array<i32>} : memref<200x128xf32, #tpu.memory_space<vmem>>, vector<16xf32>,
        %add3A_1013 = arith.addf %add3A_979, %get3A_1012 : vector<16xf32>
        %get3A_1014 = arith.index_cast %scan3A_993 : i32 to index
        %get3A_1015 = arith.constant 80 : index
        %get3A_1016 = tpu.vector_load %arg8[%get3A_1014, %get3A_1015] {strides = array<i32>} : memref<200x128xf32, #tpu.memory_space<vmem>>, vector<16xf32>,
        %add3A_1017 = arith.addf %add3A_983, %get3A_1016 : vector<16xf32>
        %get3A_1018 = arith.index_cast %scan3A_993 : i32 to index
        %get3A_1019 = arith.constant 96 : index
        %get3A_1020 = tpu.vector_load %arg8[%get3A_1018, %get3A_1019] {strides = array<i32>} : memref<200x128xf32, #tpu.memory_space<vmem>>, vector<16xf32>,
        %add3A_1021 = arith.addf %add3A_987, %get3A_1020 : vector<16xf32>
        %get3A_1022 = arith.index_cast %scan3A_993 : i32 to index
        %get3A_1023 = arith.constant 112 : index
        %get3A_1024 = tpu.vector_load %arg8[%get3A_1022, %get3A_1023] {strides = array<i32>} : memref<200x128xf32, #tpu.memory_space<vmem>>, vector<16xf32>,
        %add3A_1025 = arith.addf %add3A_991, %get3A_1024 : vector<16xf32>
        scf.yield %add3A_997, %add3A_1001, %add3A_1005, %add3A_1009, %add3A_1013, %add3A_1017, %add3A_1021, %add3A_1025 : vector<16xf32>, vector<16xf32>, vector<16xf32>, vector<16xf32>, vector<16xf32>, vector<16xf32>, vector<16xf32>, vector<16xf32>
      }
      %scan3A_372 = arith.constant 200 : i32
      %jit3A_373 = arith.constant 16 : i32
      %eq3A_374 = arith.constant 0 : i32
      %eq3A_375 = arith.cmpi eq, %jit3A_373, %eq3A_374 : i32
      %jit3A_376 = arith.constant 1 : i32
      %select_n3A_377 = arith.select %eq3A_375, %jit3A_376, %jit3A_373 : i32
      %rem3A_378 = arith.remsi %add3A_351, %select_n3A_377 : i32
      %ne3A_379 = arith.constant 0 : i32
      %ne3A_380 = arith.cmpi ne, %rem3A_378, %ne3A_379 : i32
      %lt3A_381 = arith.constant 0 : i32
      %lt3A_382 = arith.cmpi slt, %rem3A_378, %lt3A_381 : i32
      %lt3A_383 = arith.constant 0 : i32
      %lt3A_384 = arith.cmpi slt, %select_n3A_377, %lt3A_383 : i32
      %ne3A_385 = arith.xori %lt3A_382, %lt3A_384 : i1
      %and3A_386 = arith.andi %ne3A_385, %ne3A_380 : i1
      %add3A_387 = arith.addi %rem3A_378, %select_n3A_377 : i32
      %select_n3A_388 = arith.select %and3A_386, %add3A_387, %rem3A_378 : i32
      %mul3A_389 = arith.mulf %scan3A_371#0, %get3A_59 : vector<16xf32>
      %mul3A_390 = arith.mulf %scan3A_371#1, %get3A_63 : vector<16xf32>
      %add3A_391 = arith.addf %mul3A_389, %mul3A_390 : vector<16xf32>
      %mul3A_392 = arith.mulf %scan3A_371#2, %get3A_67 : vector<16xf32>
      %add3A_393 = arith.addf %add3A_391, %mul3A_392 : vector<16xf32>
      %mul3A_394 = arith.mulf %scan3A_371#3, %get3A_71 : vector<16xf32>
      %add3A_395 = arith.addf %add3A_393, %mul3A_394 : vector<16xf32>
      %mul3A_396 = arith.mulf %scan3A_371#4, %get3A_75 : vector<16xf32>
      %add3A_397 = arith.addf %add3A_395, %mul3A_396 : vector<16xf32>
      %mul3A_398 = arith.mulf %scan3A_371#5, %get3A_79 : vector<16xf32>
      %add3A_399 = arith.addf %add3A_397, %mul3A_398 : vector<16xf32>
      %mul3A_400 = arith.mulf %scan3A_371#6, %get3A_83 : vector<16xf32>
      %add3A_401 = arith.addf %add3A_399, %mul3A_400 : vector<16xf32>
      %mul3A_402 = arith.mulf %scan3A_371#7, %get3A_87 : vector<16xf32>
      %add3A_403 = arith.addf %add3A_401, %mul3A_402 : vector<16xf32>
      %mul3A_404 = arith.constant 16 : i32
      %mul3A_405 = arith.muli %select_n3A_388, %mul3A_404 : i32
      %swap3A = arith.index_cast %mul3A_405 : i32 to index
      %swap3A_406 = tpu.vector_load %arg13[%swap3A] {strides = array<i32>} : memref<256xf32, #tpu.memory_space<vmem>>, vector<16xf32>,
      tpu.vector_store %arg13[%swap3A], %add3A_403 {strides = array<i32>} : memref<256xf32, #tpu.memory_space<vmem>>, vector<16xf32>,
      %mul3A_407 = arith.mulf %scan3A_371#0, %get3A_91 : vector<16xf32>
      %mul3A_408 = arith.mulf %scan3A_371#1, %get3A_95 : vector<16xf32>
      %add3A_409 = arith.addf %mul3A_407, %mul3A_408 : vector<16xf32>
      %mul3A_410 = arith.mulf %scan3A_371#2, %get3A_99 : vector<16xf32>
      %add3A_411 = arith.addf %add3A_409, %mul3A_410 : vector<16xf32>
      %mul3A_412 = arith.mulf %scan3A_371#3, %get3A_103 : vector<16xf32>
      %add3A_413 = arith.addf %add3A_411, %mul3A_412 : vector<16xf32>
      %mul3A_414 = arith.mulf %scan3A_371#4, %get3A_107 : vector<16xf32>
      %add3A_415 = arith.addf %add3A_413, %mul3A_414 : vector<16xf32>
      %mul3A_416 = arith.mulf %scan3A_371#5, %get3A_111 : vector<16xf32>
      %add3A_417 = arith.addf %add3A_415, %mul3A_416 : vector<16xf32>
      %mul3A_418 = arith.mulf %scan3A_371#6, %get3A_115 : vector<16xf32>
      %add3A_419 = arith.addf %add3A_417, %mul3A_418 : vector<16xf32>
      %mul3A_420 = arith.mulf %scan3A_371#7, %get3A_119 : vector<16xf32>
      %add3A_421 = arith.addf %add3A_419, %mul3A_420 : vector<16xf32>
      %mul3A_422 = arith.constant 16 : i32
      %mul3A_423 = arith.muli %select_n3A_388, %mul3A_422 : i32
      %swap3A_424 = arith.index_cast %mul3A_423 : i32 to index
      %swap3A_425 = tpu.vector_load %arg14[%swap3A_424] {strides = array<i32>} : memref<256xf32, #tpu.memory_space<vmem>>, vector<16xf32>,
      tpu.vector_store %arg14[%swap3A_424], %add3A_421 {strides = array<i32>} : memref<256xf32, #tpu.memory_space<vmem>>, vector<16xf32>,
      %eq3A_426 = arith.constant 15 : i32
      %eq3A_427 = arith.cmpi eq, %select_n3A_388, %eq3A_426 : i32
      %convert_element_type3A = arith.extui %eq3A_427 : i1 to i32
      %cond3A = arith.constant 0 : i32
      %cond3A_428 = arith.cmpi ne, %convert_element_type3A, %cond3A : i32
      scf.if %cond3A_428 {
        %broadcast_in_dim3A_747 = arith.constant 0.000000e+00 : f32
        %broadcast_in_dim3A_748 = vector.broadcast %broadcast_in_dim3A_747 : f32 to vector<16xf32>
        %mul3A_749 = arith.constant 16 : i32
        %mul3A_750 = vector.broadcast %mul3A_749 : i32 to vector<16xi32>
        %mul3A_751 = arith.muli %iota3A, %mul3A_750 : vector<16xi32>
        %add3A_752 = arith.constant 0 : i32
        %add3A_753 = vector.broadcast %add3A_752 : i32 to vector<16xi32>
        %add3A_754 = arith.addi %mul3A_751, %add3A_753 : vector<16xi32>
        %gather3A = tpu.vector_load_idx %arg13[%add3A_754] : memref<256xf32, #tpu.memory_space<vmem>>[vector<16xi32>], vector<16xf32>,
        %add3A_755 = arith.addf %broadcast_in_dim3A_748, %gather3A : vector<16xf32>
        %mul3A_756 = arith.constant 16 : i32
        %mul3A_757 = vector.broadcast %mul3A_756 : i32 to vector<16xi32>
        %mul3A_758 = arith.muli %iota3A, %mul3A_757 : vector<16xi32>
        %add3A_759 = arith.constant 1 : i32
        %add3A_760 = vector.broadcast %add3A_759 : i32 to vector<16xi32>
        %add3A_761 = arith.addi %mul3A_758, %add3A_760 : vector<16xi32>
        %gather3A_762 = tpu.vector_load_idx %arg13[%add3A_761] : memref<256xf32, #tpu.memory_space<vmem>>[vector<16xi32>], vector<16xf32>,
        %add3A_763 = arith.addf %add3A_755, %gather3A_762 : vector<16xf32>
        %mul3A_764 = arith.constant 16 : i32
        %mul3A_765 = vector.broadcast %mul3A_764 : i32 to vector<16xi32>
        %mul3A_766 = arith.muli %iota3A, %mul3A_765 : vector<16xi32>
        %add3A_767 = arith.constant 2 : i32
        %add3A_768 = vector.broadcast %add3A_767 : i32 to vector<16xi32>
        %add3A_769 = arith.addi %mul3A_766, %add3A_768 : vector<16xi32>
        %gather3A_770 = tpu.vector_load_idx %arg13[%add3A_769] : memref<256xf32, #tpu.memory_space<vmem>>[vector<16xi32>], vector<16xf32>,
        %add3A_771 = arith.addf %add3A_763, %gather3A_770 : vector<16xf32>
        %mul3A_772 = arith.constant 16 : i32
        %mul3A_773 = vector.broadcast %mul3A_772 : i32 to vector<16xi32>
        %mul3A_774 = arith.muli %iota3A, %mul3A_773 : vector<16xi32>
        %add3A_775 = arith.constant 3 : i32
        %add3A_776 = vector.broadcast %add3A_775 : i32 to vector<16xi32>
        %add3A_777 = arith.addi %mul3A_774, %add3A_776 : vector<16xi32>
        %gather3A_778 = tpu.vector_load_idx %arg13[%add3A_777] : memref<256xf32, #tpu.memory_space<vmem>>[vector<16xi32>], vector<16xf32>,
        %add3A_779 = arith.addf %add3A_771, %gather3A_778 : vector<16xf32>
        %mul3A_780 = arith.constant 16 : i32
        %mul3A_781 = vector.broadcast %mul3A_780 : i32 to vector<16xi32>
        %mul3A_782 = arith.muli %iota3A, %mul3A_781 : vector<16xi32>
        %add3A_783 = arith.constant 4 : i32
        %add3A_784 = vector.broadcast %add3A_783 : i32 to vector<16xi32>
        %add3A_785 = arith.addi %mul3A_782, %add3A_784 : vector<16xi32>
        %gather3A_786 = tpu.vector_load_idx %arg13[%add3A_785] : memref<256xf32, #tpu.memory_space<vmem>>[vector<16xi32>], vector<16xf32>,
        %add3A_787 = arith.addf %add3A_779, %gather3A_786 : vector<16xf32>
        %mul3A_788 = arith.constant 16 : i32
        %mul3A_789 = vector.broadcast %mul3A_788 : i32 to vector<16xi32>
        %mul3A_790 = arith.muli %iota3A, %mul3A_789 : vector<16xi32>
        %add3A_791 = arith.constant 5 : i32
        %add3A_792 = vector.broadcast %add3A_791 : i32 to vector<16xi32>
        %add3A_793 = arith.addi %mul3A_790, %add3A_792 : vector<16xi32>
        %gather3A_794 = tpu.vector_load_idx %arg13[%add3A_793] : memref<256xf32, #tpu.memory_space<vmem>>[vector<16xi32>], vector<16xf32>,
        %add3A_795 = arith.addf %add3A_787, %gather3A_794 : vector<16xf32>
        %mul3A_796 = arith.constant 16 : i32
        %mul3A_797 = vector.broadcast %mul3A_796 : i32 to vector<16xi32>
        %mul3A_798 = arith.muli %iota3A, %mul3A_797 : vector<16xi32>
        %add3A_799 = arith.constant 6 : i32
        %add3A_800 = vector.broadcast %add3A_799 : i32 to vector<16xi32>
        %add3A_801 = arith.addi %mul3A_798, %add3A_800 : vector<16xi32>
        %gather3A_802 = tpu.vector_load_idx %arg13[%add3A_801] : memref<256xf32, #tpu.memory_space<vmem>>[vector<16xi32>], vector<16xf32>,
        %add3A_803 = arith.addf %add3A_795, %gather3A_802 : vector<16xf32>
        %mul3A_804 = arith.constant 16 : i32
        %mul3A_805 = vector.broadcast %mul3A_804 : i32 to vector<16xi32>
        %mul3A_806 = arith.muli %iota3A, %mul3A_805 : vector<16xi32>
        %add3A_807 = arith.constant 7 : i32
        %add3A_808 = vector.broadcast %add3A_807 : i32 to vector<16xi32>
        %add3A_809 = arith.addi %mul3A_806, %add3A_808 : vector<16xi32>
        %gather3A_810 = tpu.vector_load_idx %arg13[%add3A_809] : memref<256xf32, #tpu.memory_space<vmem>>[vector<16xi32>], vector<16xf32>,
        %add3A_811 = arith.addf %add3A_803, %gather3A_810 : vector<16xf32>
        %mul3A_812 = arith.constant 16 : i32
        %mul3A_813 = vector.broadcast %mul3A_812 : i32 to vector<16xi32>
        %mul3A_814 = arith.muli %iota3A, %mul3A_813 : vector<16xi32>
        %add3A_815 = arith.constant 8 : i32
        %add3A_816 = vector.broadcast %add3A_815 : i32 to vector<16xi32>
        %add3A_817 = arith.addi %mul3A_814, %add3A_816 : vector<16xi32>
        %gather3A_818 = tpu.vector_load_idx %arg13[%add3A_817] : memref<256xf32, #tpu.memory_space<vmem>>[vector<16xi32>], vector<16xf32>,
        %add3A_819 = arith.addf %add3A_811, %gather3A_818 : vector<16xf32>
        %mul3A_820 = arith.constant 16 : i32
        %mul3A_821 = vector.broadcast %mul3A_820 : i32 to vector<16xi32>
        %mul3A_822 = arith.muli %iota3A, %mul3A_821 : vector<16xi32>
        %add3A_823 = arith.constant 9 : i32
        %add3A_824 = vector.broadcast %add3A_823 : i32 to vector<16xi32>
        %add3A_825 = arith.addi %mul3A_822, %add3A_824 : vector<16xi32>
        %gather3A_826 = tpu.vector_load_idx %arg13[%add3A_825] : memref<256xf32, #tpu.memory_space<vmem>>[vector<16xi32>], vector<16xf32>,
        %add3A_827 = arith.addf %add3A_819, %gather3A_826 : vector<16xf32>
        %mul3A_828 = arith.constant 16 : i32
        %mul3A_829 = vector.broadcast %mul3A_828 : i32 to vector<16xi32>
        %mul3A_830 = arith.muli %iota3A, %mul3A_829 : vector<16xi32>
        %add3A_831 = arith.constant 10 : i32
        %add3A_832 = vector.broadcast %add3A_831 : i32 to vector<16xi32>
        %add3A_833 = arith.addi %mul3A_830, %add3A_832 : vector<16xi32>
        %gather3A_834 = tpu.vector_load_idx %arg13[%add3A_833] : memref<256xf32, #tpu.memory_space<vmem>>[vector<16xi32>], vector<16xf32>,
        %add3A_835 = arith.addf %add3A_827, %gather3A_834 : vector<16xf32>
        %mul3A_836 = arith.constant 16 : i32
        %mul3A_837 = vector.broadcast %mul3A_836 : i32 to vector<16xi32>
        %mul3A_838 = arith.muli %iota3A, %mul3A_837 : vector<16xi32>
        %add3A_839 = arith.constant 11 : i32
        %add3A_840 = vector.broadcast %add3A_839 : i32 to vector<16xi32>
        %add3A_841 = arith.addi %mul3A_838, %add3A_840 : vector<16xi32>
        %gather3A_842 = tpu.vector_load_idx %arg13[%add3A_841] : memref<256xf32, #tpu.memory_space<vmem>>[vector<16xi32>], vector<16xf32>,
        %add3A_843 = arith.addf %add3A_835, %gather3A_842 : vector<16xf32>
        %mul3A_844 = arith.constant 16 : i32
        %mul3A_845 = vector.broadcast %mul3A_844 : i32 to vector<16xi32>
        %mul3A_846 = arith.muli %iota3A, %mul3A_845 : vector<16xi32>
        %add3A_847 = arith.constant 12 : i32
        %add3A_848 = vector.broadcast %add3A_847 : i32 to vector<16xi32>
        %add3A_849 = arith.addi %mul3A_846, %add3A_848 : vector<16xi32>
        %gather3A_850 = tpu.vector_load_idx %arg13[%add3A_849] : memref<256xf32, #tpu.memory_space<vmem>>[vector<16xi32>], vector<16xf32>,
        %add3A_851 = arith.addf %add3A_843, %gather3A_850 : vector<16xf32>
        %mul3A_852 = arith.constant 16 : i32
        %mul3A_853 = vector.broadcast %mul3A_852 : i32 to vector<16xi32>
        %mul3A_854 = arith.muli %iota3A, %mul3A_853 : vector<16xi32>
        %add3A_855 = arith.constant 13 : i32
        %add3A_856 = vector.broadcast %add3A_855 : i32 to vector<16xi32>
        %add3A_857 = arith.addi %mul3A_854, %add3A_856 : vector<16xi32>
        %gather3A_858 = tpu.vector_load_idx %arg13[%add3A_857] : memref<256xf32, #tpu.memory_space<vmem>>[vector<16xi32>], vector<16xf32>,
        %add3A_859 = arith.addf %add3A_851, %gather3A_858 : vector<16xf32>
        %mul3A_860 = arith.constant 16 : i32
        %mul3A_861 = vector.broadcast %mul3A_860 : i32 to vector<16xi32>
        %mul3A_862 = arith.muli %iota3A, %mul3A_861 : vector<16xi32>
        %add3A_863 = arith.constant 14 : i32
        %add3A_864 = vector.broadcast %add3A_863 : i32 to vector<16xi32>
        %add3A_865 = arith.addi %mul3A_862, %add3A_864 : vector<16xi32>
        %gather3A_866 = tpu.vector_load_idx %arg13[%add3A_865] : memref<256xf32, #tpu.memory_space<vmem>>[vector<16xi32>], vector<16xf32>,
        %add3A_867 = arith.addf %add3A_859, %gather3A_866 : vector<16xf32>
        %mul3A_868 = arith.constant 16 : i32
        %mul3A_869 = vector.broadcast %mul3A_868 : i32 to vector<16xi32>
        %mul3A_870 = arith.muli %iota3A, %mul3A_869 : vector<16xi32>
        %add3A_871 = arith.constant 15 : i32
        %add3A_872 = vector.broadcast %add3A_871 : i32 to vector<16xi32>
        %add3A_873 = arith.addi %mul3A_870, %add3A_872 : vector<16xi32>
        %gather3A_874 = tpu.vector_load_idx %arg13[%add3A_873] : memref<256xf32, #tpu.memory_space<vmem>>[vector<16xi32>], vector<16xf32>,
        %add3A_875 = arith.addf %add3A_867, %gather3A_874 : vector<16xf32>
        %mul3A_876 = vector.broadcast %scan3A_200 : f32 to vector<16xf32>
        %mul3A_877 = arith.mulf %add3A_875, %mul3A_876 : vector<16xf32>
        %slice3A = vector.extract_strided_slice %get3A_5 {offsets = [0], sizes = [1], strides = [1]} : vector<16xf32> to vector<1xf32>
        %squeeze3A = vector.extract %slice3A[0] : f32 from vector<1xf32>
        %add3A_878 = vector.broadcast %squeeze3A : f32 to vector<16xf32>
        %add3A_879 = arith.addf %mul3A_877, %add3A_878 : vector<16xf32>
        %swap3A_880 = arith.constant 0 : index
        %swap3A_881 = tpu.vector_load %arg15[%swap3A_880] {strides = array<i32>} : memref<32xf32, #tpu.memory_space<vmem>>, vector<16xf32>,
        tpu.vector_store %arg15[%swap3A_880], %add3A_879 {strides = array<i32>} : memref<32xf32, #tpu.memory_space<vmem>>, vector<16xf32>,
        %broadcast_in_dim3A_882 = arith.constant 0.000000e+00 : f32
        %broadcast_in_dim3A_883 = vector.broadcast %broadcast_in_dim3A_882 : f32 to vector<16xf32>
        %mul3A_884 = arith.constant 16 : i32
        %mul3A_885 = vector.broadcast %mul3A_884 : i32 to vector<16xi32>
        %mul3A_886 = arith.muli %iota3A, %mul3A_885 : vector<16xi32>
        %add3A_887 = arith.constant 0 : i32
        %add3A_888 = vector.broadcast %add3A_887 : i32 to vector<16xi32>
        %add3A_889 = arith.addi %mul3A_886, %add3A_888 : vector<16xi32>
        %gather3A_890 = tpu.vector_load_idx %arg14[%add3A_889] : memref<256xf32, #tpu.memory_space<vmem>>[vector<16xi32>], vector<16xf32>,
        %add3A_891 = arith.addf %broadcast_in_dim3A_883, %gather3A_890 : vector<16xf32>
        %mul3A_892 = arith.constant 16 : i32
        %mul3A_893 = vector.broadcast %mul3A_892 : i32 to vector<16xi32>
        %mul3A_894 = arith.muli %iota3A, %mul3A_893 : vector<16xi32>
        %add3A_895 = arith.constant 1 : i32
        %add3A_896 = vector.broadcast %add3A_895 : i32 to vector<16xi32>
        %add3A_897 = arith.addi %mul3A_894, %add3A_896 : vector<16xi32>
        %gather3A_898 = tpu.vector_load_idx %arg14[%add3A_897] : memref<256xf32, #tpu.memory_space<vmem>>[vector<16xi32>], vector<16xf32>,
        %add3A_899 = arith.addf %add3A_891, %gather3A_898 : vector<16xf32>
        %mul3A_900 = arith.constant 16 : i32
        %mul3A_901 = vector.broadcast %mul3A_900 : i32 to vector<16xi32>
        %mul3A_902 = arith.muli %iota3A, %mul3A_901 : vector<16xi32>
        %add3A_903 = arith.constant 2 : i32
        %add3A_904 = vector.broadcast %add3A_903 : i32 to vector<16xi32>
        %add3A_905 = arith.addi %mul3A_902, %add3A_904 : vector<16xi32>
        %gather3A_906 = tpu.vector_load_idx %arg14[%add3A_905] : memref<256xf32, #tpu.memory_space<vmem>>[vector<16xi32>], vector<16xf32>,
        %add3A_907 = arith.addf %add3A_899, %gather3A_906 : vector<16xf32>
        %mul3A_908 = arith.constant 16 : i32
        %mul3A_909 = vector.broadcast %mul3A_908 : i32 to vector<16xi32>
        %mul3A_910 = arith.muli %iota3A, %mul3A_909 : vector<16xi32>
        %add3A_911 = arith.constant 3 : i32
        %add3A_912 = vector.broadcast %add3A_911 : i32 to vector<16xi32>
        %add3A_913 = arith.addi %mul3A_910, %add3A_912 : vector<16xi32>
        %gather3A_914 = tpu.vector_load_idx %arg14[%add3A_913] : memref<256xf32, #tpu.memory_space<vmem>>[vector<16xi32>], vector<16xf32>,
        %add3A_915 = arith.addf %add3A_907, %gather3A_914 : vector<16xf32>
        %mul3A_916 = arith.constant 16 : i32
        %mul3A_917 = vector.broadcast %mul3A_916 : i32 to vector<16xi32>
        %mul3A_918 = arith.muli %iota3A, %mul3A_917 : vector<16xi32>
        %add3A_919 = arith.constant 4 : i32
        %add3A_920 = vector.broadcast %add3A_919 : i32 to vector<16xi32>
        %add3A_921 = arith.addi %mul3A_918, %add3A_920 : vector<16xi32>
        %gather3A_922 = tpu.vector_load_idx %arg14[%add3A_921] : memref<256xf32, #tpu.memory_space<vmem>>[vector<16xi32>], vector<16xf32>,
        %add3A_923 = arith.addf %add3A_915, %gather3A_922 : vector<16xf32>
        %mul3A_924 = arith.constant 16 : i32
        %mul3A_925 = vector.broadcast %mul3A_924 : i32 to vector<16xi32>
        %mul3A_926 = arith.muli %iota3A, %mul3A_925 : vector<16xi32>
        %add3A_927 = arith.constant 5 : i32
        %add3A_928 = vector.broadcast %add3A_927 : i32 to vector<16xi32>
        %add3A_929 = arith.addi %mul3A_926, %add3A_928 : vector<16xi32>
        %gather3A_930 = tpu.vector_load_idx %arg14[%add3A_929] : memref<256xf32, #tpu.memory_space<vmem>>[vector<16xi32>], vector<16xf32>,
        %add3A_931 = arith.addf %add3A_923, %gather3A_930 : vector<16xf32>
        %mul3A_932 = arith.constant 16 : i32
        %mul3A_933 = vector.broadcast %mul3A_932 : i32 to vector<16xi32>
        %mul3A_934 = arith.muli %iota3A, %mul3A_933 : vector<16xi32>
        %add3A_935 = arith.constant 6 : i32
        %add3A_936 = vector.broadcast %add3A_935 : i32 to vector<16xi32>
        %add3A_937 = arith.addi %mul3A_934, %add3A_936 : vector<16xi32>
        %gather3A_938 = tpu.vector_load_idx %arg14[%add3A_937] : memref<256xf32, #tpu.memory_space<vmem>>[vector<16xi32>], vector<16xf32>,
        %add3A_939 = arith.addf %add3A_931, %gather3A_938 : vector<16xf32>
        %mul3A_940 = arith.constant 16 : i32
        %mul3A_941 = vector.broadcast %mul3A_940 : i32 to vector<16xi32>
        %mul3A_942 = arith.muli %iota3A, %mul3A_941 : vector<16xi32>
        %add3A_943 = arith.constant 7 : i32
        %add3A_944 = vector.broadcast %add3A_943 : i32 to vector<16xi32>
        %add3A_945 = arith.addi %mul3A_942, %add3A_944 : vector<16xi32>
        %gather3A_946 = tpu.vector_load_idx %arg14[%add3A_945] : memref<256xf32, #tpu.memory_space<vmem>>[vector<16xi32>], vector<16xf32>,
        %add3A_947 = arith.addf %add3A_939, %gather3A_946 : vector<16xf32>
        %mul3A_948 = arith.constant 16 : i32
        %mul3A_949 = vector.broadcast %mul3A_948 : i32 to vector<16xi32>
        %mul3A_950 = arith.muli %iota3A, %mul3A_949 : vector<16xi32>
        %add3A_951 = arith.constant 8 : i32
        %add3A_952 = vector.broadcast %add3A_951 : i32 to vector<16xi32>
        %add3A_953 = arith.addi %mul3A_950, %add3A_952 : vector<16xi32>
        %gather3A_954 = tpu.vector_load_idx %arg14[%add3A_953] : memref<256xf32, #tpu.memory_space<vmem>>[vector<16xi32>], vector<16xf32>,
        %add3A_955 = arith.addf %add3A_947, %gather3A_954 : vector<16xf32>
        %mul3A_956 = arith.constant 16 : i32
        %mul3A_957 = vector.broadcast %mul3A_956 : i32 to vector<16xi32>
        %mul3A_958 = arith.muli %iota3A, %mul3A_957 : vector<16xi32>
        %add3A_959 = arith.constant 9 : i32
        %add3A_960 = vector.broadcast %add3A_959 : i32 to vector<16xi32>
        %add3A_961 = arith.addi %mul3A_958, %add3A_960 : vector<16xi32>
        %gather3A_962 = tpu.vector_load_idx %arg14[%add3A_961] : memref<256xf32, #tpu.memory_space<vmem>>[vector<16xi32>], vector<16xf32>,
        %add3A_963 = arith.addf %add3A_955, %gather3A_962 : vector<16xf32>
        %mul3A_964 = arith.constant 16 : i32
        %mul3A_965 = vector.broadcast %mul3A_964 : i32 to vector<16xi32>
        %mul3A_966 = arith.muli %iota3A, %mul3A_965 : vector<16xi32>
        %add3A_967 = arith.constant 10 : i32
        %add3A_968 = vector.broadcast %add3A_967 : i32 to vector<16xi32>
        %add3A_969 = arith.addi %mul3A_966, %add3A_968 : vector<16xi32>
        %gather3A_970 = tpu.vector_load_idx %arg14[%add3A_969] : memref<256xf32, #tpu.memory_space<vmem>>[vector<16xi32>], vector<16xf32>,
        %add3A_971 = arith.addf %add3A_963, %gather3A_970 : vector<16xf32>
        %mul3A_972 = arith.constant 16 : i32
        %mul3A_973 = vector.broadcast %mul3A_972 : i32 to vector<16xi32>
        %mul3A_974 = arith.muli %iota3A, %mul3A_973 : vector<16xi32>
        %add3A_975 = arith.constant 11 : i32
        %add3A_976 = vector.broadcast %add3A_975 : i32 to vector<16xi32>
        %add3A_977 = arith.addi %mul3A_974, %add3A_976 : vector<16xi32>
        %gather3A_978 = tpu.vector_load_idx %arg14[%add3A_977] : memref<256xf32, #tpu.memory_space<vmem>>[vector<16xi32>], vector<16xf32>,
        %add3A_979 = arith.addf %add3A_971, %gather3A_978 : vector<16xf32>
        %mul3A_980 = arith.constant 16 : i32
        %mul3A_981 = vector.broadcast %mul3A_980 : i32 to vector<16xi32>
        %mul3A_982 = arith.muli %iota3A, %mul3A_981 : vector<16xi32>
        %add3A_983 = arith.constant 12 : i32
        %add3A_984 = vector.broadcast %add3A_983 : i32 to vector<16xi32>
        %add3A_985 = arith.addi %mul3A_982, %add3A_984 : vector<16xi32>
        %gather3A_986 = tpu.vector_load_idx %arg14[%add3A_985] : memref<256xf32, #tpu.memory_space<vmem>>[vector<16xi32>], vector<16xf32>,
        %add3A_987 = arith.addf %add3A_979, %gather3A_986 : vector<16xf32>
        %mul3A_988 = arith.constant 16 : i32
        %mul3A_989 = vector.broadcast %mul3A_988 : i32 to vector<16xi32>
        %mul3A_990 = arith.muli %iota3A, %mul3A_989 : vector<16xi32>
        %add3A_991 = arith.constant 13 : i32
        %add3A_992 = vector.broadcast %add3A_991 : i32 to vector<16xi32>
        %add3A_993 = arith.addi %mul3A_990, %add3A_992 : vector<16xi32>
        %gather3A_994 = tpu.vector_load_idx %arg14[%add3A_993] : memref<256xf32, #tpu.memory_space<vmem>>[vector<16xi32>], vector<16xf32>,
        %add3A_995 = arith.addf %add3A_987, %gather3A_994 : vector<16xf32>
        %mul3A_996 = arith.constant 16 : i32
        %mul3A_997 = vector.broadcast %mul3A_996 : i32 to vector<16xi32>
        %mul3A_998 = arith.muli %iota3A, %mul3A_997 : vector<16xi32>
        %add3A_999 = arith.constant 14 : i32
        %add3A_1000 = vector.broadcast %add3A_999 : i32 to vector<16xi32>
        %add3A_1001 = arith.addi %mul3A_998, %add3A_1000 : vector<16xi32>
        %gather3A_1002 = tpu.vector_load_idx %arg14[%add3A_1001] : memref<256xf32, #tpu.memory_space<vmem>>[vector<16xi32>], vector<16xf32>,
        %add3A_1003 = arith.addf %add3A_995, %gather3A_1002 : vector<16xf32>
        %mul3A_1004 = arith.constant 16 : i32
        %mul3A_1005 = vector.broadcast %mul3A_1004 : i32 to vector<16xi32>
        %mul3A_1006 = arith.muli %iota3A, %mul3A_1005 : vector<16xi32>
        %add3A_1007 = arith.constant 15 : i32
        %add3A_1008 = vector.broadcast %add3A_1007 : i32 to vector<16xi32>
        %add3A_1009 = arith.addi %mul3A_1006, %add3A_1008 : vector<16xi32>
        %gather3A_1010 = tpu.vector_load_idx %arg14[%add3A_1009] : memref<256xf32, #tpu.memory_space<vmem>>[vector<16xi32>], vector<16xf32>,
        %add3A_1011 = arith.addf %add3A_1003, %gather3A_1010 : vector<16xf32>
        %mul3A_1012 = vector.broadcast %scan3A_200 : f32 to vector<16xf32>
        %mul3A_1013 = arith.mulf %add3A_1011, %mul3A_1012 : vector<16xf32>
        %slice3A_1014 = vector.extract_strided_slice %get3A_5 {offsets = [1], sizes = [1], strides = [1]} : vector<16xf32> to vector<1xf32>
        %squeeze3A_1015 = vector.extract %slice3A_1014[0] : f32 from vector<1xf32>
        %add3A_1016 = vector.broadcast %squeeze3A_1015 : f32 to vector<16xf32>
        %add3A_1017 = arith.addf %mul3A_1013, %add3A_1016 : vector<16xf32>
        %swap3A_1018 = arith.constant 16 : index
        %swap3A_1019 = tpu.vector_load %arg15[%swap3A_1018] {strides = array<i32>} : memref<32xf32, #tpu.memory_space<vmem>>, vector<16xf32>,
        tpu.vector_store %arg15[%swap3A_1018], %add3A_1017 {strides = array<i32>} : memref<32xf32, #tpu.memory_space<vmem>>, vector<16xf32>,
        %jit3A_1020 = arith.constant 16 : i32
        %div3A_1021 = arith.divsi %add3A_351, %jit3A_1020 : i32
        %sign3A_1022 = arith.constant 0 : i32
        %sign3A_1023 = arith.cmpi sgt, %add3A_351, %sign3A_1022 : i32
        %sign3A_1024 = arith.extui %sign3A_1023 : i1 to i32
        %sign3A_1025 = arith.constant 0 : i32
        %sign3A_1026 = arith.cmpi slt, %add3A_351, %sign3A_1025 : i32
        %sign3A_1027 = arith.extui %sign3A_1026 : i1 to i32
        %sign3A_1028 = arith.subi %sign3A_1024, %sign3A_1027 : i32
        %sign3A_1029 = arith.constant 0 : i32
        %sign3A_1030 = arith.cmpi sgt, %jit3A_1020, %sign3A_1029 : i32
        %sign3A_1031 = arith.extui %sign3A_1030 : i1 to i32
        %sign3A_1032 = arith.constant 0 : i32
        %sign3A_1033 = arith.cmpi slt, %jit3A_1020, %sign3A_1032 : i32
        %sign3A_1034 = arith.extui %sign3A_1033 : i1 to i32
        %sign3A_1035 = arith.subi %sign3A_1031, %sign3A_1034 : i32
        %ne3A_1036 = arith.cmpi ne, %sign3A_1028, %sign3A_1035 : i32
        %rem3A_1037 = arith.remsi %add3A_351, %jit3A_1020 : i32
        %ne3A_1038 = arith.constant 0 : i32
        %ne3A_1039 = arith.cmpi ne, %rem3A_1037, %ne3A_1038 : i32
        %and3A_1040 = arith.andi %ne3A_1036, %ne3A_1039 : i1
        %sub3A_1041 = arith.constant 1 : i32
        %sub3A_1042 = arith.subi %div3A_1021, %sub3A_1041 : i32
        %select_n3A_1043 = arith.select %and3A_1040, %sub3A_1042, %div3A_1021 : i32
        %mul3A_1044 = arith.constant 32 : i32
        %mul3A_1045 = arith.muli %select_n3A_1043, %mul3A_1044 : i32
        %gather3A_1046 = tpu.vector_load_idx %arg15[%add3A_52] : memref<32xf32, #tpu.memory_space<vmem>>[vector<16xi32>], vector<16xf32>,
        %swap3A_1047 = arith.index_cast %mul3A_1045 : i32 to index
        %swap3A_1048 = tpu.vector_load %arg16[%swap3A_1047] {strides = array<i32>} : memref<256xf32, #tpu.memory_space<vmem>>, vector<16xf32>,
        tpu.vector_store %arg16[%swap3A_1047], %gather3A_1046 {strides = array<i32>} : memref<256xf32, #tpu.memory_space<vmem>>, vector<16xf32>,
        %gather3A_1049 = tpu.vector_load_idx %arg15[%add3A_55] : memref<32xf32, #tpu.memory_space<vmem>>[vector<16xi32>], vector<16xf32>,
        %add3A_1050 = arith.constant 16 : i32
        %add3A_1051 = arith.addi %mul3A_1045, %add3A_1050 : i32
        %swap3A_1052 = arith.index_cast %add3A_1051 : i32 to index
        %swap3A_1053 = tpu.vector_load %arg16[%swap3A_1052] {strides = array<i32>} : memref<256xf32, #tpu.memory_space<vmem>>, vector<16xf32>,
        tpu.vector_store %arg16[%swap3A_1052], %gather3A_1049 {strides = array<i32>} : memref<256xf32, #tpu.memory_space<vmem>>, vector<16xf32>,
      } else {
      }
      %add3A_429 = arith.constant 1 : i32
      %add3A_430 = arith.addi %mul3A_273, %add3A_429 : i32
      %add3A_431 = arith.constant 2 : i32
      %add3A_432 = arith.addi %add3A_430, %add3A_431 : i32
      %min3A_433 = arith.constant 127 : i32
      %min3A_434 = arith.minsi %add3A_432, %min3A_433 : i32
      %mul3A_435 = arith.constant 200 : i32
      %mul3A_436 = arith.muli %min3A_434, %mul3A_435 : i32
      %add3A_437 = arith.constant 0 : i32
      %add3A_438 = arith.addi %mul3A_436, %add3A_437 : i32
      %dma_start3A_439 = arith.constant 0 : i32
      %dma_start3A_440 = arith.constant 0 : i32
      %dma_start3A_441 = tpu.memref_slice %arg8[%dma_start3A_439, %dma_start3A_440] : memref<200x128xf32, #tpu.memory_space<vmem>> -> memref<56x128xf32, #tpu.memory_space<vmem>>
      %dma_start3A_442 = tpu.memref_slice %arg7[%add3A_438] : memref<25600xi32, #tpu.memory_space<vmem>> -> memref<56xi32, #tpu.memory_space<vmem>>
      %dma_start3A_443 = arith.constant 0 : i32
      %dma_start3A_444 = arith.constant 0 : i32
      %dma_start3A_445 = tpu.memref_slice %arg3[%dma_start3A_443, %dma_start3A_444] : memref<1000000x128xf32, #tpu.memory_space<hbm>> -> memref<1000000x128xf32, #tpu.memory_space<hbm>>
      tpu.enqueue_indirect_dma source(%dma_start3A_445 : memref<1000000x128xf32, #tpu.memory_space<hbm>>) target(%dma_start3A_441 : memref<56x128xf32, #tpu.memory_space<vmem>>) offsets(%dma_start3A_442 : memref<56xi32, #tpu.memory_space<vmem>>) semaphore(%arg17 : memref<!tpu.dma_semaphore, #tpu.memory_space<semaphore_mem>>)
      %add3A_446 = arith.constant 56 : i32
      %add3A_447 = arith.addi %mul3A_436, %add3A_446 : i32
      %dma_start3A_448 = arith.constant 56 : i32
      %dma_start3A_449 = arith.constant 0 : i32
      %dma_start3A_450 = tpu.memref_slice %arg8[%dma_start3A_448, %dma_start3A_449] : memref<200x128xf32, #tpu.memory_space<vmem>> -> memref<48x128xf32, #tpu.memory_space<vmem>>
      %dma_start3A_451 = tpu.memref_slice %arg7[%add3A_447] : memref<25600xi32, #tpu.memory_space<vmem>> -> memref<48xi32, #tpu.memory_space<vmem>>
      %dma_start3A_452 = arith.constant 0 : i32
      %dma_start3A_453 = arith.constant 0 : i32
      %dma_start3A_454 = tpu.memref_slice %arg3[%dma_start3A_452, %dma_start3A_453] : memref<1000000x128xf32, #tpu.memory_space<hbm>> -> memref<1000000x128xf32, #tpu.memory_space<hbm>>
      tpu.enqueue_indirect_dma source(%dma_start3A_454 : memref<1000000x128xf32, #tpu.memory_space<hbm>>) target(%dma_start3A_450 : memref<48x128xf32, #tpu.memory_space<vmem>>) offsets(%dma_start3A_451 : memref<48xi32, #tpu.memory_space<vmem>>) semaphore(%arg17 : memref<!tpu.dma_semaphore, #tpu.memory_space<semaphore_mem>>)
      %add3A_455 = arith.constant 104 : i32
      %add3A_456 = arith.addi %mul3A_436, %add3A_455 : i32
      %dma_start3A_457 = arith.constant 104 : i32
      %dma_start3A_458 = arith.constant 0 : i32
      %dma_start3A_459 = tpu.memref_slice %arg8[%dma_start3A_457, %dma_start3A_458] : memref<200x128xf32, #tpu.memory_space<vmem>> -> memref<48x128xf32, #tpu.memory_space<vmem>>
      %dma_start3A_460 = tpu.memref_slice %arg7[%add3A_456] : memref<25600xi32, #tpu.memory_space<vmem>> -> memref<48xi32, #tpu.memory_space<vmem>>
      %dma_start3A_461 = arith.constant 0 : i32
      %dma_start3A_462 = arith.constant 0 : i32
      %dma_start3A_463 = tpu.memref_slice %arg3[%dma_start3A_461, %dma_start3A_462] : memref<1000000x128xf32, #tpu.memory_space<hbm>> -> memref<1000000x128xf32, #tpu.memory_space<hbm>>
      tpu.enqueue_indirect_dma source(%dma_start3A_463 : memref<1000000x128xf32, #tpu.memory_space<hbm>>) target(%dma_start3A_459 : memref<48x128xf32, #tpu.memory_space<vmem>>) offsets(%dma_start3A_460 : memref<48xi32, #tpu.memory_space<vmem>>) semaphore(%arg17 : memref<!tpu.dma_semaphore, #tpu.memory_space<semaphore_mem>>)
      %add3A_464 = arith.constant 152 : i32
      %add3A_465 = arith.addi %mul3A_436, %add3A_464 : i32
      %dma_start3A_466 = arith.constant 152 : i32
      %dma_start3A_467 = arith.constant 0 : i32
      %dma_start3A_468 = tpu.memref_slice %arg8[%dma_start3A_466, %dma_start3A_467] : memref<200x128xf32, #tpu.memory_space<vmem>> -> memref<48x128xf32, #tpu.memory_space<vmem>>
      %dma_start3A_469 = tpu.memref_slice %arg7[%add3A_465] : memref<25600xi32, #tpu.memory_space<vmem>> -> memref<48xi32, #tpu.memory_space<vmem>>
      %dma_start3A_470 = arith.constant 0 : i32
      %dma_start3A_471 = arith.constant 0 : i32
      %dma_start3A_472 = tpu.memref_slice %arg3[%dma_start3A_470, %dma_start3A_471] : memref<1000000x128xf32, #tpu.memory_space<hbm>> -> memref<1000000x128xf32, #tpu.memory_space<hbm>>
      tpu.enqueue_indirect_dma source(%dma_start3A_472 : memref<1000000x128xf32, #tpu.memory_space<hbm>>) target(%dma_start3A_468 : memref<48x128xf32, #tpu.memory_space<vmem>>) offsets(%dma_start3A_469 : memref<48xi32, #tpu.memory_space<vmem>>) semaphore(%arg17 : memref<!tpu.dma_semaphore, #tpu.memory_space<semaphore_mem>>)
      %dma_wait3A_473 = arith.constant 0 : i32
      %dma_wait3A_474 = arith.constant 0 : i32
      %dma_wait3A_475 = tpu.memref_slice %arg9[%dma_wait3A_473, %dma_wait3A_474] : memref<200x128xf32, #tpu.memory_space<vmem>> -> memref<56x128xf32, #tpu.memory_space<vmem>>
      %dma_wait3A_476 = arith.constant 0 : i32
      %dma_wait3A_477 = tpu.memref_slice %arg7[%dma_wait3A_476] : memref<25600xi32, #tpu.memory_space<vmem>> -> memref<56xi32, #tpu.memory_space<vmem>>
      %dma_wait3A_478 = arith.constant 0 : i32
      %dma_wait3A_479 = arith.constant 0 : i32
      %dma_wait3A_480 = tpu.memref_slice %arg3[%dma_wait3A_478, %dma_wait3A_479] : memref<1000000x128xf32, #tpu.memory_space<hbm>> -> memref<1000000x128xf32, #tpu.memory_space<hbm>>
      tpu.wait_indirect_dma semaphore(%arg18 : memref<!tpu.dma_semaphore, #tpu.memory_space<semaphore_mem>>) src(%dma_wait3A_480 : memref<1000000x128xf32, #tpu.memory_space<hbm>>) dst(%dma_wait3A_475 : memref<56x128xf32, #tpu.memory_space<vmem>>)
      %dma_wait3A_481 = arith.constant 56 : i32
      %dma_wait3A_482 = arith.constant 0 : i32
      %dma_wait3A_483 = tpu.memref_slice %arg9[%dma_wait3A_481, %dma_wait3A_482] : memref<200x128xf32, #tpu.memory_space<vmem>> -> memref<48x128xf32, #tpu.memory_space<vmem>>
      %dma_wait3A_484 = arith.constant 0 : i32
      %dma_wait3A_485 = tpu.memref_slice %arg7[%dma_wait3A_484] : memref<25600xi32, #tpu.memory_space<vmem>> -> memref<48xi32, #tpu.memory_space<vmem>>
      %dma_wait3A_486 = arith.constant 0 : i32
      %dma_wait3A_487 = arith.constant 0 : i32
      %dma_wait3A_488 = tpu.memref_slice %arg3[%dma_wait3A_486, %dma_wait3A_487] : memref<1000000x128xf32, #tpu.memory_space<hbm>> -> memref<1000000x128xf32, #tpu.memory_space<hbm>>
      tpu.wait_indirect_dma semaphore(%arg18 : memref<!tpu.dma_semaphore, #tpu.memory_space<semaphore_mem>>) src(%dma_wait3A_488 : memref<1000000x128xf32, #tpu.memory_space<hbm>>) dst(%dma_wait3A_483 : memref<48x128xf32, #tpu.memory_space<vmem>>)
      %dma_wait3A_489 = arith.constant 104 : i32
      %dma_wait3A_490 = arith.constant 0 : i32
      %dma_wait3A_491 = tpu.memref_slice %arg9[%dma_wait3A_489, %dma_wait3A_490] : memref<200x128xf32, #tpu.memory_space<vmem>> -> memref<48x128xf32, #tpu.memory_space<vmem>>
      %dma_wait3A_492 = arith.constant 0 : i32
      %dma_wait3A_493 = tpu.memref_slice %arg7[%dma_wait3A_492] : memref<25600xi32, #tpu.memory_space<vmem>> -> memref<48xi32, #tpu.memory_space<vmem>>
      %dma_wait3A_494 = arith.constant 0 : i32
      %dma_wait3A_495 = arith.constant 0 : i32
      %dma_wait3A_496 = tpu.memref_slice %arg3[%dma_wait3A_494, %dma_wait3A_495] : memref<1000000x128xf32, #tpu.memory_space<hbm>> -> memref<1000000x128xf32, #tpu.memory_space<hbm>>
      tpu.wait_indirect_dma semaphore(%arg18 : memref<!tpu.dma_semaphore, #tpu.memory_space<semaphore_mem>>) src(%dma_wait3A_496 : memref<1000000x128xf32, #tpu.memory_space<hbm>>) dst(%dma_wait3A_491 : memref<48x128xf32, #tpu.memory_space<vmem>>)
      %dma_wait3A_497 = arith.constant 152 : i32
      %dma_wait3A_498 = arith.constant 0 : i32
      %dma_wait3A_499 = tpu.memref_slice %arg9[%dma_wait3A_497, %dma_wait3A_498] : memref<200x128xf32, #tpu.memory_space<vmem>> -> memref<48x128xf32, #tpu.memory_space<vmem>>
      %dma_wait3A_500 = arith.constant 0 : i32
      %dma_wait3A_501 = tpu.memref_slice %arg7[%dma_wait3A_500] : memref<25600xi32, #tpu.memory_space<vmem>> -> memref<48xi32, #tpu.memory_space<vmem>>
      %dma_wait3A_502 = arith.constant 0 : i32
      %dma_wait3A_503 = arith.constant 0 : i32
      %dma_wait3A_504 = tpu.memref_slice %arg3[%dma_wait3A_502, %dma_wait3A_503] : memref<1000000x128xf32, #tpu.memory_space<hbm>> -> memref<1000000x128xf32, #tpu.memory_space<hbm>>
      tpu.wait_indirect_dma semaphore(%arg18 : memref<!tpu.dma_semaphore, #tpu.memory_space<semaphore_mem>>) src(%dma_wait3A_504 : memref<1000000x128xf32, #tpu.memory_space<hbm>>) dst(%dma_wait3A_499 : memref<48x128xf32, #tpu.memory_space<vmem>>)
      %add3A_505 = arith.constant 1 : i32
      %add3A_506 = arith.addi %mul3A_273, %add3A_505 : i32
      %broadcast_in_dim3A_507 = arith.constant 0.000000e+00 : f32
      %broadcast_in_dim3A_508 = vector.broadcast %broadcast_in_dim3A_507 : f32 to vector<16xf32>
      %broadcast_in_dim3A_509 = arith.constant 0.000000e+00 : f32
      %broadcast_in_dim3A_510 = vector.broadcast %broadcast_in_dim3A_509 : f32 to vector<16xf32>
      %broadcast_in_dim3A_511 = arith.constant 0.000000e+00 : f32
      %broadcast_in_dim3A_512 = vector.broadcast %broadcast_in_dim3A_511 : f32 to vector<16xf32>
      %broadcast_in_dim3A_513 = arith.constant 0.000000e+00 : f32
      %broadcast_in_dim3A_514 = vector.broadcast %broadcast_in_dim3A_513 : f32 to vector<16xf32>
      %broadcast_in_dim3A_515 = arith.constant 0.000000e+00 : f32
      %broadcast_in_dim3A_516 = vector.broadcast %broadcast_in_dim3A_515 : f32 to vector<16xf32>
      %broadcast_in_dim3A_517 = arith.constant 0.000000e+00 : f32
      %broadcast_in_dim3A_518 = vector.broadcast %broadcast_in_dim3A_517 : f32 to vector<16xf32>
      %broadcast_in_dim3A_519 = arith.constant 0.000000e+00 : f32
      %broadcast_in_dim3A_520 = vector.broadcast %broadcast_in_dim3A_519 : f32 to vector<16xf32>
      %broadcast_in_dim3A_521 = arith.constant 0.000000e+00 : f32
      %broadcast_in_dim3A_522 = vector.broadcast %broadcast_in_dim3A_521 : f32 to vector<16xf32>
      %scan3A_523 = arith.constant 0 : i32
      %scan3A_524 = arith.constant 200 : i32
      %scan3A_525 = arith.addi %scan3A_523, %scan3A_524 : i32
      %scan3A_526 = arith.constant 8 : i32
      %scan3A_527:8 = scf.for %scan3A_747 = %scan3A_523 to %scan3A_525 step %scan3A_526 iter_args(%scan3A_748 = %broadcast_in_dim3A_508, %scan3A_749 = %broadcast_in_dim3A_510, %scan3A_750 = %broadcast_in_dim3A_512, %scan3A_751 = %broadcast_in_dim3A_514, %scan3A_752 = %broadcast_in_dim3A_516, %scan3A_753 = %broadcast_in_dim3A_518, %scan3A_754 = %broadcast_in_dim3A_520, %scan3A_755 = %broadcast_in_dim3A_522) -> (vector<16xf32>, vector<16xf32>, vector<16xf32>, vector<16xf32>, vector<16xf32>, vector<16xf32>, vector<16xf32>, vector<16xf32>)  : i32 {
        %get3A_756 = arith.index_cast %scan3A_747 : i32 to index
        %get3A_757 = arith.constant 0 : index
        %get3A_758 = tpu.vector_load %arg9[%get3A_756, %get3A_757] {strides = array<i32>} : memref<200x128xf32, #tpu.memory_space<vmem>>, vector<16xf32>,
        %add3A_759 = arith.addf %scan3A_748, %get3A_758 : vector<16xf32>
        %get3A_760 = arith.index_cast %scan3A_747 : i32 to index
        %get3A_761 = arith.constant 16 : index
        %get3A_762 = tpu.vector_load %arg9[%get3A_760, %get3A_761] {strides = array<i32>} : memref<200x128xf32, #tpu.memory_space<vmem>>, vector<16xf32>,
        %add3A_763 = arith.addf %scan3A_749, %get3A_762 : vector<16xf32>
        %get3A_764 = arith.index_cast %scan3A_747 : i32 to index
        %get3A_765 = arith.constant 32 : index
        %get3A_766 = tpu.vector_load %arg9[%get3A_764, %get3A_765] {strides = array<i32>} : memref<200x128xf32, #tpu.memory_space<vmem>>, vector<16xf32>,
        %add3A_767 = arith.addf %scan3A_750, %get3A_766 : vector<16xf32>
        %get3A_768 = arith.index_cast %scan3A_747 : i32 to index
        %get3A_769 = arith.constant 48 : index
        %get3A_770 = tpu.vector_load %arg9[%get3A_768, %get3A_769] {strides = array<i32>} : memref<200x128xf32, #tpu.memory_space<vmem>>, vector<16xf32>,
        %add3A_771 = arith.addf %scan3A_751, %get3A_770 : vector<16xf32>
        %get3A_772 = arith.index_cast %scan3A_747 : i32 to index
        %get3A_773 = arith.constant 64 : index
        %get3A_774 = tpu.vector_load %arg9[%get3A_772, %get3A_773] {strides = array<i32>} : memref<200x128xf32, #tpu.memory_space<vmem>>, vector<16xf32>,
        %add3A_775 = arith.addf %scan3A_752, %get3A_774 : vector<16xf32>
        %get3A_776 = arith.index_cast %scan3A_747 : i32 to index
        %get3A_777 = arith.constant 80 : index
        %get3A_778 = tpu.vector_load %arg9[%get3A_776, %get3A_777] {strides = array<i32>} : memref<200x128xf32, #tpu.memory_space<vmem>>, vector<16xf32>,
        %add3A_779 = arith.addf %scan3A_753, %get3A_778 : vector<16xf32>
        %get3A_780 = arith.index_cast %scan3A_747 : i32 to index
        %get3A_781 = arith.constant 96 : index
        %get3A_782 = tpu.vector_load %arg9[%get3A_780, %get3A_781] {strides = array<i32>} : memref<200x128xf32, #tpu.memory_space<vmem>>, vector<16xf32>,
        %add3A_783 = arith.addf %scan3A_754, %get3A_782 : vector<16xf32>
        %get3A_784 = arith.index_cast %scan3A_747 : i32 to index
        %get3A_785 = arith.constant 112 : index
        %get3A_786 = tpu.vector_load %arg9[%get3A_784, %get3A_785] {strides = array<i32>} : memref<200x128xf32, #tpu.memory_space<vmem>>, vector<16xf32>,
        %add3A_787 = arith.addf %scan3A_755, %get3A_786 : vector<16xf32>
        %scan3A_788 = arith.constant 1 : i32
        %scan3A_789 = arith.addi %scan3A_747, %scan3A_788 : i32
        %get3A_790 = arith.index_cast %scan3A_789 : i32 to index
        %get3A_791 = arith.constant 0 : index
        %get3A_792 = tpu.vector_load %arg9[%get3A_790, %get3A_791] {strides = array<i32>} : memref<200x128xf32, #tpu.memory_space<vmem>>, vector<16xf32>,
        %add3A_793 = arith.addf %add3A_759, %get3A_792 : vector<16xf32>
        %get3A_794 = arith.index_cast %scan3A_789 : i32 to index
        %get3A_795 = arith.constant 16 : index
        %get3A_796 = tpu.vector_load %arg9[%get3A_794, %get3A_795] {strides = array<i32>} : memref<200x128xf32, #tpu.memory_space<vmem>>, vector<16xf32>,
        %add3A_797 = arith.addf %add3A_763, %get3A_796 : vector<16xf32>
        %get3A_798 = arith.index_cast %scan3A_789 : i32 to index
        %get3A_799 = arith.constant 32 : index
        %get3A_800 = tpu.vector_load %arg9[%get3A_798, %get3A_799] {strides = array<i32>} : memref<200x128xf32, #tpu.memory_space<vmem>>, vector<16xf32>,
        %add3A_801 = arith.addf %add3A_767, %get3A_800 : vector<16xf32>
        %get3A_802 = arith.index_cast %scan3A_789 : i32 to index
        %get3A_803 = arith.constant 48 : index
        %get3A_804 = tpu.vector_load %arg9[%get3A_802, %get3A_803] {strides = array<i32>} : memref<200x128xf32, #tpu.memory_space<vmem>>, vector<16xf32>,
        %add3A_805 = arith.addf %add3A_771, %get3A_804 : vector<16xf32>
        %get3A_806 = arith.index_cast %scan3A_789 : i32 to index
        %get3A_807 = arith.constant 64 : index
        %get3A_808 = tpu.vector_load %arg9[%get3A_806, %get3A_807] {strides = array<i32>} : memref<200x128xf32, #tpu.memory_space<vmem>>, vector<16xf32>,
        %add3A_809 = arith.addf %add3A_775, %get3A_808 : vector<16xf32>
        %get3A_810 = arith.index_cast %scan3A_789 : i32 to index
        %get3A_811 = arith.constant 80 : index
        %get3A_812 = tpu.vector_load %arg9[%get3A_810, %get3A_811] {strides = array<i32>} : memref<200x128xf32, #tpu.memory_space<vmem>>, vector<16xf32>,
        %add3A_813 = arith.addf %add3A_779, %get3A_812 : vector<16xf32>
        %get3A_814 = arith.index_cast %scan3A_789 : i32 to index
        %get3A_815 = arith.constant 96 : index
        %get3A_816 = tpu.vector_load %arg9[%get3A_814, %get3A_815] {strides = array<i32>} : memref<200x128xf32, #tpu.memory_space<vmem>>, vector<16xf32>,
        %add3A_817 = arith.addf %add3A_783, %get3A_816 : vector<16xf32>
        %get3A_818 = arith.index_cast %scan3A_789 : i32 to index
        %get3A_819 = arith.constant 112 : index
        %get3A_820 = tpu.vector_load %arg9[%get3A_818, %get3A_819] {strides = array<i32>} : memref<200x128xf32, #tpu.memory_space<vmem>>, vector<16xf32>,
        %add3A_821 = arith.addf %add3A_787, %get3A_820 : vector<16xf32>
        %scan3A_822 = arith.constant 2 : i32
        %scan3A_823 = arith.addi %scan3A_747, %scan3A_822 : i32
        %get3A_824 = arith.index_cast %scan3A_823 : i32 to index
        %get3A_825 = arith.constant 0 : index
        %get3A_826 = tpu.vector_load %arg9[%get3A_824, %get3A_825] {strides = array<i32>} : memref<200x128xf32, #tpu.memory_space<vmem>>, vector<16xf32>,
        %add3A_827 = arith.addf %add3A_793, %get3A_826 : vector<16xf32>
        %get3A_828 = arith.index_cast %scan3A_823 : i32 to index
        %get3A_829 = arith.constant 16 : index
        %get3A_830 = tpu.vector_load %arg9[%get3A_828, %get3A_829] {strides = array<i32>} : memref<200x128xf32, #tpu.memory_space<vmem>>, vector<16xf32>,
        %add3A_831 = arith.addf %add3A_797, %get3A_830 : vector<16xf32>
        %get3A_832 = arith.index_cast %scan3A_823 : i32 to index
        %get3A_833 = arith.constant 32 : index
        %get3A_834 = tpu.vector_load %arg9[%get3A_832, %get3A_833] {strides = array<i32>} : memref<200x128xf32, #tpu.memory_space<vmem>>, vector<16xf32>,
        %add3A_835 = arith.addf %add3A_801, %get3A_834 : vector<16xf32>
        %get3A_836 = arith.index_cast %scan3A_823 : i32 to index
        %get3A_837 = arith.constant 48 : index
        %get3A_838 = tpu.vector_load %arg9[%get3A_836, %get3A_837] {strides = array<i32>} : memref<200x128xf32, #tpu.memory_space<vmem>>, vector<16xf32>,
        %add3A_839 = arith.addf %add3A_805, %get3A_838 : vector<16xf32>
        %get3A_840 = arith.index_cast %scan3A_823 : i32 to index
        %get3A_841 = arith.constant 64 : index
        %get3A_842 = tpu.vector_load %arg9[%get3A_840, %get3A_841] {strides = array<i32>} : memref<200x128xf32, #tpu.memory_space<vmem>>, vector<16xf32>,
        %add3A_843 = arith.addf %add3A_809, %get3A_842 : vector<16xf32>
        %get3A_844 = arith.index_cast %scan3A_823 : i32 to index
        %get3A_845 = arith.constant 80 : index
        %get3A_846 = tpu.vector_load %arg9[%get3A_844, %get3A_845] {strides = array<i32>} : memref<200x128xf32, #tpu.memory_space<vmem>>, vector<16xf32>,
        %add3A_847 = arith.addf %add3A_813, %get3A_846 : vector<16xf32>
        %get3A_848 = arith.index_cast %scan3A_823 : i32 to index
        %get3A_849 = arith.constant 96 : index
        %get3A_850 = tpu.vector_load %arg9[%get3A_848, %get3A_849] {strides = array<i32>} : memref<200x128xf32, #tpu.memory_space<vmem>>, vector<16xf32>,
        %add3A_851 = arith.addf %add3A_817, %get3A_850 : vector<16xf32>
        %get3A_852 = arith.index_cast %scan3A_823 : i32 to index
        %get3A_853 = arith.constant 112 : index
        %get3A_854 = tpu.vector_load %arg9[%get3A_852, %get3A_853] {strides = array<i32>} : memref<200x128xf32, #tpu.memory_space<vmem>>, vector<16xf32>,
        %add3A_855 = arith.addf %add3A_821, %get3A_854 : vector<16xf32>
        %scan3A_856 = arith.constant 3 : i32
        %scan3A_857 = arith.addi %scan3A_747, %scan3A_856 : i32
        %get3A_858 = arith.index_cast %scan3A_857 : i32 to index
        %get3A_859 = arith.constant 0 : index
        %get3A_860 = tpu.vector_load %arg9[%get3A_858, %get3A_859] {strides = array<i32>} : memref<200x128xf32, #tpu.memory_space<vmem>>, vector<16xf32>,
        %add3A_861 = arith.addf %add3A_827, %get3A_860 : vector<16xf32>
        %get3A_862 = arith.index_cast %scan3A_857 : i32 to index
        %get3A_863 = arith.constant 16 : index
        %get3A_864 = tpu.vector_load %arg9[%get3A_862, %get3A_863] {strides = array<i32>} : memref<200x128xf32, #tpu.memory_space<vmem>>, vector<16xf32>,
        %add3A_865 = arith.addf %add3A_831, %get3A_864 : vector<16xf32>
        %get3A_866 = arith.index_cast %scan3A_857 : i32 to index
        %get3A_867 = arith.constant 32 : index
        %get3A_868 = tpu.vector_load %arg9[%get3A_866, %get3A_867] {strides = array<i32>} : memref<200x128xf32, #tpu.memory_space<vmem>>, vector<16xf32>,
        %add3A_869 = arith.addf %add3A_835, %get3A_868 : vector<16xf32>
        %get3A_870 = arith.index_cast %scan3A_857 : i32 to index
        %get3A_871 = arith.constant 48 : index
        %get3A_872 = tpu.vector_load %arg9[%get3A_870, %get3A_871] {strides = array<i32>} : memref<200x128xf32, #tpu.memory_space<vmem>>, vector<16xf32>,
        %add3A_873 = arith.addf %add3A_839, %get3A_872 : vector<16xf32>
        %get3A_874 = arith.index_cast %scan3A_857 : i32 to index
        %get3A_875 = arith.constant 64 : index
        %get3A_876 = tpu.vector_load %arg9[%get3A_874, %get3A_875] {strides = array<i32>} : memref<200x128xf32, #tpu.memory_space<vmem>>, vector<16xf32>,
        %add3A_877 = arith.addf %add3A_843, %get3A_876 : vector<16xf32>
        %get3A_878 = arith.index_cast %scan3A_857 : i32 to index
        %get3A_879 = arith.constant 80 : index
        %get3A_880 = tpu.vector_load %arg9[%get3A_878, %get3A_879] {strides = array<i32>} : memref<200x128xf32, #tpu.memory_space<vmem>>, vector<16xf32>,
        %add3A_881 = arith.addf %add3A_847, %get3A_880 : vector<16xf32>
        %get3A_882 = arith.index_cast %scan3A_857 : i32 to index
        %get3A_883 = arith.constant 96 : index
        %get3A_884 = tpu.vector_load %arg9[%get3A_882, %get3A_883] {strides = array<i32>} : memref<200x128xf32, #tpu.memory_space<vmem>>, vector<16xf32>,
        %add3A_885 = arith.addf %add3A_851, %get3A_884 : vector<16xf32>
        %get3A_886 = arith.index_cast %scan3A_857 : i32 to index
        %get3A_887 = arith.constant 112 : index
        %get3A_888 = tpu.vector_load %arg9[%get3A_886, %get3A_887] {strides = array<i32>} : memref<200x128xf32, #tpu.memory_space<vmem>>, vector<16xf32>,
        %add3A_889 = arith.addf %add3A_855, %get3A_888 : vector<16xf32>
        %scan3A_890 = arith.constant 4 : i32
        %scan3A_891 = arith.addi %scan3A_747, %scan3A_890 : i32
        %get3A_892 = arith.index_cast %scan3A_891 : i32 to index
        %get3A_893 = arith.constant 0 : index
        %get3A_894 = tpu.vector_load %arg9[%get3A_892, %get3A_893] {strides = array<i32>} : memref<200x128xf32, #tpu.memory_space<vmem>>, vector<16xf32>,
        %add3A_895 = arith.addf %add3A_861, %get3A_894 : vector<16xf32>
        %get3A_896 = arith.index_cast %scan3A_891 : i32 to index
        %get3A_897 = arith.constant 16 : index
        %get3A_898 = tpu.vector_load %arg9[%get3A_896, %get3A_897] {strides = array<i32>} : memref<200x128xf32, #tpu.memory_space<vmem>>, vector<16xf32>,
        %add3A_899 = arith.addf %add3A_865, %get3A_898 : vector<16xf32>
        %get3A_900 = arith.index_cast %scan3A_891 : i32 to index
        %get3A_901 = arith.constant 32 : index
        %get3A_902 = tpu.vector_load %arg9[%get3A_900, %get3A_901] {strides = array<i32>} : memref<200x128xf32, #tpu.memory_space<vmem>>, vector<16xf32>,
        %add3A_903 = arith.addf %add3A_869, %get3A_902 : vector<16xf32>
        %get3A_904 = arith.index_cast %scan3A_891 : i32 to index
        %get3A_905 = arith.constant 48 : index
        %get3A_906 = tpu.vector_load %arg9[%get3A_904, %get3A_905] {strides = array<i32>} : memref<200x128xf32, #tpu.memory_space<vmem>>, vector<16xf32>,
        %add3A_907 = arith.addf %add3A_873, %get3A_906 : vector<16xf32>
        %get3A_908 = arith.index_cast %scan3A_891 : i32 to index
        %get3A_909 = arith.constant 64 : index
        %get3A_910 = tpu.vector_load %arg9[%get3A_908, %get3A_909] {strides = array<i32>} : memref<200x128xf32, #tpu.memory_space<vmem>>, vector<16xf32>,
        %add3A_911 = arith.addf %add3A_877, %get3A_910 : vector<16xf32>
        %get3A_912 = arith.index_cast %scan3A_891 : i32 to index
        %get3A_913 = arith.constant 80 : index
        %get3A_914 = tpu.vector_load %arg9[%get3A_912, %get3A_913] {strides = array<i32>} : memref<200x128xf32, #tpu.memory_space<vmem>>, vector<16xf32>,
        %add3A_915 = arith.addf %add3A_881, %get3A_914 : vector<16xf32>
        %get3A_916 = arith.index_cast %scan3A_891 : i32 to index
        %get3A_917 = arith.constant 96 : index
        %get3A_918 = tpu.vector_load %arg9[%get3A_916, %get3A_917] {strides = array<i32>} : memref<200x128xf32, #tpu.memory_space<vmem>>, vector<16xf32>,
        %add3A_919 = arith.addf %add3A_885, %get3A_918 : vector<16xf32>
        %get3A_920 = arith.index_cast %scan3A_891 : i32 to index
        %get3A_921 = arith.constant 112 : index
        %get3A_922 = tpu.vector_load %arg9[%get3A_920, %get3A_921] {strides = array<i32>} : memref<200x128xf32, #tpu.memory_space<vmem>>, vector<16xf32>,
        %add3A_923 = arith.addf %add3A_889, %get3A_922 : vector<16xf32>
        %scan3A_924 = arith.constant 5 : i32
        %scan3A_925 = arith.addi %scan3A_747, %scan3A_924 : i32
        %get3A_926 = arith.index_cast %scan3A_925 : i32 to index
        %get3A_927 = arith.constant 0 : index
        %get3A_928 = tpu.vector_load %arg9[%get3A_926, %get3A_927] {strides = array<i32>} : memref<200x128xf32, #tpu.memory_space<vmem>>, vector<16xf32>,
        %add3A_929 = arith.addf %add3A_895, %get3A_928 : vector<16xf32>
        %get3A_930 = arith.index_cast %scan3A_925 : i32 to index
        %get3A_931 = arith.constant 16 : index
        %get3A_932 = tpu.vector_load %arg9[%get3A_930, %get3A_931] {strides = array<i32>} : memref<200x128xf32, #tpu.memory_space<vmem>>, vector<16xf32>,
        %add3A_933 = arith.addf %add3A_899, %get3A_932 : vector<16xf32>
        %get3A_934 = arith.index_cast %scan3A_925 : i32 to index
        %get3A_935 = arith.constant 32 : index
        %get3A_936 = tpu.vector_load %arg9[%get3A_934, %get3A_935] {strides = array<i32>} : memref<200x128xf32, #tpu.memory_space<vmem>>, vector<16xf32>,
        %add3A_937 = arith.addf %add3A_903, %get3A_936 : vector<16xf32>
        %get3A_938 = arith.index_cast %scan3A_925 : i32 to index
        %get3A_939 = arith.constant 48 : index
        %get3A_940 = tpu.vector_load %arg9[%get3A_938, %get3A_939] {strides = array<i32>} : memref<200x128xf32, #tpu.memory_space<vmem>>, vector<16xf32>,
        %add3A_941 = arith.addf %add3A_907, %get3A_940 : vector<16xf32>
        %get3A_942 = arith.index_cast %scan3A_925 : i32 to index
        %get3A_943 = arith.constant 64 : index
        %get3A_944 = tpu.vector_load %arg9[%get3A_942, %get3A_943] {strides = array<i32>} : memref<200x128xf32, #tpu.memory_space<vmem>>, vector<16xf32>,
        %add3A_945 = arith.addf %add3A_911, %get3A_944 : vector<16xf32>
        %get3A_946 = arith.index_cast %scan3A_925 : i32 to index
        %get3A_947 = arith.constant 80 : index
        %get3A_948 = tpu.vector_load %arg9[%get3A_946, %get3A_947] {strides = array<i32>} : memref<200x128xf32, #tpu.memory_space<vmem>>, vector<16xf32>,
        %add3A_949 = arith.addf %add3A_915, %get3A_948 : vector<16xf32>
        %get3A_950 = arith.index_cast %scan3A_925 : i32 to index
        %get3A_951 = arith.constant 96 : index
        %get3A_952 = tpu.vector_load %arg9[%get3A_950, %get3A_951] {strides = array<i32>} : memref<200x128xf32, #tpu.memory_space<vmem>>, vector<16xf32>,
        %add3A_953 = arith.addf %add3A_919, %get3A_952 : vector<16xf32>
        %get3A_954 = arith.index_cast %scan3A_925 : i32 to index
        %get3A_955 = arith.constant 112 : index
        %get3A_956 = tpu.vector_load %arg9[%get3A_954, %get3A_955] {strides = array<i32>} : memref<200x128xf32, #tpu.memory_space<vmem>>, vector<16xf32>,
        %add3A_957 = arith.addf %add3A_923, %get3A_956 : vector<16xf32>
        %scan3A_958 = arith.constant 6 : i32
        %scan3A_959 = arith.addi %scan3A_747, %scan3A_958 : i32
        %get3A_960 = arith.index_cast %scan3A_959 : i32 to index
        %get3A_961 = arith.constant 0 : index
        %get3A_962 = tpu.vector_load %arg9[%get3A_960, %get3A_961] {strides = array<i32>} : memref<200x128xf32, #tpu.memory_space<vmem>>, vector<16xf32>,
        %add3A_963 = arith.addf %add3A_929, %get3A_962 : vector<16xf32>
        %get3A_964 = arith.index_cast %scan3A_959 : i32 to index
        %get3A_965 = arith.constant 16 : index
        %get3A_966 = tpu.vector_load %arg9[%get3A_964, %get3A_965] {strides = array<i32>} : memref<200x128xf32, #tpu.memory_space<vmem>>, vector<16xf32>,
        %add3A_967 = arith.addf %add3A_933, %get3A_966 : vector<16xf32>
        %get3A_968 = arith.index_cast %scan3A_959 : i32 to index
        %get3A_969 = arith.constant 32 : index
        %get3A_970 = tpu.vector_load %arg9[%get3A_968, %get3A_969] {strides = array<i32>} : memref<200x128xf32, #tpu.memory_space<vmem>>, vector<16xf32>,
        %add3A_971 = arith.addf %add3A_937, %get3A_970 : vector<16xf32>
        %get3A_972 = arith.index_cast %scan3A_959 : i32 to index
        %get3A_973 = arith.constant 48 : index
        %get3A_974 = tpu.vector_load %arg9[%get3A_972, %get3A_973] {strides = array<i32>} : memref<200x128xf32, #tpu.memory_space<vmem>>, vector<16xf32>,
        %add3A_975 = arith.addf %add3A_941, %get3A_974 : vector<16xf32>
        %get3A_976 = arith.index_cast %scan3A_959 : i32 to index
        %get3A_977 = arith.constant 64 : index
        %get3A_978 = tpu.vector_load %arg9[%get3A_976, %get3A_977] {strides = array<i32>} : memref<200x128xf32, #tpu.memory_space<vmem>>, vector<16xf32>,
        %add3A_979 = arith.addf %add3A_945, %get3A_978 : vector<16xf32>
        %get3A_980 = arith.index_cast %scan3A_959 : i32 to index
        %get3A_981 = arith.constant 80 : index
        %get3A_982 = tpu.vector_load %arg9[%get3A_980, %get3A_981] {strides = array<i32>} : memref<200x128xf32, #tpu.memory_space<vmem>>, vector<16xf32>,
        %add3A_983 = arith.addf %add3A_949, %get3A_982 : vector<16xf32>
        %get3A_984 = arith.index_cast %scan3A_959 : i32 to index
        %get3A_985 = arith.constant 96 : index
        %get3A_986 = tpu.vector_load %arg9[%get3A_984, %get3A_985] {strides = array<i32>} : memref<200x128xf32, #tpu.memory_space<vmem>>, vector<16xf32>,
        %add3A_987 = arith.addf %add3A_953, %get3A_986 : vector<16xf32>
        %get3A_988 = arith.index_cast %scan3A_959 : i32 to index
        %get3A_989 = arith.constant 112 : index
        %get3A_990 = tpu.vector_load %arg9[%get3A_988, %get3A_989] {strides = array<i32>} : memref<200x128xf32, #tpu.memory_space<vmem>>, vector<16xf32>,
        %add3A_991 = arith.addf %add3A_957, %get3A_990 : vector<16xf32>
        %scan3A_992 = arith.constant 7 : i32
        %scan3A_993 = arith.addi %scan3A_747, %scan3A_992 : i32
        %get3A_994 = arith.index_cast %scan3A_993 : i32 to index
        %get3A_995 = arith.constant 0 : index
        %get3A_996 = tpu.vector_load %arg9[%get3A_994, %get3A_995] {strides = array<i32>} : memref<200x128xf32, #tpu.memory_space<vmem>>, vector<16xf32>,
        %add3A_997 = arith.addf %add3A_963, %get3A_996 : vector<16xf32>
        %get3A_998 = arith.index_cast %scan3A_993 : i32 to index
        %get3A_999 = arith.constant 16 : index
        %get3A_1000 = tpu.vector_load %arg9[%get3A_998, %get3A_999] {strides = array<i32>} : memref<200x128xf32, #tpu.memory_space<vmem>>, vector<16xf32>,
        %add3A_1001 = arith.addf %add3A_967, %get3A_1000 : vector<16xf32>
        %get3A_1002 = arith.index_cast %scan3A_993 : i32 to index
        %get3A_1003 = arith.constant 32 : index
        %get3A_1004 = tpu.vector_load %arg9[%get3A_1002, %get3A_1003] {strides = array<i32>} : memref<200x128xf32, #tpu.memory_space<vmem>>, vector<16xf32>,
        %add3A_1005 = arith.addf %add3A_971, %get3A_1004 : vector<16xf32>
        %get3A_1006 = arith.index_cast %scan3A_993 : i32 to index
        %get3A_1007 = arith.constant 48 : index
        %get3A_1008 = tpu.vector_load %arg9[%get3A_1006, %get3A_1007] {strides = array<i32>} : memref<200x128xf32, #tpu.memory_space<vmem>>, vector<16xf32>,
        %add3A_1009 = arith.addf %add3A_975, %get3A_1008 : vector<16xf32>
        %get3A_1010 = arith.index_cast %scan3A_993 : i32 to index
        %get3A_1011 = arith.constant 64 : index
        %get3A_1012 = tpu.vector_load %arg9[%get3A_1010, %get3A_1011] {strides = array<i32>} : memref<200x128xf32, #tpu.memory_space<vmem>>, vector<16xf32>,
        %add3A_1013 = arith.addf %add3A_979, %get3A_1012 : vector<16xf32>
        %get3A_1014 = arith.index_cast %scan3A_993 : i32 to index
        %get3A_1015 = arith.constant 80 : index
        %get3A_1016 = tpu.vector_load %arg9[%get3A_1014, %get3A_1015] {strides = array<i32>} : memref<200x128xf32, #tpu.memory_space<vmem>>, vector<16xf32>,
        %add3A_1017 = arith.addf %add3A_983, %get3A_1016 : vector<16xf32>
        %get3A_1018 = arith.index_cast %scan3A_993 : i32 to index
        %get3A_1019 = arith.constant 96 : index
        %get3A_1020 = tpu.vector_load %arg9[%get3A_1018, %get3A_1019] {strides = array<i32>} : memref<200x128xf32, #tpu.memory_space<vmem>>, vector<16xf32>,
        %add3A_1021 = arith.addf %add3A_987, %get3A_1020 : vector<16xf32>
        %get3A_1022 = arith.index_cast %scan3A_993 : i32 to index
        %get3A_1023 = arith.constant 112 : index
        %get3A_1024 = tpu.vector_load %arg9[%get3A_1022, %get3A_1023] {strides = array<i32>} : memref<200x128xf32, #tpu.memory_space<vmem>>, vector<16xf32>,
        %add3A_1025 = arith.addf %add3A_991, %get3A_1024 : vector<16xf32>
        scf.yield %add3A_997, %add3A_1001, %add3A_1005, %add3A_1009, %add3A_1013, %add3A_1017, %add3A_1021, %add3A_1025 : vector<16xf32>, vector<16xf32>, vector<16xf32>, vector<16xf32>, vector<16xf32>, vector<16xf32>, vector<16xf32>, vector<16xf32>
      }
      %scan3A_528 = arith.constant 200 : i32
      %jit3A_529 = arith.constant 16 : i32
      %eq3A_530 = arith.constant 0 : i32
      %eq3A_531 = arith.cmpi eq, %jit3A_529, %eq3A_530 : i32
      %jit3A_532 = arith.constant 1 : i32
      %select_n3A_533 = arith.select %eq3A_531, %jit3A_532, %jit3A_529 : i32
      %rem3A_534 = arith.remsi %add3A_506, %select_n3A_533 : i32
      %ne3A_535 = arith.constant 0 : i32
      %ne3A_536 = arith.cmpi ne, %rem3A_534, %ne3A_535 : i32
      %lt3A_537 = arith.constant 0 : i32
      %lt3A_538 = arith.cmpi slt, %rem3A_534, %lt3A_537 : i32
      %lt3A_539 = arith.constant 0 : i32
      %lt3A_540 = arith.cmpi slt, %select_n3A_533, %lt3A_539 : i32
      %ne3A_541 = arith.xori %lt3A_538, %lt3A_540 : i1
      %and3A_542 = arith.andi %ne3A_541, %ne3A_536 : i1
      %add3A_543 = arith.addi %rem3A_534, %select_n3A_533 : i32
      %select_n3A_544 = arith.select %and3A_542, %add3A_543, %rem3A_534 : i32
      %mul3A_545 = arith.mulf %scan3A_527#0, %get3A_59 : vector<16xf32>
      %mul3A_546 = arith.mulf %scan3A_527#1, %get3A_63 : vector<16xf32>
      %add3A_547 = arith.addf %mul3A_545, %mul3A_546 : vector<16xf32>
      %mul3A_548 = arith.mulf %scan3A_527#2, %get3A_67 : vector<16xf32>
      %add3A_549 = arith.addf %add3A_547, %mul3A_548 : vector<16xf32>
      %mul3A_550 = arith.mulf %scan3A_527#3, %get3A_71 : vector<16xf32>
      %add3A_551 = arith.addf %add3A_549, %mul3A_550 : vector<16xf32>
      %mul3A_552 = arith.mulf %scan3A_527#4, %get3A_75 : vector<16xf32>
      %add3A_553 = arith.addf %add3A_551, %mul3A_552 : vector<16xf32>
      %mul3A_554 = arith.mulf %scan3A_527#5, %get3A_79 : vector<16xf32>
      %add3A_555 = arith.addf %add3A_553, %mul3A_554 : vector<16xf32>
      %mul3A_556 = arith.mulf %scan3A_527#6, %get3A_83 : vector<16xf32>
      %add3A_557 = arith.addf %add3A_555, %mul3A_556 : vector<16xf32>
      %mul3A_558 = arith.mulf %scan3A_527#7, %get3A_87 : vector<16xf32>
      %add3A_559 = arith.addf %add3A_557, %mul3A_558 : vector<16xf32>
      %mul3A_560 = arith.constant 16 : i32
      %mul3A_561 = arith.muli %select_n3A_544, %mul3A_560 : i32
      %swap3A_562 = arith.index_cast %mul3A_561 : i32 to index
      %swap3A_563 = tpu.vector_load %arg13[%swap3A_562] {strides = array<i32>} : memref<256xf32, #tpu.memory_space<vmem>>, vector<16xf32>,
      tpu.vector_store %arg13[%swap3A_562], %add3A_559 {strides = array<i32>} : memref<256xf32, #tpu.memory_space<vmem>>, vector<16xf32>,
      %mul3A_564 = arith.mulf %scan3A_527#0, %get3A_91 : vector<16xf32>
      %mul3A_565 = arith.mulf %scan3A_527#1, %get3A_95 : vector<16xf32>
      %add3A_566 = arith.addf %mul3A_564, %mul3A_565 : vector<16xf32>
      %mul3A_567 = arith.mulf %scan3A_527#2, %get3A_99 : vector<16xf32>
      %add3A_568 = arith.addf %add3A_566, %mul3A_567 : vector<16xf32>
      %mul3A_569 = arith.mulf %scan3A_527#3, %get3A_103 : vector<16xf32>
      %add3A_570 = arith.addf %add3A_568, %mul3A_569 : vector<16xf32>
      %mul3A_571 = arith.mulf %scan3A_527#4, %get3A_107 : vector<16xf32>
      %add3A_572 = arith.addf %add3A_570, %mul3A_571 : vector<16xf32>
      %mul3A_573 = arith.mulf %scan3A_527#5, %get3A_111 : vector<16xf32>
      %add3A_574 = arith.addf %add3A_572, %mul3A_573 : vector<16xf32>
      %mul3A_575 = arith.mulf %scan3A_527#6, %get3A_115 : vector<16xf32>
      %add3A_576 = arith.addf %add3A_574, %mul3A_575 : vector<16xf32>
      %mul3A_577 = arith.mulf %scan3A_527#7, %get3A_119 : vector<16xf32>
      %add3A_578 = arith.addf %add3A_576, %mul3A_577 : vector<16xf32>
      %mul3A_579 = arith.constant 16 : i32
      %mul3A_580 = arith.muli %select_n3A_544, %mul3A_579 : i32
      %swap3A_581 = arith.index_cast %mul3A_580 : i32 to index
      %swap3A_582 = tpu.vector_load %arg14[%swap3A_581] {strides = array<i32>} : memref<256xf32, #tpu.memory_space<vmem>>, vector<16xf32>,
      tpu.vector_store %arg14[%swap3A_581], %add3A_578 {strides = array<i32>} : memref<256xf32, #tpu.memory_space<vmem>>, vector<16xf32>,
      %eq3A_583 = arith.constant 15 : i32
      %eq3A_584 = arith.cmpi eq, %select_n3A_544, %eq3A_583 : i32
      %convert_element_type3A_585 = arith.extui %eq3A_584 : i1 to i32
      %cond3A_586 = arith.constant 0 : i32
      %cond3A_587 = arith.cmpi ne, %convert_element_type3A_585, %cond3A_586 : i32
      scf.if %cond3A_587 {
        %broadcast_in_dim3A_747 = arith.constant 0.000000e+00 : f32
        %broadcast_in_dim3A_748 = vector.broadcast %broadcast_in_dim3A_747 : f32 to vector<16xf32>
        %mul3A_749 = arith.constant 16 : i32
        %mul3A_750 = vector.broadcast %mul3A_749 : i32 to vector<16xi32>
        %mul3A_751 = arith.muli %iota3A, %mul3A_750 : vector<16xi32>
        %add3A_752 = arith.constant 0 : i32
        %add3A_753 = vector.broadcast %add3A_752 : i32 to vector<16xi32>
        %add3A_754 = arith.addi %mul3A_751, %add3A_753 : vector<16xi32>
        %gather3A = tpu.vector_load_idx %arg13[%add3A_754] : memref<256xf32, #tpu.memory_space<vmem>>[vector<16xi32>], vector<16xf32>,
        %add3A_755 = arith.addf %broadcast_in_dim3A_748, %gather3A : vector<16xf32>
        %mul3A_756 = arith.constant 16 : i32
        %mul3A_757 = vector.broadcast %mul3A_756 : i32 to vector<16xi32>
        %mul3A_758 = arith.muli %iota3A, %mul3A_757 : vector<16xi32>
        %add3A_759 = arith.constant 1 : i32
        %add3A_760 = vector.broadcast %add3A_759 : i32 to vector<16xi32>
        %add3A_761 = arith.addi %mul3A_758, %add3A_760 : vector<16xi32>
        %gather3A_762 = tpu.vector_load_idx %arg13[%add3A_761] : memref<256xf32, #tpu.memory_space<vmem>>[vector<16xi32>], vector<16xf32>,
        %add3A_763 = arith.addf %add3A_755, %gather3A_762 : vector<16xf32>
        %mul3A_764 = arith.constant 16 : i32
        %mul3A_765 = vector.broadcast %mul3A_764 : i32 to vector<16xi32>
        %mul3A_766 = arith.muli %iota3A, %mul3A_765 : vector<16xi32>
        %add3A_767 = arith.constant 2 : i32
        %add3A_768 = vector.broadcast %add3A_767 : i32 to vector<16xi32>
        %add3A_769 = arith.addi %mul3A_766, %add3A_768 : vector<16xi32>
        %gather3A_770 = tpu.vector_load_idx %arg13[%add3A_769] : memref<256xf32, #tpu.memory_space<vmem>>[vector<16xi32>], vector<16xf32>,
        %add3A_771 = arith.addf %add3A_763, %gather3A_770 : vector<16xf32>
        %mul3A_772 = arith.constant 16 : i32
        %mul3A_773 = vector.broadcast %mul3A_772 : i32 to vector<16xi32>
        %mul3A_774 = arith.muli %iota3A, %mul3A_773 : vector<16xi32>
        %add3A_775 = arith.constant 3 : i32
        %add3A_776 = vector.broadcast %add3A_775 : i32 to vector<16xi32>
        %add3A_777 = arith.addi %mul3A_774, %add3A_776 : vector<16xi32>
        %gather3A_778 = tpu.vector_load_idx %arg13[%add3A_777] : memref<256xf32, #tpu.memory_space<vmem>>[vector<16xi32>], vector<16xf32>,
        %add3A_779 = arith.addf %add3A_771, %gather3A_778 : vector<16xf32>
        %mul3A_780 = arith.constant 16 : i32
        %mul3A_781 = vector.broadcast %mul3A_780 : i32 to vector<16xi32>
        %mul3A_782 = arith.muli %iota3A, %mul3A_781 : vector<16xi32>
        %add3A_783 = arith.constant 4 : i32
        %add3A_784 = vector.broadcast %add3A_783 : i32 to vector<16xi32>
        %add3A_785 = arith.addi %mul3A_782, %add3A_784 : vector<16xi32>
        %gather3A_786 = tpu.vector_load_idx %arg13[%add3A_785] : memref<256xf32, #tpu.memory_space<vmem>>[vector<16xi32>], vector<16xf32>,
        %add3A_787 = arith.addf %add3A_779, %gather3A_786 : vector<16xf32>
        %mul3A_788 = arith.constant 16 : i32
        %mul3A_789 = vector.broadcast %mul3A_788 : i32 to vector<16xi32>
        %mul3A_790 = arith.muli %iota3A, %mul3A_789 : vector<16xi32>
        %add3A_791 = arith.constant 5 : i32
        %add3A_792 = vector.broadcast %add3A_791 : i32 to vector<16xi32>
        %add3A_793 = arith.addi %mul3A_790, %add3A_792 : vector<16xi32>
        %gather3A_794 = tpu.vector_load_idx %arg13[%add3A_793] : memref<256xf32, #tpu.memory_space<vmem>>[vector<16xi32>], vector<16xf32>,
        %add3A_795 = arith.addf %add3A_787, %gather3A_794 : vector<16xf32>
        %mul3A_796 = arith.constant 16 : i32
        %mul3A_797 = vector.broadcast %mul3A_796 : i32 to vector<16xi32>
        %mul3A_798 = arith.muli %iota3A, %mul3A_797 : vector<16xi32>
        %add3A_799 = arith.constant 6 : i32
        %add3A_800 = vector.broadcast %add3A_799 : i32 to vector<16xi32>
        %add3A_801 = arith.addi %mul3A_798, %add3A_800 : vector<16xi32>
        %gather3A_802 = tpu.vector_load_idx %arg13[%add3A_801] : memref<256xf32, #tpu.memory_space<vmem>>[vector<16xi32>], vector<16xf32>,
        %add3A_803 = arith.addf %add3A_795, %gather3A_802 : vector<16xf32>
        %mul3A_804 = arith.constant 16 : i32
        %mul3A_805 = vector.broadcast %mul3A_804 : i32 to vector<16xi32>
        %mul3A_806 = arith.muli %iota3A, %mul3A_805 : vector<16xi32>
        %add3A_807 = arith.constant 7 : i32
        %add3A_808 = vector.broadcast %add3A_807 : i32 to vector<16xi32>
        %add3A_809 = arith.addi %mul3A_806, %add3A_808 : vector<16xi32>
        %gather3A_810 = tpu.vector_load_idx %arg13[%add3A_809] : memref<256xf32, #tpu.memory_space<vmem>>[vector<16xi32>], vector<16xf32>,
        %add3A_811 = arith.addf %add3A_803, %gather3A_810 : vector<16xf32>
        %mul3A_812 = arith.constant 16 : i32
        %mul3A_813 = vector.broadcast %mul3A_812 : i32 to vector<16xi32>
        %mul3A_814 = arith.muli %iota3A, %mul3A_813 : vector<16xi32>
        %add3A_815 = arith.constant 8 : i32
        %add3A_816 = vector.broadcast %add3A_815 : i32 to vector<16xi32>
        %add3A_817 = arith.addi %mul3A_814, %add3A_816 : vector<16xi32>
        %gather3A_818 = tpu.vector_load_idx %arg13[%add3A_817] : memref<256xf32, #tpu.memory_space<vmem>>[vector<16xi32>], vector<16xf32>,
        %add3A_819 = arith.addf %add3A_811, %gather3A_818 : vector<16xf32>
        %mul3A_820 = arith.constant 16 : i32
        %mul3A_821 = vector.broadcast %mul3A_820 : i32 to vector<16xi32>
        %mul3A_822 = arith.muli %iota3A, %mul3A_821 : vector<16xi32>
        %add3A_823 = arith.constant 9 : i32
        %add3A_824 = vector.broadcast %add3A_823 : i32 to vector<16xi32>
        %add3A_825 = arith.addi %mul3A_822, %add3A_824 : vector<16xi32>
        %gather3A_826 = tpu.vector_load_idx %arg13[%add3A_825] : memref<256xf32, #tpu.memory_space<vmem>>[vector<16xi32>], vector<16xf32>,
        %add3A_827 = arith.addf %add3A_819, %gather3A_826 : vector<16xf32>
        %mul3A_828 = arith.constant 16 : i32
        %mul3A_829 = vector.broadcast %mul3A_828 : i32 to vector<16xi32>
        %mul3A_830 = arith.muli %iota3A, %mul3A_829 : vector<16xi32>
        %add3A_831 = arith.constant 10 : i32
        %add3A_832 = vector.broadcast %add3A_831 : i32 to vector<16xi32>
        %add3A_833 = arith.addi %mul3A_830, %add3A_832 : vector<16xi32>
        %gather3A_834 = tpu.vector_load_idx %arg13[%add3A_833] : memref<256xf32, #tpu.memory_space<vmem>>[vector<16xi32>], vector<16xf32>,
        %add3A_835 = arith.addf %add3A_827, %gather3A_834 : vector<16xf32>
        %mul3A_836 = arith.constant 16 : i32
        %mul3A_837 = vector.broadcast %mul3A_836 : i32 to vector<16xi32>
        %mul3A_838 = arith.muli %iota3A, %mul3A_837 : vector<16xi32>
        %add3A_839 = arith.constant 11 : i32
        %add3A_840 = vector.broadcast %add3A_839 : i32 to vector<16xi32>
        %add3A_841 = arith.addi %mul3A_838, %add3A_840 : vector<16xi32>
        %gather3A_842 = tpu.vector_load_idx %arg13[%add3A_841] : memref<256xf32, #tpu.memory_space<vmem>>[vector<16xi32>], vector<16xf32>,
        %add3A_843 = arith.addf %add3A_835, %gather3A_842 : vector<16xf32>
        %mul3A_844 = arith.constant 16 : i32
        %mul3A_845 = vector.broadcast %mul3A_844 : i32 to vector<16xi32>
        %mul3A_846 = arith.muli %iota3A, %mul3A_845 : vector<16xi32>
        %add3A_847 = arith.constant 12 : i32
        %add3A_848 = vector.broadcast %add3A_847 : i32 to vector<16xi32>
        %add3A_849 = arith.addi %mul3A_846, %add3A_848 : vector<16xi32>
        %gather3A_850 = tpu.vector_load_idx %arg13[%add3A_849] : memref<256xf32, #tpu.memory_space<vmem>>[vector<16xi32>], vector<16xf32>,
        %add3A_851 = arith.addf %add3A_843, %gather3A_850 : vector<16xf32>
        %mul3A_852 = arith.constant 16 : i32
        %mul3A_853 = vector.broadcast %mul3A_852 : i32 to vector<16xi32>
        %mul3A_854 = arith.muli %iota3A, %mul3A_853 : vector<16xi32>
        %add3A_855 = arith.constant 13 : i32
        %add3A_856 = vector.broadcast %add3A_855 : i32 to vector<16xi32>
        %add3A_857 = arith.addi %mul3A_854, %add3A_856 : vector<16xi32>
        %gather3A_858 = tpu.vector_load_idx %arg13[%add3A_857] : memref<256xf32, #tpu.memory_space<vmem>>[vector<16xi32>], vector<16xf32>,
        %add3A_859 = arith.addf %add3A_851, %gather3A_858 : vector<16xf32>
        %mul3A_860 = arith.constant 16 : i32
        %mul3A_861 = vector.broadcast %mul3A_860 : i32 to vector<16xi32>
        %mul3A_862 = arith.muli %iota3A, %mul3A_861 : vector<16xi32>
        %add3A_863 = arith.constant 14 : i32
        %add3A_864 = vector.broadcast %add3A_863 : i32 to vector<16xi32>
        %add3A_865 = arith.addi %mul3A_862, %add3A_864 : vector<16xi32>
        %gather3A_866 = tpu.vector_load_idx %arg13[%add3A_865] : memref<256xf32, #tpu.memory_space<vmem>>[vector<16xi32>], vector<16xf32>,
        %add3A_867 = arith.addf %add3A_859, %gather3A_866 : vector<16xf32>
        %mul3A_868 = arith.constant 16 : i32
        %mul3A_869 = vector.broadcast %mul3A_868 : i32 to vector<16xi32>
        %mul3A_870 = arith.muli %iota3A, %mul3A_869 : vector<16xi32>
        %add3A_871 = arith.constant 15 : i32
        %add3A_872 = vector.broadcast %add3A_871 : i32 to vector<16xi32>
        %add3A_873 = arith.addi %mul3A_870, %add3A_872 : vector<16xi32>
        %gather3A_874 = tpu.vector_load_idx %arg13[%add3A_873] : memref<256xf32, #tpu.memory_space<vmem>>[vector<16xi32>], vector<16xf32>,
        %add3A_875 = arith.addf %add3A_867, %gather3A_874 : vector<16xf32>
        %mul3A_876 = vector.broadcast %scan3A_200 : f32 to vector<16xf32>
        %mul3A_877 = arith.mulf %add3A_875, %mul3A_876 : vector<16xf32>
        %slice3A = vector.extract_strided_slice %get3A_5 {offsets = [0], sizes = [1], strides = [1]} : vector<16xf32> to vector<1xf32>
        %squeeze3A = vector.extract %slice3A[0] : f32 from vector<1xf32>
        %add3A_878 = vector.broadcast %squeeze3A : f32 to vector<16xf32>
        %add3A_879 = arith.addf %mul3A_877, %add3A_878 : vector<16xf32>
        %swap3A_880 = arith.constant 0 : index
        %swap3A_881 = tpu.vector_load %arg15[%swap3A_880] {strides = array<i32>} : memref<32xf32, #tpu.memory_space<vmem>>, vector<16xf32>,
        tpu.vector_store %arg15[%swap3A_880], %add3A_879 {strides = array<i32>} : memref<32xf32, #tpu.memory_space<vmem>>, vector<16xf32>,
        %broadcast_in_dim3A_882 = arith.constant 0.000000e+00 : f32
        %broadcast_in_dim3A_883 = vector.broadcast %broadcast_in_dim3A_882 : f32 to vector<16xf32>
        %mul3A_884 = arith.constant 16 : i32
        %mul3A_885 = vector.broadcast %mul3A_884 : i32 to vector<16xi32>
        %mul3A_886 = arith.muli %iota3A, %mul3A_885 : vector<16xi32>
        %add3A_887 = arith.constant 0 : i32
        %add3A_888 = vector.broadcast %add3A_887 : i32 to vector<16xi32>
        %add3A_889 = arith.addi %mul3A_886, %add3A_888 : vector<16xi32>
        %gather3A_890 = tpu.vector_load_idx %arg14[%add3A_889] : memref<256xf32, #tpu.memory_space<vmem>>[vector<16xi32>], vector<16xf32>,
        %add3A_891 = arith.addf %broadcast_in_dim3A_883, %gather3A_890 : vector<16xf32>
        %mul3A_892 = arith.constant 16 : i32
        %mul3A_893 = vector.broadcast %mul3A_892 : i32 to vector<16xi32>
        %mul3A_894 = arith.muli %iota3A, %mul3A_893 : vector<16xi32>
        %add3A_895 = arith.constant 1 : i32
        %add3A_896 = vector.broadcast %add3A_895 : i32 to vector<16xi32>
        %add3A_897 = arith.addi %mul3A_894, %add3A_896 : vector<16xi32>
        %gather3A_898 = tpu.vector_load_idx %arg14[%add3A_897] : memref<256xf32, #tpu.memory_space<vmem>>[vector<16xi32>], vector<16xf32>,
        %add3A_899 = arith.addf %add3A_891, %gather3A_898 : vector<16xf32>
        %mul3A_900 = arith.constant 16 : i32
        %mul3A_901 = vector.broadcast %mul3A_900 : i32 to vector<16xi32>
        %mul3A_902 = arith.muli %iota3A, %mul3A_901 : vector<16xi32>
        %add3A_903 = arith.constant 2 : i32
        %add3A_904 = vector.broadcast %add3A_903 : i32 to vector<16xi32>
        %add3A_905 = arith.addi %mul3A_902, %add3A_904 : vector<16xi32>
        %gather3A_906 = tpu.vector_load_idx %arg14[%add3A_905] : memref<256xf32, #tpu.memory_space<vmem>>[vector<16xi32>], vector<16xf32>,
        %add3A_907 = arith.addf %add3A_899, %gather3A_906 : vector<16xf32>
        %mul3A_908 = arith.constant 16 : i32
        %mul3A_909 = vector.broadcast %mul3A_908 : i32 to vector<16xi32>
        %mul3A_910 = arith.muli %iota3A, %mul3A_909 : vector<16xi32>
        %add3A_911 = arith.constant 3 : i32
        %add3A_912 = vector.broadcast %add3A_911 : i32 to vector<16xi32>
        %add3A_913 = arith.addi %mul3A_910, %add3A_912 : vector<16xi32>
        %gather3A_914 = tpu.vector_load_idx %arg14[%add3A_913] : memref<256xf32, #tpu.memory_space<vmem>>[vector<16xi32>], vector<16xf32>,
        %add3A_915 = arith.addf %add3A_907, %gather3A_914 : vector<16xf32>
        %mul3A_916 = arith.constant 16 : i32
        %mul3A_917 = vector.broadcast %mul3A_916 : i32 to vector<16xi32>
        %mul3A_918 = arith.muli %iota3A, %mul3A_917 : vector<16xi32>
        %add3A_919 = arith.constant 4 : i32
        %add3A_920 = vector.broadcast %add3A_919 : i32 to vector<16xi32>
        %add3A_921 = arith.addi %mul3A_918, %add3A_920 : vector<16xi32>
        %gather3A_922 = tpu.vector_load_idx %arg14[%add3A_921] : memref<256xf32, #tpu.memory_space<vmem>>[vector<16xi32>], vector<16xf32>,
        %add3A_923 = arith.addf %add3A_915, %gather3A_922 : vector<16xf32>
        %mul3A_924 = arith.constant 16 : i32
        %mul3A_925 = vector.broadcast %mul3A_924 : i32 to vector<16xi32>
        %mul3A_926 = arith.muli %iota3A, %mul3A_925 : vector<16xi32>
        %add3A_927 = arith.constant 5 : i32
        %add3A_928 = vector.broadcast %add3A_927 : i32 to vector<16xi32>
        %add3A_929 = arith.addi %mul3A_926, %add3A_928 : vector<16xi32>
        %gather3A_930 = tpu.vector_load_idx %arg14[%add3A_929] : memref<256xf32, #tpu.memory_space<vmem>>[vector<16xi32>], vector<16xf32>,
        %add3A_931 = arith.addf %add3A_923, %gather3A_930 : vector<16xf32>
        %mul3A_932 = arith.constant 16 : i32
        %mul3A_933 = vector.broadcast %mul3A_932 : i32 to vector<16xi32>
        %mul3A_934 = arith.muli %iota3A, %mul3A_933 : vector<16xi32>
        %add3A_935 = arith.constant 6 : i32
        %add3A_936 = vector.broadcast %add3A_935 : i32 to vector<16xi32>
        %add3A_937 = arith.addi %mul3A_934, %add3A_936 : vector<16xi32>
        %gather3A_938 = tpu.vector_load_idx %arg14[%add3A_937] : memref<256xf32, #tpu.memory_space<vmem>>[vector<16xi32>], vector<16xf32>,
        %add3A_939 = arith.addf %add3A_931, %gather3A_938 : vector<16xf32>
        %mul3A_940 = arith.constant 16 : i32
        %mul3A_941 = vector.broadcast %mul3A_940 : i32 to vector<16xi32>
        %mul3A_942 = arith.muli %iota3A, %mul3A_941 : vector<16xi32>
        %add3A_943 = arith.constant 7 : i32
        %add3A_944 = vector.broadcast %add3A_943 : i32 to vector<16xi32>
        %add3A_945 = arith.addi %mul3A_942, %add3A_944 : vector<16xi32>
        %gather3A_946 = tpu.vector_load_idx %arg14[%add3A_945] : memref<256xf32, #tpu.memory_space<vmem>>[vector<16xi32>], vector<16xf32>,
        %add3A_947 = arith.addf %add3A_939, %gather3A_946 : vector<16xf32>
        %mul3A_948 = arith.constant 16 : i32
        %mul3A_949 = vector.broadcast %mul3A_948 : i32 to vector<16xi32>
        %mul3A_950 = arith.muli %iota3A, %mul3A_949 : vector<16xi32>
        %add3A_951 = arith.constant 8 : i32
        %add3A_952 = vector.broadcast %add3A_951 : i32 to vector<16xi32>
        %add3A_953 = arith.addi %mul3A_950, %add3A_952 : vector<16xi32>
        %gather3A_954 = tpu.vector_load_idx %arg14[%add3A_953] : memref<256xf32, #tpu.memory_space<vmem>>[vector<16xi32>], vector<16xf32>,
        %add3A_955 = arith.addf %add3A_947, %gather3A_954 : vector<16xf32>
        %mul3A_956 = arith.constant 16 : i32
        %mul3A_957 = vector.broadcast %mul3A_956 : i32 to vector<16xi32>
        %mul3A_958 = arith.muli %iota3A, %mul3A_957 : vector<16xi32>
        %add3A_959 = arith.constant 9 : i32
        %add3A_960 = vector.broadcast %add3A_959 : i32 to vector<16xi32>
        %add3A_961 = arith.addi %mul3A_958, %add3A_960 : vector<16xi32>
        %gather3A_962 = tpu.vector_load_idx %arg14[%add3A_961] : memref<256xf32, #tpu.memory_space<vmem>>[vector<16xi32>], vector<16xf32>,
        %add3A_963 = arith.addf %add3A_955, %gather3A_962 : vector<16xf32>
        %mul3A_964 = arith.constant 16 : i32
        %mul3A_965 = vector.broadcast %mul3A_964 : i32 to vector<16xi32>
        %mul3A_966 = arith.muli %iota3A, %mul3A_965 : vector<16xi32>
        %add3A_967 = arith.constant 10 : i32
        %add3A_968 = vector.broadcast %add3A_967 : i32 to vector<16xi32>
        %add3A_969 = arith.addi %mul3A_966, %add3A_968 : vector<16xi32>
        %gather3A_970 = tpu.vector_load_idx %arg14[%add3A_969] : memref<256xf32, #tpu.memory_space<vmem>>[vector<16xi32>], vector<16xf32>,
        %add3A_971 = arith.addf %add3A_963, %gather3A_970 : vector<16xf32>
        %mul3A_972 = arith.constant 16 : i32
        %mul3A_973 = vector.broadcast %mul3A_972 : i32 to vector<16xi32>
        %mul3A_974 = arith.muli %iota3A, %mul3A_973 : vector<16xi32>
        %add3A_975 = arith.constant 11 : i32
        %add3A_976 = vector.broadcast %add3A_975 : i32 to vector<16xi32>
        %add3A_977 = arith.addi %mul3A_974, %add3A_976 : vector<16xi32>
        %gather3A_978 = tpu.vector_load_idx %arg14[%add3A_977] : memref<256xf32, #tpu.memory_space<vmem>>[vector<16xi32>], vector<16xf32>,
        %add3A_979 = arith.addf %add3A_971, %gather3A_978 : vector<16xf32>
        %mul3A_980 = arith.constant 16 : i32
        %mul3A_981 = vector.broadcast %mul3A_980 : i32 to vector<16xi32>
        %mul3A_982 = arith.muli %iota3A, %mul3A_981 : vector<16xi32>
        %add3A_983 = arith.constant 12 : i32
        %add3A_984 = vector.broadcast %add3A_983 : i32 to vector<16xi32>
        %add3A_985 = arith.addi %mul3A_982, %add3A_984 : vector<16xi32>
        %gather3A_986 = tpu.vector_load_idx %arg14[%add3A_985] : memref<256xf32, #tpu.memory_space<vmem>>[vector<16xi32>], vector<16xf32>,
        %add3A_987 = arith.addf %add3A_979, %gather3A_986 : vector<16xf32>
        %mul3A_988 = arith.constant 16 : i32
        %mul3A_989 = vector.broadcast %mul3A_988 : i32 to vector<16xi32>
        %mul3A_990 = arith.muli %iota3A, %mul3A_989 : vector<16xi32>
        %add3A_991 = arith.constant 13 : i32
        %add3A_992 = vector.broadcast %add3A_991 : i32 to vector<16xi32>
        %add3A_993 = arith.addi %mul3A_990, %add3A_992 : vector<16xi32>
        %gather3A_994 = tpu.vector_load_idx %arg14[%add3A_993] : memref<256xf32, #tpu.memory_space<vmem>>[vector<16xi32>], vector<16xf32>,
        %add3A_995 = arith.addf %add3A_987, %gather3A_994 : vector<16xf32>
        %mul3A_996 = arith.constant 16 : i32
        %mul3A_997 = vector.broadcast %mul3A_996 : i32 to vector<16xi32>
        %mul3A_998 = arith.muli %iota3A, %mul3A_997 : vector<16xi32>
        %add3A_999 = arith.constant 14 : i32
        %add3A_1000 = vector.broadcast %add3A_999 : i32 to vector<16xi32>
        %add3A_1001 = arith.addi %mul3A_998, %add3A_1000 : vector<16xi32>
        %gather3A_1002 = tpu.vector_load_idx %arg14[%add3A_1001] : memref<256xf32, #tpu.memory_space<vmem>>[vector<16xi32>], vector<16xf32>,
        %add3A_1003 = arith.addf %add3A_995, %gather3A_1002 : vector<16xf32>
        %mul3A_1004 = arith.constant 16 : i32
        %mul3A_1005 = vector.broadcast %mul3A_1004 : i32 to vector<16xi32>
        %mul3A_1006 = arith.muli %iota3A, %mul3A_1005 : vector<16xi32>
        %add3A_1007 = arith.constant 15 : i32
        %add3A_1008 = vector.broadcast %add3A_1007 : i32 to vector<16xi32>
        %add3A_1009 = arith.addi %mul3A_1006, %add3A_1008 : vector<16xi32>
        %gather3A_1010 = tpu.vector_load_idx %arg14[%add3A_1009] : memref<256xf32, #tpu.memory_space<vmem>>[vector<16xi32>], vector<16xf32>,
        %add3A_1011 = arith.addf %add3A_1003, %gather3A_1010 : vector<16xf32>
        %mul3A_1012 = vector.broadcast %scan3A_200 : f32 to vector<16xf32>
        %mul3A_1013 = arith.mulf %add3A_1011, %mul3A_1012 : vector<16xf32>
        %slice3A_1014 = vector.extract_strided_slice %get3A_5 {offsets = [1], sizes = [1], strides = [1]} : vector<16xf32> to vector<1xf32>
        %squeeze3A_1015 = vector.extract %slice3A_1014[0] : f32 from vector<1xf32>
        %add3A_1016 = vector.broadcast %squeeze3A_1015 : f32 to vector<16xf32>
        %add3A_1017 = arith.addf %mul3A_1013, %add3A_1016 : vector<16xf32>
        %swap3A_1018 = arith.constant 16 : index
        %swap3A_1019 = tpu.vector_load %arg15[%swap3A_1018] {strides = array<i32>} : memref<32xf32, #tpu.memory_space<vmem>>, vector<16xf32>,
        tpu.vector_store %arg15[%swap3A_1018], %add3A_1017 {strides = array<i32>} : memref<32xf32, #tpu.memory_space<vmem>>, vector<16xf32>,
        %jit3A_1020 = arith.constant 16 : i32
        %div3A_1021 = arith.divsi %add3A_506, %jit3A_1020 : i32
        %sign3A_1022 = arith.constant 0 : i32
        %sign3A_1023 = arith.cmpi sgt, %add3A_506, %sign3A_1022 : i32
        %sign3A_1024 = arith.extui %sign3A_1023 : i1 to i32
        %sign3A_1025 = arith.constant 0 : i32
        %sign3A_1026 = arith.cmpi slt, %add3A_506, %sign3A_1025 : i32
        %sign3A_1027 = arith.extui %sign3A_1026 : i1 to i32
        %sign3A_1028 = arith.subi %sign3A_1024, %sign3A_1027 : i32
        %sign3A_1029 = arith.constant 0 : i32
        %sign3A_1030 = arith.cmpi sgt, %jit3A_1020, %sign3A_1029 : i32
        %sign3A_1031 = arith.extui %sign3A_1030 : i1 to i32
        %sign3A_1032 = arith.constant 0 : i32
        %sign3A_1033 = arith.cmpi slt, %jit3A_1020, %sign3A_1032 : i32
        %sign3A_1034 = arith.extui %sign3A_1033 : i1 to i32
        %sign3A_1035 = arith.subi %sign3A_1031, %sign3A_1034 : i32
        %ne3A_1036 = arith.cmpi ne, %sign3A_1028, %sign3A_1035 : i32
        %rem3A_1037 = arith.remsi %add3A_506, %jit3A_1020 : i32
        %ne3A_1038 = arith.constant 0 : i32
        %ne3A_1039 = arith.cmpi ne, %rem3A_1037, %ne3A_1038 : i32
        %and3A_1040 = arith.andi %ne3A_1036, %ne3A_1039 : i1
        %sub3A_1041 = arith.constant 1 : i32
        %sub3A_1042 = arith.subi %div3A_1021, %sub3A_1041 : i32
        %select_n3A_1043 = arith.select %and3A_1040, %sub3A_1042, %div3A_1021 : i32
        %mul3A_1044 = arith.constant 32 : i32
        %mul3A_1045 = arith.muli %select_n3A_1043, %mul3A_1044 : i32
        %gather3A_1046 = tpu.vector_load_idx %arg15[%add3A_52] : memref<32xf32, #tpu.memory_space<vmem>>[vector<16xi32>], vector<16xf32>,
        %swap3A_1047 = arith.index_cast %mul3A_1045 : i32 to index
        %swap3A_1048 = tpu.vector_load %arg16[%swap3A_1047] {strides = array<i32>} : memref<256xf32, #tpu.memory_space<vmem>>, vector<16xf32>,
        tpu.vector_store %arg16[%swap3A_1047], %gather3A_1046 {strides = array<i32>} : memref<256xf32, #tpu.memory_space<vmem>>, vector<16xf32>,
        %gather3A_1049 = tpu.vector_load_idx %arg15[%add3A_55] : memref<32xf32, #tpu.memory_space<vmem>>[vector<16xi32>], vector<16xf32>,
        %add3A_1050 = arith.constant 16 : i32
        %add3A_1051 = arith.addi %mul3A_1045, %add3A_1050 : i32
        %swap3A_1052 = arith.index_cast %add3A_1051 : i32 to index
        %swap3A_1053 = tpu.vector_load %arg16[%swap3A_1052] {strides = array<i32>} : memref<256xf32, #tpu.memory_space<vmem>>, vector<16xf32>,
        tpu.vector_store %arg16[%swap3A_1052], %gather3A_1049 {strides = array<i32>} : memref<256xf32, #tpu.memory_space<vmem>>, vector<16xf32>,
      } else {
      }
      %add3A_588 = arith.constant 2 : i32
      %add3A_589 = arith.addi %mul3A_273, %add3A_588 : i32
      %add3A_590 = arith.constant 2 : i32
      %add3A_591 = arith.addi %add3A_589, %add3A_590 : i32
      %min3A_592 = arith.constant 127 : i32
      %min3A_593 = arith.minsi %add3A_591, %min3A_592 : i32
      %mul3A_594 = arith.constant 200 : i32
      %mul3A_595 = arith.muli %min3A_593, %mul3A_594 : i32
      %add3A_596 = arith.constant 0 : i32
      %add3A_597 = arith.addi %mul3A_595, %add3A_596 : i32
      %dma_start3A_598 = arith.constant 0 : i32
      %dma_start3A_599 = arith.constant 0 : i32
      %dma_start3A_600 = tpu.memref_slice %arg9[%dma_start3A_598, %dma_start3A_599] : memref<200x128xf32, #tpu.memory_space<vmem>> -> memref<56x128xf32, #tpu.memory_space<vmem>>
      %dma_start3A_601 = tpu.memref_slice %arg7[%add3A_597] : memref<25600xi32, #tpu.memory_space<vmem>> -> memref<56xi32, #tpu.memory_space<vmem>>
      %dma_start3A_602 = arith.constant 0 : i32
      %dma_start3A_603 = arith.constant 0 : i32
      %dma_start3A_604 = tpu.memref_slice %arg3[%dma_start3A_602, %dma_start3A_603] : memref<1000000x128xf32, #tpu.memory_space<hbm>> -> memref<1000000x128xf32, #tpu.memory_space<hbm>>
      tpu.enqueue_indirect_dma source(%dma_start3A_604 : memref<1000000x128xf32, #tpu.memory_space<hbm>>) target(%dma_start3A_600 : memref<56x128xf32, #tpu.memory_space<vmem>>) offsets(%dma_start3A_601 : memref<56xi32, #tpu.memory_space<vmem>>) semaphore(%arg18 : memref<!tpu.dma_semaphore, #tpu.memory_space<semaphore_mem>>)
      %add3A_605 = arith.constant 56 : i32
      %add3A_606 = arith.addi %mul3A_595, %add3A_605 : i32
      %dma_start3A_607 = arith.constant 56 : i32
      %dma_start3A_608 = arith.constant 0 : i32
      %dma_start3A_609 = tpu.memref_slice %arg9[%dma_start3A_607, %dma_start3A_608] : memref<200x128xf32, #tpu.memory_space<vmem>> -> memref<48x128xf32, #tpu.memory_space<vmem>>
      %dma_start3A_610 = tpu.memref_slice %arg7[%add3A_606] : memref<25600xi32, #tpu.memory_space<vmem>> -> memref<48xi32, #tpu.memory_space<vmem>>
      %dma_start3A_611 = arith.constant 0 : i32
      %dma_start3A_612 = arith.constant 0 : i32
      %dma_start3A_613 = tpu.memref_slice %arg3[%dma_start3A_611, %dma_start3A_612] : memref<1000000x128xf32, #tpu.memory_space<hbm>> -> memref<1000000x128xf32, #tpu.memory_space<hbm>>
      tpu.enqueue_indirect_dma source(%dma_start3A_613 : memref<1000000x128xf32, #tpu.memory_space<hbm>>) target(%dma_start3A_609 : memref<48x128xf32, #tpu.memory_space<vmem>>) offsets(%dma_start3A_610 : memref<48xi32, #tpu.memory_space<vmem>>) semaphore(%arg18 : memref<!tpu.dma_semaphore, #tpu.memory_space<semaphore_mem>>)
      %add3A_614 = arith.constant 104 : i32
      %add3A_615 = arith.addi %mul3A_595, %add3A_614 : i32
      %dma_start3A_616 = arith.constant 104 : i32
      %dma_start3A_617 = arith.constant 0 : i32
      %dma_start3A_618 = tpu.memref_slice %arg9[%dma_start3A_616, %dma_start3A_617] : memref<200x128xf32, #tpu.memory_space<vmem>> -> memref<48x128xf32, #tpu.memory_space<vmem>>
      %dma_start3A_619 = tpu.memref_slice %arg7[%add3A_615] : memref<25600xi32, #tpu.memory_space<vmem>> -> memref<48xi32, #tpu.memory_space<vmem>>
      %dma_start3A_620 = arith.constant 0 : i32
      %dma_start3A_621 = arith.constant 0 : i32
      %dma_start3A_622 = tpu.memref_slice %arg3[%dma_start3A_620, %dma_start3A_621] : memref<1000000x128xf32, #tpu.memory_space<hbm>> -> memref<1000000x128xf32, #tpu.memory_space<hbm>>
      tpu.enqueue_indirect_dma source(%dma_start3A_622 : memref<1000000x128xf32, #tpu.memory_space<hbm>>) target(%dma_start3A_618 : memref<48x128xf32, #tpu.memory_space<vmem>>) offsets(%dma_start3A_619 : memref<48xi32, #tpu.memory_space<vmem>>) semaphore(%arg18 : memref<!tpu.dma_semaphore, #tpu.memory_space<semaphore_mem>>)
      %add3A_623 = arith.constant 152 : i32
      %add3A_624 = arith.addi %mul3A_595, %add3A_623 : i32
      %dma_start3A_625 = arith.constant 152 : i32
      %dma_start3A_626 = arith.constant 0 : i32
      %dma_start3A_627 = tpu.memref_slice %arg9[%dma_start3A_625, %dma_start3A_626] : memref<200x128xf32, #tpu.memory_space<vmem>> -> memref<48x128xf32, #tpu.memory_space<vmem>>
      %dma_start3A_628 = tpu.memref_slice %arg7[%add3A_624] : memref<25600xi32, #tpu.memory_space<vmem>> -> memref<48xi32, #tpu.memory_space<vmem>>
      %dma_start3A_629 = arith.constant 0 : i32
      %dma_start3A_630 = arith.constant 0 : i32
      %dma_start3A_631 = tpu.memref_slice %arg3[%dma_start3A_629, %dma_start3A_630] : memref<1000000x128xf32, #tpu.memory_space<hbm>> -> memref<1000000x128xf32, #tpu.memory_space<hbm>>
      tpu.enqueue_indirect_dma source(%dma_start3A_631 : memref<1000000x128xf32, #tpu.memory_space<hbm>>) target(%dma_start3A_627 : memref<48x128xf32, #tpu.memory_space<vmem>>) offsets(%dma_start3A_628 : memref<48xi32, #tpu.memory_space<vmem>>) semaphore(%arg18 : memref<!tpu.dma_semaphore, #tpu.memory_space<semaphore_mem>>)
      %dma_wait3A_632 = arith.constant 0 : i32
      %dma_wait3A_633 = arith.constant 0 : i32
      %dma_wait3A_634 = tpu.memref_slice %arg10[%dma_wait3A_632, %dma_wait3A_633] : memref<200x128xf32, #tpu.memory_space<vmem>> -> memref<56x128xf32, #tpu.memory_space<vmem>>
      %dma_wait3A_635 = arith.constant 0 : i32
      %dma_wait3A_636 = tpu.memref_slice %arg7[%dma_wait3A_635] : memref<25600xi32, #tpu.memory_space<vmem>> -> memref<56xi32, #tpu.memory_space<vmem>>
      %dma_wait3A_637 = arith.constant 0 : i32
      %dma_wait3A_638 = arith.constant 0 : i32
      %dma_wait3A_639 = tpu.memref_slice %arg3[%dma_wait3A_637, %dma_wait3A_638] : memref<1000000x128xf32, #tpu.memory_space<hbm>> -> memref<1000000x128xf32, #tpu.memory_space<hbm>>
      tpu.wait_indirect_dma semaphore(%arg19 : memref<!tpu.dma_semaphore, #tpu.memory_space<semaphore_mem>>) src(%dma_wait3A_639 : memref<1000000x128xf32, #tpu.memory_space<hbm>>) dst(%dma_wait3A_634 : memref<56x128xf32, #tpu.memory_space<vmem>>)
      %dma_wait3A_640 = arith.constant 56 : i32
      %dma_wait3A_641 = arith.constant 0 : i32
      %dma_wait3A_642 = tpu.memref_slice %arg10[%dma_wait3A_640, %dma_wait3A_641] : memref<200x128xf32, #tpu.memory_space<vmem>> -> memref<48x128xf32, #tpu.memory_space<vmem>>
      %dma_wait3A_643 = arith.constant 0 : i32
      %dma_wait3A_644 = tpu.memref_slice %arg7[%dma_wait3A_643] : memref<25600xi32, #tpu.memory_space<vmem>> -> memref<48xi32, #tpu.memory_space<vmem>>
      %dma_wait3A_645 = arith.constant 0 : i32
      %dma_wait3A_646 = arith.constant 0 : i32
      %dma_wait3A_647 = tpu.memref_slice %arg3[%dma_wait3A_645, %dma_wait3A_646] : memref<1000000x128xf32, #tpu.memory_space<hbm>> -> memref<1000000x128xf32, #tpu.memory_space<hbm>>
      tpu.wait_indirect_dma semaphore(%arg19 : memref<!tpu.dma_semaphore, #tpu.memory_space<semaphore_mem>>) src(%dma_wait3A_647 : memref<1000000x128xf32, #tpu.memory_space<hbm>>) dst(%dma_wait3A_642 : memref<48x128xf32, #tpu.memory_space<vmem>>)
      %dma_wait3A_648 = arith.constant 104 : i32
      %dma_wait3A_649 = arith.constant 0 : i32
      %dma_wait3A_650 = tpu.memref_slice %arg10[%dma_wait3A_648, %dma_wait3A_649] : memref<200x128xf32, #tpu.memory_space<vmem>> -> memref<48x128xf32, #tpu.memory_space<vmem>>
      %dma_wait3A_651 = arith.constant 0 : i32
      %dma_wait3A_652 = tpu.memref_slice %arg7[%dma_wait3A_651] : memref<25600xi32, #tpu.memory_space<vmem>> -> memref<48xi32, #tpu.memory_space<vmem>>
      %dma_wait3A_653 = arith.constant 0 : i32
      %dma_wait3A_654 = arith.constant 0 : i32
      %dma_wait3A_655 = tpu.memref_slice %arg3[%dma_wait3A_653, %dma_wait3A_654] : memref<1000000x128xf32, #tpu.memory_space<hbm>> -> memref<1000000x128xf32, #tpu.memory_space<hbm>>
      tpu.wait_indirect_dma semaphore(%arg19 : memref<!tpu.dma_semaphore, #tpu.memory_space<semaphore_mem>>) src(%dma_wait3A_655 : memref<1000000x128xf32, #tpu.memory_space<hbm>>) dst(%dma_wait3A_650 : memref<48x128xf32, #tpu.memory_space<vmem>>)
      %dma_wait3A_656 = arith.constant 152 : i32
      %dma_wait3A_657 = arith.constant 0 : i32
      %dma_wait3A_658 = tpu.memref_slice %arg10[%dma_wait3A_656, %dma_wait3A_657] : memref<200x128xf32, #tpu.memory_space<vmem>> -> memref<48x128xf32, #tpu.memory_space<vmem>>
      %dma_wait3A_659 = arith.constant 0 : i32
      %dma_wait3A_660 = tpu.memref_slice %arg7[%dma_wait3A_659] : memref<25600xi32, #tpu.memory_space<vmem>> -> memref<48xi32, #tpu.memory_space<vmem>>
      %dma_wait3A_661 = arith.constant 0 : i32
      %dma_wait3A_662 = arith.constant 0 : i32
      %dma_wait3A_663 = tpu.memref_slice %arg3[%dma_wait3A_661, %dma_wait3A_662] : memref<1000000x128xf32, #tpu.memory_space<hbm>> -> memref<1000000x128xf32, #tpu.memory_space<hbm>>
      tpu.wait_indirect_dma semaphore(%arg19 : memref<!tpu.dma_semaphore, #tpu.memory_space<semaphore_mem>>) src(%dma_wait3A_663 : memref<1000000x128xf32, #tpu.memory_space<hbm>>) dst(%dma_wait3A_658 : memref<48x128xf32, #tpu.memory_space<vmem>>)
      %add3A_664 = arith.constant 2 : i32
      %add3A_665 = arith.addi %mul3A_273, %add3A_664 : i32
      %broadcast_in_dim3A_666 = arith.constant 0.000000e+00 : f32
      %broadcast_in_dim3A_667 = vector.broadcast %broadcast_in_dim3A_666 : f32 to vector<16xf32>
      %broadcast_in_dim3A_668 = arith.constant 0.000000e+00 : f32
      %broadcast_in_dim3A_669 = vector.broadcast %broadcast_in_dim3A_668 : f32 to vector<16xf32>
      %broadcast_in_dim3A_670 = arith.constant 0.000000e+00 : f32
      %broadcast_in_dim3A_671 = vector.broadcast %broadcast_in_dim3A_670 : f32 to vector<16xf32>
      %broadcast_in_dim3A_672 = arith.constant 0.000000e+00 : f32
      %broadcast_in_dim3A_673 = vector.broadcast %broadcast_in_dim3A_672 : f32 to vector<16xf32>
      %broadcast_in_dim3A_674 = arith.constant 0.000000e+00 : f32
      %broadcast_in_dim3A_675 = vector.broadcast %broadcast_in_dim3A_674 : f32 to vector<16xf32>
      %broadcast_in_dim3A_676 = arith.constant 0.000000e+00 : f32
      %broadcast_in_dim3A_677 = vector.broadcast %broadcast_in_dim3A_676 : f32 to vector<16xf32>
      %broadcast_in_dim3A_678 = arith.constant 0.000000e+00 : f32
      %broadcast_in_dim3A_679 = vector.broadcast %broadcast_in_dim3A_678 : f32 to vector<16xf32>
      %broadcast_in_dim3A_680 = arith.constant 0.000000e+00 : f32
      %broadcast_in_dim3A_681 = vector.broadcast %broadcast_in_dim3A_680 : f32 to vector<16xf32>
      %scan3A_682 = arith.constant 0 : i32
      %scan3A_683 = arith.constant 200 : i32
      %scan3A_684 = arith.addi %scan3A_682, %scan3A_683 : i32
      %scan3A_685 = arith.constant 8 : i32
      %scan3A_686:8 = scf.for %scan3A_747 = %scan3A_682 to %scan3A_684 step %scan3A_685 iter_args(%scan3A_748 = %broadcast_in_dim3A_667, %scan3A_749 = %broadcast_in_dim3A_669, %scan3A_750 = %broadcast_in_dim3A_671, %scan3A_751 = %broadcast_in_dim3A_673, %scan3A_752 = %broadcast_in_dim3A_675, %scan3A_753 = %broadcast_in_dim3A_677, %scan3A_754 = %broadcast_in_dim3A_679, %scan3A_755 = %broadcast_in_dim3A_681) -> (vector<16xf32>, vector<16xf32>, vector<16xf32>, vector<16xf32>, vector<16xf32>, vector<16xf32>, vector<16xf32>, vector<16xf32>)  : i32 {
        %get3A_756 = arith.index_cast %scan3A_747 : i32 to index
        %get3A_757 = arith.constant 0 : index
        %get3A_758 = tpu.vector_load %arg10[%get3A_756, %get3A_757] {strides = array<i32>} : memref<200x128xf32, #tpu.memory_space<vmem>>, vector<16xf32>,
        %add3A_759 = arith.addf %scan3A_748, %get3A_758 : vector<16xf32>
        %get3A_760 = arith.index_cast %scan3A_747 : i32 to index
        %get3A_761 = arith.constant 16 : index
        %get3A_762 = tpu.vector_load %arg10[%get3A_760, %get3A_761] {strides = array<i32>} : memref<200x128xf32, #tpu.memory_space<vmem>>, vector<16xf32>,
        %add3A_763 = arith.addf %scan3A_749, %get3A_762 : vector<16xf32>
        %get3A_764 = arith.index_cast %scan3A_747 : i32 to index
        %get3A_765 = arith.constant 32 : index
        %get3A_766 = tpu.vector_load %arg10[%get3A_764, %get3A_765] {strides = array<i32>} : memref<200x128xf32, #tpu.memory_space<vmem>>, vector<16xf32>,
        %add3A_767 = arith.addf %scan3A_750, %get3A_766 : vector<16xf32>
        %get3A_768 = arith.index_cast %scan3A_747 : i32 to index
        %get3A_769 = arith.constant 48 : index
        %get3A_770 = tpu.vector_load %arg10[%get3A_768, %get3A_769] {strides = array<i32>} : memref<200x128xf32, #tpu.memory_space<vmem>>, vector<16xf32>,
        %add3A_771 = arith.addf %scan3A_751, %get3A_770 : vector<16xf32>
        %get3A_772 = arith.index_cast %scan3A_747 : i32 to index
        %get3A_773 = arith.constant 64 : index
        %get3A_774 = tpu.vector_load %arg10[%get3A_772, %get3A_773] {strides = array<i32>} : memref<200x128xf32, #tpu.memory_space<vmem>>, vector<16xf32>,
        %add3A_775 = arith.addf %scan3A_752, %get3A_774 : vector<16xf32>
        %get3A_776 = arith.index_cast %scan3A_747 : i32 to index
        %get3A_777 = arith.constant 80 : index
        %get3A_778 = tpu.vector_load %arg10[%get3A_776, %get3A_777] {strides = array<i32>} : memref<200x128xf32, #tpu.memory_space<vmem>>, vector<16xf32>,
        %add3A_779 = arith.addf %scan3A_753, %get3A_778 : vector<16xf32>
        %get3A_780 = arith.index_cast %scan3A_747 : i32 to index
        %get3A_781 = arith.constant 96 : index
        %get3A_782 = tpu.vector_load %arg10[%get3A_780, %get3A_781] {strides = array<i32>} : memref<200x128xf32, #tpu.memory_space<vmem>>, vector<16xf32>,
        %add3A_783 = arith.addf %scan3A_754, %get3A_782 : vector<16xf32>
        %get3A_784 = arith.index_cast %scan3A_747 : i32 to index
        %get3A_785 = arith.constant 112 : index
        %get3A_786 = tpu.vector_load %arg10[%get3A_784, %get3A_785] {strides = array<i32>} : memref<200x128xf32, #tpu.memory_space<vmem>>, vector<16xf32>,
        %add3A_787 = arith.addf %scan3A_755, %get3A_786 : vector<16xf32>
        %scan3A_788 = arith.constant 1 : i32
        %scan3A_789 = arith.addi %scan3A_747, %scan3A_788 : i32
        %get3A_790 = arith.index_cast %scan3A_789 : i32 to index
        %get3A_791 = arith.constant 0 : index
        %get3A_792 = tpu.vector_load %arg10[%get3A_790, %get3A_791] {strides = array<i32>} : memref<200x128xf32, #tpu.memory_space<vmem>>, vector<16xf32>,
        %add3A_793 = arith.addf %add3A_759, %get3A_792 : vector<16xf32>
        %get3A_794 = arith.index_cast %scan3A_789 : i32 to index
        %get3A_795 = arith.constant 16 : index
        %get3A_796 = tpu.vector_load %arg10[%get3A_794, %get3A_795] {strides = array<i32>} : memref<200x128xf32, #tpu.memory_space<vmem>>, vector<16xf32>,
        %add3A_797 = arith.addf %add3A_763, %get3A_796 : vector<16xf32>
        %get3A_798 = arith.index_cast %scan3A_789 : i32 to index
        %get3A_799 = arith.constant 32 : index
        %get3A_800 = tpu.vector_load %arg10[%get3A_798, %get3A_799] {strides = array<i32>} : memref<200x128xf32, #tpu.memory_space<vmem>>, vector<16xf32>,
        %add3A_801 = arith.addf %add3A_767, %get3A_800 : vector<16xf32>
        %get3A_802 = arith.index_cast %scan3A_789 : i32 to index
        %get3A_803 = arith.constant 48 : index
        %get3A_804 = tpu.vector_load %arg10[%get3A_802, %get3A_803] {strides = array<i32>} : memref<200x128xf32, #tpu.memory_space<vmem>>, vector<16xf32>,
        %add3A_805 = arith.addf %add3A_771, %get3A_804 : vector<16xf32>
        %get3A_806 = arith.index_cast %scan3A_789 : i32 to index
        %get3A_807 = arith.constant 64 : index
        %get3A_808 = tpu.vector_load %arg10[%get3A_806, %get3A_807] {strides = array<i32>} : memref<200x128xf32, #tpu.memory_space<vmem>>, vector<16xf32>,
        %add3A_809 = arith.addf %add3A_775, %get3A_808 : vector<16xf32>
        %get3A_810 = arith.index_cast %scan3A_789 : i32 to index
        %get3A_811 = arith.constant 80 : index
        %get3A_812 = tpu.vector_load %arg10[%get3A_810, %get3A_811] {strides = array<i32>} : memref<200x128xf32, #tpu.memory_space<vmem>>, vector<16xf32>,
        %add3A_813 = arith.addf %add3A_779, %get3A_812 : vector<16xf32>
        %get3A_814 = arith.index_cast %scan3A_789 : i32 to index
        %get3A_815 = arith.constant 96 : index
        %get3A_816 = tpu.vector_load %arg10[%get3A_814, %get3A_815] {strides = array<i32>} : memref<200x128xf32, #tpu.memory_space<vmem>>, vector<16xf32>,
        %add3A_817 = arith.addf %add3A_783, %get3A_816 : vector<16xf32>
        %get3A_818 = arith.index_cast %scan3A_789 : i32 to index
        %get3A_819 = arith.constant 112 : index
        %get3A_820 = tpu.vector_load %arg10[%get3A_818, %get3A_819] {strides = array<i32>} : memref<200x128xf32, #tpu.memory_space<vmem>>, vector<16xf32>,
        %add3A_821 = arith.addf %add3A_787, %get3A_820 : vector<16xf32>
        %scan3A_822 = arith.constant 2 : i32
        %scan3A_823 = arith.addi %scan3A_747, %scan3A_822 : i32
        %get3A_824 = arith.index_cast %scan3A_823 : i32 to index
        %get3A_825 = arith.constant 0 : index
        %get3A_826 = tpu.vector_load %arg10[%get3A_824, %get3A_825] {strides = array<i32>} : memref<200x128xf32, #tpu.memory_space<vmem>>, vector<16xf32>,
        %add3A_827 = arith.addf %add3A_793, %get3A_826 : vector<16xf32>
        %get3A_828 = arith.index_cast %scan3A_823 : i32 to index
        %get3A_829 = arith.constant 16 : index
        %get3A_830 = tpu.vector_load %arg10[%get3A_828, %get3A_829] {strides = array<i32>} : memref<200x128xf32, #tpu.memory_space<vmem>>, vector<16xf32>,
        %add3A_831 = arith.addf %add3A_797, %get3A_830 : vector<16xf32>
        %get3A_832 = arith.index_cast %scan3A_823 : i32 to index
        %get3A_833 = arith.constant 32 : index
        %get3A_834 = tpu.vector_load %arg10[%get3A_832, %get3A_833] {strides = array<i32>} : memref<200x128xf32, #tpu.memory_space<vmem>>, vector<16xf32>,
        %add3A_835 = arith.addf %add3A_801, %get3A_834 : vector<16xf32>
        %get3A_836 = arith.index_cast %scan3A_823 : i32 to index
        %get3A_837 = arith.constant 48 : index
        %get3A_838 = tpu.vector_load %arg10[%get3A_836, %get3A_837] {strides = array<i32>} : memref<200x128xf32, #tpu.memory_space<vmem>>, vector<16xf32>,
        %add3A_839 = arith.addf %add3A_805, %get3A_838 : vector<16xf32>
        %get3A_840 = arith.index_cast %scan3A_823 : i32 to index
        %get3A_841 = arith.constant 64 : index
        %get3A_842 = tpu.vector_load %arg10[%get3A_840, %get3A_841] {strides = array<i32>} : memref<200x128xf32, #tpu.memory_space<vmem>>, vector<16xf32>,
        %add3A_843 = arith.addf %add3A_809, %get3A_842 : vector<16xf32>
        %get3A_844 = arith.index_cast %scan3A_823 : i32 to index
        %get3A_845 = arith.constant 80 : index
        %get3A_846 = tpu.vector_load %arg10[%get3A_844, %get3A_845] {strides = array<i32>} : memref<200x128xf32, #tpu.memory_space<vmem>>, vector<16xf32>,
        %add3A_847 = arith.addf %add3A_813, %get3A_846 : vector<16xf32>
        %get3A_848 = arith.index_cast %scan3A_823 : i32 to index
        %get3A_849 = arith.constant 96 : index
        %get3A_850 = tpu.vector_load %arg10[%get3A_848, %get3A_849] {strides = array<i32>} : memref<200x128xf32, #tpu.memory_space<vmem>>, vector<16xf32>,
        %add3A_851 = arith.addf %add3A_817, %get3A_850 : vector<16xf32>
        %get3A_852 = arith.index_cast %scan3A_823 : i32 to index
        %get3A_853 = arith.constant 112 : index
        %get3A_854 = tpu.vector_load %arg10[%get3A_852, %get3A_853] {strides = array<i32>} : memref<200x128xf32, #tpu.memory_space<vmem>>, vector<16xf32>,
        %add3A_855 = arith.addf %add3A_821, %get3A_854 : vector<16xf32>
        %scan3A_856 = arith.constant 3 : i32
        %scan3A_857 = arith.addi %scan3A_747, %scan3A_856 : i32
        %get3A_858 = arith.index_cast %scan3A_857 : i32 to index
        %get3A_859 = arith.constant 0 : index
        %get3A_860 = tpu.vector_load %arg10[%get3A_858, %get3A_859] {strides = array<i32>} : memref<200x128xf32, #tpu.memory_space<vmem>>, vector<16xf32>,
        %add3A_861 = arith.addf %add3A_827, %get3A_860 : vector<16xf32>
        %get3A_862 = arith.index_cast %scan3A_857 : i32 to index
        %get3A_863 = arith.constant 16 : index
        %get3A_864 = tpu.vector_load %arg10[%get3A_862, %get3A_863] {strides = array<i32>} : memref<200x128xf32, #tpu.memory_space<vmem>>, vector<16xf32>,
        %add3A_865 = arith.addf %add3A_831, %get3A_864 : vector<16xf32>
        %get3A_866 = arith.index_cast %scan3A_857 : i32 to index
        %get3A_867 = arith.constant 32 : index
        %get3A_868 = tpu.vector_load %arg10[%get3A_866, %get3A_867] {strides = array<i32>} : memref<200x128xf32, #tpu.memory_space<vmem>>, vector<16xf32>,
        %add3A_869 = arith.addf %add3A_835, %get3A_868 : vector<16xf32>
        %get3A_870 = arith.index_cast %scan3A_857 : i32 to index
        %get3A_871 = arith.constant 48 : index
        %get3A_872 = tpu.vector_load %arg10[%get3A_870, %get3A_871] {strides = array<i32>} : memref<200x128xf32, #tpu.memory_space<vmem>>, vector<16xf32>,
        %add3A_873 = arith.addf %add3A_839, %get3A_872 : vector<16xf32>
        %get3A_874 = arith.index_cast %scan3A_857 : i32 to index
        %get3A_875 = arith.constant 64 : index
        %get3A_876 = tpu.vector_load %arg10[%get3A_874, %get3A_875] {strides = array<i32>} : memref<200x128xf32, #tpu.memory_space<vmem>>, vector<16xf32>,
        %add3A_877 = arith.addf %add3A_843, %get3A_876 : vector<16xf32>
        %get3A_878 = arith.index_cast %scan3A_857 : i32 to index
        %get3A_879 = arith.constant 80 : index
        %get3A_880 = tpu.vector_load %arg10[%get3A_878, %get3A_879] {strides = array<i32>} : memref<200x128xf32, #tpu.memory_space<vmem>>, vector<16xf32>,
        %add3A_881 = arith.addf %add3A_847, %get3A_880 : vector<16xf32>
        %get3A_882 = arith.index_cast %scan3A_857 : i32 to index
        %get3A_883 = arith.constant 96 : index
        %get3A_884 = tpu.vector_load %arg10[%get3A_882, %get3A_883] {strides = array<i32>} : memref<200x128xf32, #tpu.memory_space<vmem>>, vector<16xf32>,
        %add3A_885 = arith.addf %add3A_851, %get3A_884 : vector<16xf32>
        %get3A_886 = arith.index_cast %scan3A_857 : i32 to index
        %get3A_887 = arith.constant 112 : index
        %get3A_888 = tpu.vector_load %arg10[%get3A_886, %get3A_887] {strides = array<i32>} : memref<200x128xf32, #tpu.memory_space<vmem>>, vector<16xf32>,
        %add3A_889 = arith.addf %add3A_855, %get3A_888 : vector<16xf32>
        %scan3A_890 = arith.constant 4 : i32
        %scan3A_891 = arith.addi %scan3A_747, %scan3A_890 : i32
        %get3A_892 = arith.index_cast %scan3A_891 : i32 to index
        %get3A_893 = arith.constant 0 : index
        %get3A_894 = tpu.vector_load %arg10[%get3A_892, %get3A_893] {strides = array<i32>} : memref<200x128xf32, #tpu.memory_space<vmem>>, vector<16xf32>,
        %add3A_895 = arith.addf %add3A_861, %get3A_894 : vector<16xf32>
        %get3A_896 = arith.index_cast %scan3A_891 : i32 to index
        %get3A_897 = arith.constant 16 : index
        %get3A_898 = tpu.vector_load %arg10[%get3A_896, %get3A_897] {strides = array<i32>} : memref<200x128xf32, #tpu.memory_space<vmem>>, vector<16xf32>,
        %add3A_899 = arith.addf %add3A_865, %get3A_898 : vector<16xf32>
        %get3A_900 = arith.index_cast %scan3A_891 : i32 to index
        %get3A_901 = arith.constant 32 : index
        %get3A_902 = tpu.vector_load %arg10[%get3A_900, %get3A_901] {strides = array<i32>} : memref<200x128xf32, #tpu.memory_space<vmem>>, vector<16xf32>,
        %add3A_903 = arith.addf %add3A_869, %get3A_902 : vector<16xf32>
        %get3A_904 = arith.index_cast %scan3A_891 : i32 to index
        %get3A_905 = arith.constant 48 : index
        %get3A_906 = tpu.vector_load %arg10[%get3A_904, %get3A_905] {strides = array<i32>} : memref<200x128xf32, #tpu.memory_space<vmem>>, vector<16xf32>,
        %add3A_907 = arith.addf %add3A_873, %get3A_906 : vector<16xf32>
        %get3A_908 = arith.index_cast %scan3A_891 : i32 to index
        %get3A_909 = arith.constant 64 : index
        %get3A_910 = tpu.vector_load %arg10[%get3A_908, %get3A_909] {strides = array<i32>} : memref<200x128xf32, #tpu.memory_space<vmem>>, vector<16xf32>,
        %add3A_911 = arith.addf %add3A_877, %get3A_910 : vector<16xf32>
        %get3A_912 = arith.index_cast %scan3A_891 : i32 to index
        %get3A_913 = arith.constant 80 : index
        %get3A_914 = tpu.vector_load %arg10[%get3A_912, %get3A_913] {strides = array<i32>} : memref<200x128xf32, #tpu.memory_space<vmem>>, vector<16xf32>,
        %add3A_915 = arith.addf %add3A_881, %get3A_914 : vector<16xf32>
        %get3A_916 = arith.index_cast %scan3A_891 : i32 to index
        %get3A_917 = arith.constant 96 : index
        %get3A_918 = tpu.vector_load %arg10[%get3A_916, %get3A_917] {strides = array<i32>} : memref<200x128xf32, #tpu.memory_space<vmem>>, vector<16xf32>,
        %add3A_919 = arith.addf %add3A_885, %get3A_918 : vector<16xf32>
        %get3A_920 = arith.index_cast %scan3A_891 : i32 to index
        %get3A_921 = arith.constant 112 : index
        %get3A_922 = tpu.vector_load %arg10[%get3A_920, %get3A_921] {strides = array<i32>} : memref<200x128xf32, #tpu.memory_space<vmem>>, vector<16xf32>,
        %add3A_923 = arith.addf %add3A_889, %get3A_922 : vector<16xf32>
        %scan3A_924 = arith.constant 5 : i32
        %scan3A_925 = arith.addi %scan3A_747, %scan3A_924 : i32
        %get3A_926 = arith.index_cast %scan3A_925 : i32 to index
        %get3A_927 = arith.constant 0 : index
        %get3A_928 = tpu.vector_load %arg10[%get3A_926, %get3A_927] {strides = array<i32>} : memref<200x128xf32, #tpu.memory_space<vmem>>, vector<16xf32>,
        %add3A_929 = arith.addf %add3A_895, %get3A_928 : vector<16xf32>
        %get3A_930 = arith.index_cast %scan3A_925 : i32 to index
        %get3A_931 = arith.constant 16 : index
        %get3A_932 = tpu.vector_load %arg10[%get3A_930, %get3A_931] {strides = array<i32>} : memref<200x128xf32, #tpu.memory_space<vmem>>, vector<16xf32>,
        %add3A_933 = arith.addf %add3A_899, %get3A_932 : vector<16xf32>
        %get3A_934 = arith.index_cast %scan3A_925 : i32 to index
        %get3A_935 = arith.constant 32 : index
        %get3A_936 = tpu.vector_load %arg10[%get3A_934, %get3A_935] {strides = array<i32>} : memref<200x128xf32, #tpu.memory_space<vmem>>, vector<16xf32>,
        %add3A_937 = arith.addf %add3A_903, %get3A_936 : vector<16xf32>
        %get3A_938 = arith.index_cast %scan3A_925 : i32 to index
        %get3A_939 = arith.constant 48 : index
        %get3A_940 = tpu.vector_load %arg10[%get3A_938, %get3A_939] {strides = array<i32>} : memref<200x128xf32, #tpu.memory_space<vmem>>, vector<16xf32>,
        %add3A_941 = arith.addf %add3A_907, %get3A_940 : vector<16xf32>
        %get3A_942 = arith.index_cast %scan3A_925 : i32 to index
        %get3A_943 = arith.constant 64 : index
        %get3A_944 = tpu.vector_load %arg10[%get3A_942, %get3A_943] {strides = array<i32>} : memref<200x128xf32, #tpu.memory_space<vmem>>, vector<16xf32>,
        %add3A_945 = arith.addf %add3A_911, %get3A_944 : vector<16xf32>
        %get3A_946 = arith.index_cast %scan3A_925 : i32 to index
        %get3A_947 = arith.constant 80 : index
        %get3A_948 = tpu.vector_load %arg10[%get3A_946, %get3A_947] {strides = array<i32>} : memref<200x128xf32, #tpu.memory_space<vmem>>, vector<16xf32>,
        %add3A_949 = arith.addf %add3A_915, %get3A_948 : vector<16xf32>
        %get3A_950 = arith.index_cast %scan3A_925 : i32 to index
        %get3A_951 = arith.constant 96 : index
        %get3A_952 = tpu.vector_load %arg10[%get3A_950, %get3A_951] {strides = array<i32>} : memref<200x128xf32, #tpu.memory_space<vmem>>, vector<16xf32>,
        %add3A_953 = arith.addf %add3A_919, %get3A_952 : vector<16xf32>
        %get3A_954 = arith.index_cast %scan3A_925 : i32 to index
        %get3A_955 = arith.constant 112 : index
        %get3A_956 = tpu.vector_load %arg10[%get3A_954, %get3A_955] {strides = array<i32>} : memref<200x128xf32, #tpu.memory_space<vmem>>, vector<16xf32>,
        %add3A_957 = arith.addf %add3A_923, %get3A_956 : vector<16xf32>
        %scan3A_958 = arith.constant 6 : i32
        %scan3A_959 = arith.addi %scan3A_747, %scan3A_958 : i32
        %get3A_960 = arith.index_cast %scan3A_959 : i32 to index
        %get3A_961 = arith.constant 0 : index
        %get3A_962 = tpu.vector_load %arg10[%get3A_960, %get3A_961] {strides = array<i32>} : memref<200x128xf32, #tpu.memory_space<vmem>>, vector<16xf32>,
        %add3A_963 = arith.addf %add3A_929, %get3A_962 : vector<16xf32>
        %get3A_964 = arith.index_cast %scan3A_959 : i32 to index
        %get3A_965 = arith.constant 16 : index
        %get3A_966 = tpu.vector_load %arg10[%get3A_964, %get3A_965] {strides = array<i32>} : memref<200x128xf32, #tpu.memory_space<vmem>>, vector<16xf32>,
        %add3A_967 = arith.addf %add3A_933, %get3A_966 : vector<16xf32>
        %get3A_968 = arith.index_cast %scan3A_959 : i32 to index
        %get3A_969 = arith.constant 32 : index
        %get3A_970 = tpu.vector_load %arg10[%get3A_968, %get3A_969] {strides = array<i32>} : memref<200x128xf32, #tpu.memory_space<vmem>>, vector<16xf32>,
        %add3A_971 = arith.addf %add3A_937, %get3A_970 : vector<16xf32>
        %get3A_972 = arith.index_cast %scan3A_959 : i32 to index
        %get3A_973 = arith.constant 48 : index
        %get3A_974 = tpu.vector_load %arg10[%get3A_972, %get3A_973] {strides = array<i32>} : memref<200x128xf32, #tpu.memory_space<vmem>>, vector<16xf32>,
        %add3A_975 = arith.addf %add3A_941, %get3A_974 : vector<16xf32>
        %get3A_976 = arith.index_cast %scan3A_959 : i32 to index
        %get3A_977 = arith.constant 64 : index
        %get3A_978 = tpu.vector_load %arg10[%get3A_976, %get3A_977] {strides = array<i32>} : memref<200x128xf32, #tpu.memory_space<vmem>>, vector<16xf32>,
        %add3A_979 = arith.addf %add3A_945, %get3A_978 : vector<16xf32>
        %get3A_980 = arith.index_cast %scan3A_959 : i32 to index
        %get3A_981 = arith.constant 80 : index
        %get3A_982 = tpu.vector_load %arg10[%get3A_980, %get3A_981] {strides = array<i32>} : memref<200x128xf32, #tpu.memory_space<vmem>>, vector<16xf32>,
        %add3A_983 = arith.addf %add3A_949, %get3A_982 : vector<16xf32>
        %get3A_984 = arith.index_cast %scan3A_959 : i32 to index
        %get3A_985 = arith.constant 96 : index
        %get3A_986 = tpu.vector_load %arg10[%get3A_984, %get3A_985] {strides = array<i32>} : memref<200x128xf32, #tpu.memory_space<vmem>>, vector<16xf32>,
        %add3A_987 = arith.addf %add3A_953, %get3A_986 : vector<16xf32>
        %get3A_988 = arith.index_cast %scan3A_959 : i32 to index
        %get3A_989 = arith.constant 112 : index
        %get3A_990 = tpu.vector_load %arg10[%get3A_988, %get3A_989] {strides = array<i32>} : memref<200x128xf32, #tpu.memory_space<vmem>>, vector<16xf32>,
        %add3A_991 = arith.addf %add3A_957, %get3A_990 : vector<16xf32>
        %scan3A_992 = arith.constant 7 : i32
        %scan3A_993 = arith.addi %scan3A_747, %scan3A_992 : i32
        %get3A_994 = arith.index_cast %scan3A_993 : i32 to index
        %get3A_995 = arith.constant 0 : index
        %get3A_996 = tpu.vector_load %arg10[%get3A_994, %get3A_995] {strides = array<i32>} : memref<200x128xf32, #tpu.memory_space<vmem>>, vector<16xf32>,
        %add3A_997 = arith.addf %add3A_963, %get3A_996 : vector<16xf32>
        %get3A_998 = arith.index_cast %scan3A_993 : i32 to index
        %get3A_999 = arith.constant 16 : index
        %get3A_1000 = tpu.vector_load %arg10[%get3A_998, %get3A_999] {strides = array<i32>} : memref<200x128xf32, #tpu.memory_space<vmem>>, vector<16xf32>,
        %add3A_1001 = arith.addf %add3A_967, %get3A_1000 : vector<16xf32>
        %get3A_1002 = arith.index_cast %scan3A_993 : i32 to index
        %get3A_1003 = arith.constant 32 : index
        %get3A_1004 = tpu.vector_load %arg10[%get3A_1002, %get3A_1003] {strides = array<i32>} : memref<200x128xf32, #tpu.memory_space<vmem>>, vector<16xf32>,
        %add3A_1005 = arith.addf %add3A_971, %get3A_1004 : vector<16xf32>
        %get3A_1006 = arith.index_cast %scan3A_993 : i32 to index
        %get3A_1007 = arith.constant 48 : index
        %get3A_1008 = tpu.vector_load %arg10[%get3A_1006, %get3A_1007] {strides = array<i32>} : memref<200x128xf32, #tpu.memory_space<vmem>>, vector<16xf32>,
        %add3A_1009 = arith.addf %add3A_975, %get3A_1008 : vector<16xf32>
        %get3A_1010 = arith.index_cast %scan3A_993 : i32 to index
        %get3A_1011 = arith.constant 64 : index
        %get3A_1012 = tpu.vector_load %arg10[%get3A_1010, %get3A_1011] {strides = array<i32>} : memref<200x128xf32, #tpu.memory_space<vmem>>, vector<16xf32>,
        %add3A_1013 = arith.addf %add3A_979, %get3A_1012 : vector<16xf32>
        %get3A_1014 = arith.index_cast %scan3A_993 : i32 to index
        %get3A_1015 = arith.constant 80 : index
        %get3A_1016 = tpu.vector_load %arg10[%get3A_1014, %get3A_1015] {strides = array<i32>} : memref<200x128xf32, #tpu.memory_space<vmem>>, vector<16xf32>,
        %add3A_1017 = arith.addf %add3A_983, %get3A_1016 : vector<16xf32>
        %get3A_1018 = arith.index_cast %scan3A_993 : i32 to index
        %get3A_1019 = arith.constant 96 : index
        %get3A_1020 = tpu.vector_load %arg10[%get3A_1018, %get3A_1019] {strides = array<i32>} : memref<200x128xf32, #tpu.memory_space<vmem>>, vector<16xf32>,
        %add3A_1021 = arith.addf %add3A_987, %get3A_1020 : vector<16xf32>
        %get3A_1022 = arith.index_cast %scan3A_993 : i32 to index
        %get3A_1023 = arith.constant 112 : index
        %get3A_1024 = tpu.vector_load %arg10[%get3A_1022, %get3A_1023] {strides = array<i32>} : memref<200x128xf32, #tpu.memory_space<vmem>>, vector<16xf32>,
        %add3A_1025 = arith.addf %add3A_991, %get3A_1024 : vector<16xf32>
        scf.yield %add3A_997, %add3A_1001, %add3A_1005, %add3A_1009, %add3A_1013, %add3A_1017, %add3A_1021, %add3A_1025 : vector<16xf32>, vector<16xf32>, vector<16xf32>, vector<16xf32>, vector<16xf32>, vector<16xf32>, vector<16xf32>, vector<16xf32>
      }
      %scan3A_687 = arith.constant 200 : i32
      %jit3A_688 = arith.constant 16 : i32
      %eq3A_689 = arith.constant 0 : i32
      %eq3A_690 = arith.cmpi eq, %jit3A_688, %eq3A_689 : i32
      %jit3A_691 = arith.constant 1 : i32
      %select_n3A_692 = arith.select %eq3A_690, %jit3A_691, %jit3A_688 : i32
      %rem3A_693 = arith.remsi %add3A_665, %select_n3A_692 : i32
      %ne3A_694 = arith.constant 0 : i32
      %ne3A_695 = arith.cmpi ne, %rem3A_693, %ne3A_694 : i32
      %lt3A_696 = arith.constant 0 : i32
      %lt3A_697 = arith.cmpi slt, %rem3A_693, %lt3A_696 : i32
      %lt3A_698 = arith.constant 0 : i32
      %lt3A_699 = arith.cmpi slt, %select_n3A_692, %lt3A_698 : i32
      %ne3A_700 = arith.xori %lt3A_697, %lt3A_699 : i1
      %and3A_701 = arith.andi %ne3A_700, %ne3A_695 : i1
      %add3A_702 = arith.addi %rem3A_693, %select_n3A_692 : i32
      %select_n3A_703 = arith.select %and3A_701, %add3A_702, %rem3A_693 : i32
      %mul3A_704 = arith.mulf %scan3A_686#0, %get3A_59 : vector<16xf32>
      %mul3A_705 = arith.mulf %scan3A_686#1, %get3A_63 : vector<16xf32>
      %add3A_706 = arith.addf %mul3A_704, %mul3A_705 : vector<16xf32>
      %mul3A_707 = arith.mulf %scan3A_686#2, %get3A_67 : vector<16xf32>
      %add3A_708 = arith.addf %add3A_706, %mul3A_707 : vector<16xf32>
      %mul3A_709 = arith.mulf %scan3A_686#3, %get3A_71 : vector<16xf32>
      %add3A_710 = arith.addf %add3A_708, %mul3A_709 : vector<16xf32>
      %mul3A_711 = arith.mulf %scan3A_686#4, %get3A_75 : vector<16xf32>
      %add3A_712 = arith.addf %add3A_710, %mul3A_711 : vector<16xf32>
      %mul3A_713 = arith.mulf %scan3A_686#5, %get3A_79 : vector<16xf32>
      %add3A_714 = arith.addf %add3A_712, %mul3A_713 : vector<16xf32>
      %mul3A_715 = arith.mulf %scan3A_686#6, %get3A_83 : vector<16xf32>
      %add3A_716 = arith.addf %add3A_714, %mul3A_715 : vector<16xf32>
      %mul3A_717 = arith.mulf %scan3A_686#7, %get3A_87 : vector<16xf32>
      %add3A_718 = arith.addf %add3A_716, %mul3A_717 : vector<16xf32>
      %mul3A_719 = arith.constant 16 : i32
      %mul3A_720 = arith.muli %select_n3A_703, %mul3A_719 : i32
      %swap3A_721 = arith.index_cast %mul3A_720 : i32 to index
      %swap3A_722 = tpu.vector_load %arg13[%swap3A_721] {strides = array<i32>} : memref<256xf32, #tpu.memory_space<vmem>>, vector<16xf32>,
      tpu.vector_store %arg13[%swap3A_721], %add3A_718 {strides = array<i32>} : memref<256xf32, #tpu.memory_space<vmem>>, vector<16xf32>,
      %mul3A_723 = arith.mulf %scan3A_686#0, %get3A_91 : vector<16xf32>
      %mul3A_724 = arith.mulf %scan3A_686#1, %get3A_95 : vector<16xf32>
      %add3A_725 = arith.addf %mul3A_723, %mul3A_724 : vector<16xf32>
      %mul3A_726 = arith.mulf %scan3A_686#2, %get3A_99 : vector<16xf32>
      %add3A_727 = arith.addf %add3A_725, %mul3A_726 : vector<16xf32>
      %mul3A_728 = arith.mulf %scan3A_686#3, %get3A_103 : vector<16xf32>
      %add3A_729 = arith.addf %add3A_727, %mul3A_728 : vector<16xf32>
      %mul3A_730 = arith.mulf %scan3A_686#4, %get3A_107 : vector<16xf32>
      %add3A_731 = arith.addf %add3A_729, %mul3A_730 : vector<16xf32>
      %mul3A_732 = arith.mulf %scan3A_686#5, %get3A_111 : vector<16xf32>
      %add3A_733 = arith.addf %add3A_731, %mul3A_732 : vector<16xf32>
      %mul3A_734 = arith.mulf %scan3A_686#6, %get3A_115 : vector<16xf32>
      %add3A_735 = arith.addf %add3A_733, %mul3A_734 : vector<16xf32>
      %mul3A_736 = arith.mulf %scan3A_686#7, %get3A_119 : vector<16xf32>
      %add3A_737 = arith.addf %add3A_735, %mul3A_736 : vector<16xf32>
      %mul3A_738 = arith.constant 16 : i32
      %mul3A_739 = arith.muli %select_n3A_703, %mul3A_738 : i32
      %swap3A_740 = arith.index_cast %mul3A_739 : i32 to index
      %swap3A_741 = tpu.vector_load %arg14[%swap3A_740] {strides = array<i32>} : memref<256xf32, #tpu.memory_space<vmem>>, vector<16xf32>,
      tpu.vector_store %arg14[%swap3A_740], %add3A_737 {strides = array<i32>} : memref<256xf32, #tpu.memory_space<vmem>>, vector<16xf32>,
      %eq3A_742 = arith.constant 15 : i32
      %eq3A_743 = arith.cmpi eq, %select_n3A_703, %eq3A_742 : i32
      %convert_element_type3A_744 = arith.extui %eq3A_743 : i1 to i32
      %cond3A_745 = arith.constant 0 : i32
      %cond3A_746 = arith.cmpi ne, %convert_element_type3A_744, %cond3A_745 : i32
      scf.if %cond3A_746 {
        %broadcast_in_dim3A_747 = arith.constant 0.000000e+00 : f32
        %broadcast_in_dim3A_748 = vector.broadcast %broadcast_in_dim3A_747 : f32 to vector<16xf32>
        %mul3A_749 = arith.constant 16 : i32
        %mul3A_750 = vector.broadcast %mul3A_749 : i32 to vector<16xi32>
        %mul3A_751 = arith.muli %iota3A, %mul3A_750 : vector<16xi32>
        %add3A_752 = arith.constant 0 : i32
        %add3A_753 = vector.broadcast %add3A_752 : i32 to vector<16xi32>
        %add3A_754 = arith.addi %mul3A_751, %add3A_753 : vector<16xi32>
        %gather3A = tpu.vector_load_idx %arg13[%add3A_754] : memref<256xf32, #tpu.memory_space<vmem>>[vector<16xi32>], vector<16xf32>,
        %add3A_755 = arith.addf %broadcast_in_dim3A_748, %gather3A : vector<16xf32>
        %mul3A_756 = arith.constant 16 : i32
        %mul3A_757 = vector.broadcast %mul3A_756 : i32 to vector<16xi32>
        %mul3A_758 = arith.muli %iota3A, %mul3A_757 : vector<16xi32>
        %add3A_759 = arith.constant 1 : i32
        %add3A_760 = vector.broadcast %add3A_759 : i32 to vector<16xi32>
        %add3A_761 = arith.addi %mul3A_758, %add3A_760 : vector<16xi32>
        %gather3A_762 = tpu.vector_load_idx %arg13[%add3A_761] : memref<256xf32, #tpu.memory_space<vmem>>[vector<16xi32>], vector<16xf32>,
        %add3A_763 = arith.addf %add3A_755, %gather3A_762 : vector<16xf32>
        %mul3A_764 = arith.constant 16 : i32
        %mul3A_765 = vector.broadcast %mul3A_764 : i32 to vector<16xi32>
        %mul3A_766 = arith.muli %iota3A, %mul3A_765 : vector<16xi32>
        %add3A_767 = arith.constant 2 : i32
        %add3A_768 = vector.broadcast %add3A_767 : i32 to vector<16xi32>
        %add3A_769 = arith.addi %mul3A_766, %add3A_768 : vector<16xi32>
        %gather3A_770 = tpu.vector_load_idx %arg13[%add3A_769] : memref<256xf32, #tpu.memory_space<vmem>>[vector<16xi32>], vector<16xf32>,
        %add3A_771 = arith.addf %add3A_763, %gather3A_770 : vector<16xf32>
        %mul3A_772 = arith.constant 16 : i32
        %mul3A_773 = vector.broadcast %mul3A_772 : i32 to vector<16xi32>
        %mul3A_774 = arith.muli %iota3A, %mul3A_773 : vector<16xi32>
        %add3A_775 = arith.constant 3 : i32
        %add3A_776 = vector.broadcast %add3A_775 : i32 to vector<16xi32>
        %add3A_777 = arith.addi %mul3A_774, %add3A_776 : vector<16xi32>
        %gather3A_778 = tpu.vector_load_idx %arg13[%add3A_777] : memref<256xf32, #tpu.memory_space<vmem>>[vector<16xi32>], vector<16xf32>,
        %add3A_779 = arith.addf %add3A_771, %gather3A_778 : vector<16xf32>
        %mul3A_780 = arith.constant 16 : i32
        %mul3A_781 = vector.broadcast %mul3A_780 : i32 to vector<16xi32>
        %mul3A_782 = arith.muli %iota3A, %mul3A_781 : vector<16xi32>
        %add3A_783 = arith.constant 4 : i32
        %add3A_784 = vector.broadcast %add3A_783 : i32 to vector<16xi32>
        %add3A_785 = arith.addi %mul3A_782, %add3A_784 : vector<16xi32>
        %gather3A_786 = tpu.vector_load_idx %arg13[%add3A_785] : memref<256xf32, #tpu.memory_space<vmem>>[vector<16xi32>], vector<16xf32>,
        %add3A_787 = arith.addf %add3A_779, %gather3A_786 : vector<16xf32>
        %mul3A_788 = arith.constant 16 : i32
        %mul3A_789 = vector.broadcast %mul3A_788 : i32 to vector<16xi32>
        %mul3A_790 = arith.muli %iota3A, %mul3A_789 : vector<16xi32>
        %add3A_791 = arith.constant 5 : i32
        %add3A_792 = vector.broadcast %add3A_791 : i32 to vector<16xi32>
        %add3A_793 = arith.addi %mul3A_790, %add3A_792 : vector<16xi32>
        %gather3A_794 = tpu.vector_load_idx %arg13[%add3A_793] : memref<256xf32, #tpu.memory_space<vmem>>[vector<16xi32>], vector<16xf32>,
        %add3A_795 = arith.addf %add3A_787, %gather3A_794 : vector<16xf32>
        %mul3A_796 = arith.constant 16 : i32
        %mul3A_797 = vector.broadcast %mul3A_796 : i32 to vector<16xi32>
        %mul3A_798 = arith.muli %iota3A, %mul3A_797 : vector<16xi32>
        %add3A_799 = arith.constant 6 : i32
        %add3A_800 = vector.broadcast %add3A_799 : i32 to vector<16xi32>
        %add3A_801 = arith.addi %mul3A_798, %add3A_800 : vector<16xi32>
        %gather3A_802 = tpu.vector_load_idx %arg13[%add3A_801] : memref<256xf32, #tpu.memory_space<vmem>>[vector<16xi32>], vector<16xf32>,
        %add3A_803 = arith.addf %add3A_795, %gather3A_802 : vector<16xf32>
        %mul3A_804 = arith.constant 16 : i32
        %mul3A_805 = vector.broadcast %mul3A_804 : i32 to vector<16xi32>
        %mul3A_806 = arith.muli %iota3A, %mul3A_805 : vector<16xi32>
        %add3A_807 = arith.constant 7 : i32
        %add3A_808 = vector.broadcast %add3A_807 : i32 to vector<16xi32>
        %add3A_809 = arith.addi %mul3A_806, %add3A_808 : vector<16xi32>
        %gather3A_810 = tpu.vector_load_idx %arg13[%add3A_809] : memref<256xf32, #tpu.memory_space<vmem>>[vector<16xi32>], vector<16xf32>,
        %add3A_811 = arith.addf %add3A_803, %gather3A_810 : vector<16xf32>
        %mul3A_812 = arith.constant 16 : i32
        %mul3A_813 = vector.broadcast %mul3A_812 : i32 to vector<16xi32>
        %mul3A_814 = arith.muli %iota3A, %mul3A_813 : vector<16xi32>
        %add3A_815 = arith.constant 8 : i32
        %add3A_816 = vector.broadcast %add3A_815 : i32 to vector<16xi32>
        %add3A_817 = arith.addi %mul3A_814, %add3A_816 : vector<16xi32>
        %gather3A_818 = tpu.vector_load_idx %arg13[%add3A_817] : memref<256xf32, #tpu.memory_space<vmem>>[vector<16xi32>], vector<16xf32>,
        %add3A_819 = arith.addf %add3A_811, %gather3A_818 : vector<16xf32>
        %mul3A_820 = arith.constant 16 : i32
        %mul3A_821 = vector.broadcast %mul3A_820 : i32 to vector<16xi32>
        %mul3A_822 = arith.muli %iota3A, %mul3A_821 : vector<16xi32>
        %add3A_823 = arith.constant 9 : i32
        %add3A_824 = vector.broadcast %add3A_823 : i32 to vector<16xi32>
        %add3A_825 = arith.addi %mul3A_822, %add3A_824 : vector<16xi32>
        %gather3A_826 = tpu.vector_load_idx %arg13[%add3A_825] : memref<256xf32, #tpu.memory_space<vmem>>[vector<16xi32>], vector<16xf32>,
        %add3A_827 = arith.addf %add3A_819, %gather3A_826 : vector<16xf32>
        %mul3A_828 = arith.constant 16 : i32
        %mul3A_829 = vector.broadcast %mul3A_828 : i32 to vector<16xi32>
        %mul3A_830 = arith.muli %iota3A, %mul3A_829 : vector<16xi32>
        %add3A_831 = arith.constant 10 : i32
        %add3A_832 = vector.broadcast %add3A_831 : i32 to vector<16xi32>
        %add3A_833 = arith.addi %mul3A_830, %add3A_832 : vector<16xi32>
        %gather3A_834 = tpu.vector_load_idx %arg13[%add3A_833] : memref<256xf32, #tpu.memory_space<vmem>>[vector<16xi32>], vector<16xf32>,
        %add3A_835 = arith.addf %add3A_827, %gather3A_834 : vector<16xf32>
        %mul3A_836 = arith.constant 16 : i32
        %mul3A_837 = vector.broadcast %mul3A_836 : i32 to vector<16xi32>
        %mul3A_838 = arith.muli %iota3A, %mul3A_837 : vector<16xi32>
        %add3A_839 = arith.constant 11 : i32
        %add3A_840 = vector.broadcast %add3A_839 : i32 to vector<16xi32>
        %add3A_841 = arith.addi %mul3A_838, %add3A_840 : vector<16xi32>
        %gather3A_842 = tpu.vector_load_idx %arg13[%add3A_841] : memref<256xf32, #tpu.memory_space<vmem>>[vector<16xi32>], vector<16xf32>,
        %add3A_843 = arith.addf %add3A_835, %gather3A_842 : vector<16xf32>
        %mul3A_844 = arith.constant 16 : i32
        %mul3A_845 = vector.broadcast %mul3A_844 : i32 to vector<16xi32>
        %mul3A_846 = arith.muli %iota3A, %mul3A_845 : vector<16xi32>
        %add3A_847 = arith.constant 12 : i32
        %add3A_848 = vector.broadcast %add3A_847 : i32 to vector<16xi32>
        %add3A_849 = arith.addi %mul3A_846, %add3A_848 : vector<16xi32>
        %gather3A_850 = tpu.vector_load_idx %arg13[%add3A_849] : memref<256xf32, #tpu.memory_space<vmem>>[vector<16xi32>], vector<16xf32>,
        %add3A_851 = arith.addf %add3A_843, %gather3A_850 : vector<16xf32>
        %mul3A_852 = arith.constant 16 : i32
        %mul3A_853 = vector.broadcast %mul3A_852 : i32 to vector<16xi32>
        %mul3A_854 = arith.muli %iota3A, %mul3A_853 : vector<16xi32>
        %add3A_855 = arith.constant 13 : i32
        %add3A_856 = vector.broadcast %add3A_855 : i32 to vector<16xi32>
        %add3A_857 = arith.addi %mul3A_854, %add3A_856 : vector<16xi32>
        %gather3A_858 = tpu.vector_load_idx %arg13[%add3A_857] : memref<256xf32, #tpu.memory_space<vmem>>[vector<16xi32>], vector<16xf32>,
        %add3A_859 = arith.addf %add3A_851, %gather3A_858 : vector<16xf32>
        %mul3A_860 = arith.constant 16 : i32
        %mul3A_861 = vector.broadcast %mul3A_860 : i32 to vector<16xi32>
        %mul3A_862 = arith.muli %iota3A, %mul3A_861 : vector<16xi32>
        %add3A_863 = arith.constant 14 : i32
        %add3A_864 = vector.broadcast %add3A_863 : i32 to vector<16xi32>
        %add3A_865 = arith.addi %mul3A_862, %add3A_864 : vector<16xi32>
        %gather3A_866 = tpu.vector_load_idx %arg13[%add3A_865] : memref<256xf32, #tpu.memory_space<vmem>>[vector<16xi32>], vector<16xf32>,
        %add3A_867 = arith.addf %add3A_859, %gather3A_866 : vector<16xf32>
        %mul3A_868 = arith.constant 16 : i32
        %mul3A_869 = vector.broadcast %mul3A_868 : i32 to vector<16xi32>
        %mul3A_870 = arith.muli %iota3A, %mul3A_869 : vector<16xi32>
        %add3A_871 = arith.constant 15 : i32
        %add3A_872 = vector.broadcast %add3A_871 : i32 to vector<16xi32>
        %add3A_873 = arith.addi %mul3A_870, %add3A_872 : vector<16xi32>
        %gather3A_874 = tpu.vector_load_idx %arg13[%add3A_873] : memref<256xf32, #tpu.memory_space<vmem>>[vector<16xi32>], vector<16xf32>,
        %add3A_875 = arith.addf %add3A_867, %gather3A_874 : vector<16xf32>
        %mul3A_876 = vector.broadcast %scan3A_200 : f32 to vector<16xf32>
        %mul3A_877 = arith.mulf %add3A_875, %mul3A_876 : vector<16xf32>
        %slice3A = vector.extract_strided_slice %get3A_5 {offsets = [0], sizes = [1], strides = [1]} : vector<16xf32> to vector<1xf32>
        %squeeze3A = vector.extract %slice3A[0] : f32 from vector<1xf32>
        %add3A_878 = vector.broadcast %squeeze3A : f32 to vector<16xf32>
        %add3A_879 = arith.addf %mul3A_877, %add3A_878 : vector<16xf32>
        %swap3A_880 = arith.constant 0 : index
        %swap3A_881 = tpu.vector_load %arg15[%swap3A_880] {strides = array<i32>} : memref<32xf32, #tpu.memory_space<vmem>>, vector<16xf32>,
        tpu.vector_store %arg15[%swap3A_880], %add3A_879 {strides = array<i32>} : memref<32xf32, #tpu.memory_space<vmem>>, vector<16xf32>,
        %broadcast_in_dim3A_882 = arith.constant 0.000000e+00 : f32
        %broadcast_in_dim3A_883 = vector.broadcast %broadcast_in_dim3A_882 : f32 to vector<16xf32>
        %mul3A_884 = arith.constant 16 : i32
        %mul3A_885 = vector.broadcast %mul3A_884 : i32 to vector<16xi32>
        %mul3A_886 = arith.muli %iota3A, %mul3A_885 : vector<16xi32>
        %add3A_887 = arith.constant 0 : i32
        %add3A_888 = vector.broadcast %add3A_887 : i32 to vector<16xi32>
        %add3A_889 = arith.addi %mul3A_886, %add3A_888 : vector<16xi32>
        %gather3A_890 = tpu.vector_load_idx %arg14[%add3A_889] : memref<256xf32, #tpu.memory_space<vmem>>[vector<16xi32>], vector<16xf32>,
        %add3A_891 = arith.addf %broadcast_in_dim3A_883, %gather3A_890 : vector<16xf32>
        %mul3A_892 = arith.constant 16 : i32
        %mul3A_893 = vector.broadcast %mul3A_892 : i32 to vector<16xi32>
        %mul3A_894 = arith.muli %iota3A, %mul3A_893 : vector<16xi32>
        %add3A_895 = arith.constant 1 : i32
        %add3A_896 = vector.broadcast %add3A_895 : i32 to vector<16xi32>
        %add3A_897 = arith.addi %mul3A_894, %add3A_896 : vector<16xi32>
        %gather3A_898 = tpu.vector_load_idx %arg14[%add3A_897] : memref<256xf32, #tpu.memory_space<vmem>>[vector<16xi32>], vector<16xf32>,
        %add3A_899 = arith.addf %add3A_891, %gather3A_898 : vector<16xf32>
        %mul3A_900 = arith.constant 16 : i32
        %mul3A_901 = vector.broadcast %mul3A_900 : i32 to vector<16xi32>
        %mul3A_902 = arith.muli %iota3A, %mul3A_901 : vector<16xi32>
        %add3A_903 = arith.constant 2 : i32
        %add3A_904 = vector.broadcast %add3A_903 : i32 to vector<16xi32>
        %add3A_905 = arith.addi %mul3A_902, %add3A_904 : vector<16xi32>
        %gather3A_906 = tpu.vector_load_idx %arg14[%add3A_905] : memref<256xf32, #tpu.memory_space<vmem>>[vector<16xi32>], vector<16xf32>,
        %add3A_907 = arith.addf %add3A_899, %gather3A_906 : vector<16xf32>
        %mul3A_908 = arith.constant 16 : i32
        %mul3A_909 = vector.broadcast %mul3A_908 : i32 to vector<16xi32>
        %mul3A_910 = arith.muli %iota3A, %mul3A_909 : vector<16xi32>
        %add3A_911 = arith.constant 3 : i32
        %add3A_912 = vector.broadcast %add3A_911 : i32 to vector<16xi32>
        %add3A_913 = arith.addi %mul3A_910, %add3A_912 : vector<16xi32>
        %gather3A_914 = tpu.vector_load_idx %arg14[%add3A_913] : memref<256xf32, #tpu.memory_space<vmem>>[vector<16xi32>], vector<16xf32>,
        %add3A_915 = arith.addf %add3A_907, %gather3A_914 : vector<16xf32>
        %mul3A_916 = arith.constant 16 : i32
        %mul3A_917 = vector.broadcast %mul3A_916 : i32 to vector<16xi32>
        %mul3A_918 = arith.muli %iota3A, %mul3A_917 : vector<16xi32>
        %add3A_919 = arith.constant 4 : i32
        %add3A_920 = vector.broadcast %add3A_919 : i32 to vector<16xi32>
        %add3A_921 = arith.addi %mul3A_918, %add3A_920 : vector<16xi32>
        %gather3A_922 = tpu.vector_load_idx %arg14[%add3A_921] : memref<256xf32, #tpu.memory_space<vmem>>[vector<16xi32>], vector<16xf32>,
        %add3A_923 = arith.addf %add3A_915, %gather3A_922 : vector<16xf32>
        %mul3A_924 = arith.constant 16 : i32
        %mul3A_925 = vector.broadcast %mul3A_924 : i32 to vector<16xi32>
        %mul3A_926 = arith.muli %iota3A, %mul3A_925 : vector<16xi32>
        %add3A_927 = arith.constant 5 : i32
        %add3A_928 = vector.broadcast %add3A_927 : i32 to vector<16xi32>
        %add3A_929 = arith.addi %mul3A_926, %add3A_928 : vector<16xi32>
        %gather3A_930 = tpu.vector_load_idx %arg14[%add3A_929] : memref<256xf32, #tpu.memory_space<vmem>>[vector<16xi32>], vector<16xf32>,
        %add3A_931 = arith.addf %add3A_923, %gather3A_930 : vector<16xf32>
        %mul3A_932 = arith.constant 16 : i32
        %mul3A_933 = vector.broadcast %mul3A_932 : i32 to vector<16xi32>
        %mul3A_934 = arith.muli %iota3A, %mul3A_933 : vector<16xi32>
        %add3A_935 = arith.constant 6 : i32
        %add3A_936 = vector.broadcast %add3A_935 : i32 to vector<16xi32>
        %add3A_937 = arith.addi %mul3A_934, %add3A_936 : vector<16xi32>
        %gather3A_938 = tpu.vector_load_idx %arg14[%add3A_937] : memref<256xf32, #tpu.memory_space<vmem>>[vector<16xi32>], vector<16xf32>,
        %add3A_939 = arith.addf %add3A_931, %gather3A_938 : vector<16xf32>
        %mul3A_940 = arith.constant 16 : i32
        %mul3A_941 = vector.broadcast %mul3A_940 : i32 to vector<16xi32>
        %mul3A_942 = arith.muli %iota3A, %mul3A_941 : vector<16xi32>
        %add3A_943 = arith.constant 7 : i32
        %add3A_944 = vector.broadcast %add3A_943 : i32 to vector<16xi32>
        %add3A_945 = arith.addi %mul3A_942, %add3A_944 : vector<16xi32>
        %gather3A_946 = tpu.vector_load_idx %arg14[%add3A_945] : memref<256xf32, #tpu.memory_space<vmem>>[vector<16xi32>], vector<16xf32>,
        %add3A_947 = arith.addf %add3A_939, %gather3A_946 : vector<16xf32>
        %mul3A_948 = arith.constant 16 : i32
        %mul3A_949 = vector.broadcast %mul3A_948 : i32 to vector<16xi32>
        %mul3A_950 = arith.muli %iota3A, %mul3A_949 : vector<16xi32>
        %add3A_951 = arith.constant 8 : i32
        %add3A_952 = vector.broadcast %add3A_951 : i32 to vector<16xi32>
        %add3A_953 = arith.addi %mul3A_950, %add3A_952 : vector<16xi32>
        %gather3A_954 = tpu.vector_load_idx %arg14[%add3A_953] : memref<256xf32, #tpu.memory_space<vmem>>[vector<16xi32>], vector<16xf32>,
        %add3A_955 = arith.addf %add3A_947, %gather3A_954 : vector<16xf32>
        %mul3A_956 = arith.constant 16 : i32
        %mul3A_957 = vector.broadcast %mul3A_956 : i32 to vector<16xi32>
        %mul3A_958 = arith.muli %iota3A, %mul3A_957 : vector<16xi32>
        %add3A_959 = arith.constant 9 : i32
        %add3A_960 = vector.broadcast %add3A_959 : i32 to vector<16xi32>
        %add3A_961 = arith.addi %mul3A_958, %add3A_960 : vector<16xi32>
        %gather3A_962 = tpu.vector_load_idx %arg14[%add3A_961] : memref<256xf32, #tpu.memory_space<vmem>>[vector<16xi32>], vector<16xf32>,
        %add3A_963 = arith.addf %add3A_955, %gather3A_962 : vector<16xf32>
        %mul3A_964 = arith.constant 16 : i32
        %mul3A_965 = vector.broadcast %mul3A_964 : i32 to vector<16xi32>
        %mul3A_966 = arith.muli %iota3A, %mul3A_965 : vector<16xi32>
        %add3A_967 = arith.constant 10 : i32
        %add3A_968 = vector.broadcast %add3A_967 : i32 to vector<16xi32>
        %add3A_969 = arith.addi %mul3A_966, %add3A_968 : vector<16xi32>
        %gather3A_970 = tpu.vector_load_idx %arg14[%add3A_969] : memref<256xf32, #tpu.memory_space<vmem>>[vector<16xi32>], vector<16xf32>,
        %add3A_971 = arith.addf %add3A_963, %gather3A_970 : vector<16xf32>
        %mul3A_972 = arith.constant 16 : i32
        %mul3A_973 = vector.broadcast %mul3A_972 : i32 to vector<16xi32>
        %mul3A_974 = arith.muli %iota3A, %mul3A_973 : vector<16xi32>
        %add3A_975 = arith.constant 11 : i32
        %add3A_976 = vector.broadcast %add3A_975 : i32 to vector<16xi32>
        %add3A_977 = arith.addi %mul3A_974, %add3A_976 : vector<16xi32>
        %gather3A_978 = tpu.vector_load_idx %arg14[%add3A_977] : memref<256xf32, #tpu.memory_space<vmem>>[vector<16xi32>], vector<16xf32>,
        %add3A_979 = arith.addf %add3A_971, %gather3A_978 : vector<16xf32>
        %mul3A_980 = arith.constant 16 : i32
        %mul3A_981 = vector.broadcast %mul3A_980 : i32 to vector<16xi32>
        %mul3A_982 = arith.muli %iota3A, %mul3A_981 : vector<16xi32>
        %add3A_983 = arith.constant 12 : i32
        %add3A_984 = vector.broadcast %add3A_983 : i32 to vector<16xi32>
        %add3A_985 = arith.addi %mul3A_982, %add3A_984 : vector<16xi32>
        %gather3A_986 = tpu.vector_load_idx %arg14[%add3A_985] : memref<256xf32, #tpu.memory_space<vmem>>[vector<16xi32>], vector<16xf32>,
        %add3A_987 = arith.addf %add3A_979, %gather3A_986 : vector<16xf32>
        %mul3A_988 = arith.constant 16 : i32
        %mul3A_989 = vector.broadcast %mul3A_988 : i32 to vector<16xi32>
        %mul3A_990 = arith.muli %iota3A, %mul3A_989 : vector<16xi32>
        %add3A_991 = arith.constant 13 : i32
        %add3A_992 = vector.broadcast %add3A_991 : i32 to vector<16xi32>
        %add3A_993 = arith.addi %mul3A_990, %add3A_992 : vector<16xi32>
        %gather3A_994 = tpu.vector_load_idx %arg14[%add3A_993] : memref<256xf32, #tpu.memory_space<vmem>>[vector<16xi32>], vector<16xf32>,
        %add3A_995 = arith.addf %add3A_987, %gather3A_994 : vector<16xf32>
        %mul3A_996 = arith.constant 16 : i32
        %mul3A_997 = vector.broadcast %mul3A_996 : i32 to vector<16xi32>
        %mul3A_998 = arith.muli %iota3A, %mul3A_997 : vector<16xi32>
        %add3A_999 = arith.constant 14 : i32
        %add3A_1000 = vector.broadcast %add3A_999 : i32 to vector<16xi32>
        %add3A_1001 = arith.addi %mul3A_998, %add3A_1000 : vector<16xi32>
        %gather3A_1002 = tpu.vector_load_idx %arg14[%add3A_1001] : memref<256xf32, #tpu.memory_space<vmem>>[vector<16xi32>], vector<16xf32>,
        %add3A_1003 = arith.addf %add3A_995, %gather3A_1002 : vector<16xf32>
        %mul3A_1004 = arith.constant 16 : i32
        %mul3A_1005 = vector.broadcast %mul3A_1004 : i32 to vector<16xi32>
        %mul3A_1006 = arith.muli %iota3A, %mul3A_1005 : vector<16xi32>
        %add3A_1007 = arith.constant 15 : i32
        %add3A_1008 = vector.broadcast %add3A_1007 : i32 to vector<16xi32>
        %add3A_1009 = arith.addi %mul3A_1006, %add3A_1008 : vector<16xi32>
        %gather3A_1010 = tpu.vector_load_idx %arg14[%add3A_1009] : memref<256xf32, #tpu.memory_space<vmem>>[vector<16xi32>], vector<16xf32>,
        %add3A_1011 = arith.addf %add3A_1003, %gather3A_1010 : vector<16xf32>
        %mul3A_1012 = vector.broadcast %scan3A_200 : f32 to vector<16xf32>
        %mul3A_1013 = arith.mulf %add3A_1011, %mul3A_1012 : vector<16xf32>
        %slice3A_1014 = vector.extract_strided_slice %get3A_5 {offsets = [1], sizes = [1], strides = [1]} : vector<16xf32> to vector<1xf32>
        %squeeze3A_1015 = vector.extract %slice3A_1014[0] : f32 from vector<1xf32>
        %add3A_1016 = vector.broadcast %squeeze3A_1015 : f32 to vector<16xf32>
        %add3A_1017 = arith.addf %mul3A_1013, %add3A_1016 : vector<16xf32>
        %swap3A_1018 = arith.constant 16 : index
        %swap3A_1019 = tpu.vector_load %arg15[%swap3A_1018] {strides = array<i32>} : memref<32xf32, #tpu.memory_space<vmem>>, vector<16xf32>,
        tpu.vector_store %arg15[%swap3A_1018], %add3A_1017 {strides = array<i32>} : memref<32xf32, #tpu.memory_space<vmem>>, vector<16xf32>,
        %jit3A_1020 = arith.constant 16 : i32
        %div3A_1021 = arith.divsi %add3A_665, %jit3A_1020 : i32
        %sign3A_1022 = arith.constant 0 : i32
        %sign3A_1023 = arith.cmpi sgt, %add3A_665, %sign3A_1022 : i32
        %sign3A_1024 = arith.extui %sign3A_1023 : i1 to i32
        %sign3A_1025 = arith.constant 0 : i32
        %sign3A_1026 = arith.cmpi slt, %add3A_665, %sign3A_1025 : i32
        %sign3A_1027 = arith.extui %sign3A_1026 : i1 to i32
        %sign3A_1028 = arith.subi %sign3A_1024, %sign3A_1027 : i32
        %sign3A_1029 = arith.constant 0 : i32
        %sign3A_1030 = arith.cmpi sgt, %jit3A_1020, %sign3A_1029 : i32
        %sign3A_1031 = arith.extui %sign3A_1030 : i1 to i32
        %sign3A_1032 = arith.constant 0 : i32
        %sign3A_1033 = arith.cmpi slt, %jit3A_1020, %sign3A_1032 : i32
        %sign3A_1034 = arith.extui %sign3A_1033 : i1 to i32
        %sign3A_1035 = arith.subi %sign3A_1031, %sign3A_1034 : i32
        %ne3A_1036 = arith.cmpi ne, %sign3A_1028, %sign3A_1035 : i32
        %rem3A_1037 = arith.remsi %add3A_665, %jit3A_1020 : i32
        %ne3A_1038 = arith.constant 0 : i32
        %ne3A_1039 = arith.cmpi ne, %rem3A_1037, %ne3A_1038 : i32
        %and3A_1040 = arith.andi %ne3A_1036, %ne3A_1039 : i1
        %sub3A_1041 = arith.constant 1 : i32
        %sub3A_1042 = arith.subi %div3A_1021, %sub3A_1041 : i32
        %select_n3A_1043 = arith.select %and3A_1040, %sub3A_1042, %div3A_1021 : i32
        %mul3A_1044 = arith.constant 32 : i32
        %mul3A_1045 = arith.muli %select_n3A_1043, %mul3A_1044 : i32
        %gather3A_1046 = tpu.vector_load_idx %arg15[%add3A_52] : memref<32xf32, #tpu.memory_space<vmem>>[vector<16xi32>], vector<16xf32>,
        %swap3A_1047 = arith.index_cast %mul3A_1045 : i32 to index
        %swap3A_1048 = tpu.vector_load %arg16[%swap3A_1047] {strides = array<i32>} : memref<256xf32, #tpu.memory_space<vmem>>, vector<16xf32>,
        tpu.vector_store %arg16[%swap3A_1047], %gather3A_1046 {strides = array<i32>} : memref<256xf32, #tpu.memory_space<vmem>>, vector<16xf32>,
        %gather3A_1049 = tpu.vector_load_idx %arg15[%add3A_55] : memref<32xf32, #tpu.memory_space<vmem>>[vector<16xi32>], vector<16xf32>,
        %add3A_1050 = arith.constant 16 : i32
        %add3A_1051 = arith.addi %mul3A_1045, %add3A_1050 : i32
        %swap3A_1052 = arith.index_cast %add3A_1051 : i32 to index
        %swap3A_1053 = tpu.vector_load %arg16[%swap3A_1052] {strides = array<i32>} : memref<256xf32, #tpu.memory_space<vmem>>, vector<16xf32>,
        tpu.vector_store %arg16[%swap3A_1052], %gather3A_1049 {strides = array<i32>} : memref<256xf32, #tpu.memory_space<vmem>>, vector<16xf32>,
      } else {
      }
    }
    %scan3A_205 = arith.constant 43 : i32
    %dma_wait3A = arith.constant 0 : i32
    %dma_wait3A_206 = arith.constant 0 : i32
    %dma_wait3A_207 = tpu.memref_slice %arg8[%dma_wait3A, %dma_wait3A_206] : memref<200x128xf32, #tpu.memory_space<vmem>> -> memref<56x128xf32, #tpu.memory_space<vmem>>
    %dma_wait3A_208 = arith.constant 0 : i32
    %dma_wait3A_209 = tpu.memref_slice %arg7[%dma_wait3A_208] : memref<25600xi32, #tpu.memory_space<vmem>> -> memref<56xi32, #tpu.memory_space<vmem>>
    %dma_wait3A_210 = arith.constant 0 : i32
    %dma_wait3A_211 = arith.constant 0 : i32
    %dma_wait3A_212 = tpu.memref_slice %arg3[%dma_wait3A_210, %dma_wait3A_211] : memref<1000000x128xf32, #tpu.memory_space<hbm>> -> memref<1000000x128xf32, #tpu.memory_space<hbm>>
    tpu.wait_indirect_dma semaphore(%arg17 : memref<!tpu.dma_semaphore, #tpu.memory_space<semaphore_mem>>) src(%dma_wait3A_212 : memref<1000000x128xf32, #tpu.memory_space<hbm>>) dst(%dma_wait3A_207 : memref<56x128xf32, #tpu.memory_space<vmem>>)
    %dma_wait3A_213 = arith.constant 56 : i32
    %dma_wait3A_214 = arith.constant 0 : i32
    %dma_wait3A_215 = tpu.memref_slice %arg8[%dma_wait3A_213, %dma_wait3A_214] : memref<200x128xf32, #tpu.memory_space<vmem>> -> memref<48x128xf32, #tpu.memory_space<vmem>>
    %dma_wait3A_216 = arith.constant 0 : i32
    %dma_wait3A_217 = tpu.memref_slice %arg7[%dma_wait3A_216] : memref<25600xi32, #tpu.memory_space<vmem>> -> memref<48xi32, #tpu.memory_space<vmem>>
    %dma_wait3A_218 = arith.constant 0 : i32
    %dma_wait3A_219 = arith.constant 0 : i32
    %dma_wait3A_220 = tpu.memref_slice %arg3[%dma_wait3A_218, %dma_wait3A_219] : memref<1000000x128xf32, #tpu.memory_space<hbm>> -> memref<1000000x128xf32, #tpu.memory_space<hbm>>
    tpu.wait_indirect_dma semaphore(%arg17 : memref<!tpu.dma_semaphore, #tpu.memory_space<semaphore_mem>>) src(%dma_wait3A_220 : memref<1000000x128xf32, #tpu.memory_space<hbm>>) dst(%dma_wait3A_215 : memref<48x128xf32, #tpu.memory_space<vmem>>)
    %dma_wait3A_221 = arith.constant 104 : i32
    %dma_wait3A_222 = arith.constant 0 : i32
    %dma_wait3A_223 = tpu.memref_slice %arg8[%dma_wait3A_221, %dma_wait3A_222] : memref<200x128xf32, #tpu.memory_space<vmem>> -> memref<48x128xf32, #tpu.memory_space<vmem>>
    %dma_wait3A_224 = arith.constant 0 : i32
    %dma_wait3A_225 = tpu.memref_slice %arg7[%dma_wait3A_224] : memref<25600xi32, #tpu.memory_space<vmem>> -> memref<48xi32, #tpu.memory_space<vmem>>
    %dma_wait3A_226 = arith.constant 0 : i32
    %dma_wait3A_227 = arith.constant 0 : i32
    %dma_wait3A_228 = tpu.memref_slice %arg3[%dma_wait3A_226, %dma_wait3A_227] : memref<1000000x128xf32, #tpu.memory_space<hbm>> -> memref<1000000x128xf32, #tpu.memory_space<hbm>>
    tpu.wait_indirect_dma semaphore(%arg17 : memref<!tpu.dma_semaphore, #tpu.memory_space<semaphore_mem>>) src(%dma_wait3A_228 : memref<1000000x128xf32, #tpu.memory_space<hbm>>) dst(%dma_wait3A_223 : memref<48x128xf32, #tpu.memory_space<vmem>>)
    %dma_wait3A_229 = arith.constant 152 : i32
    %dma_wait3A_230 = arith.constant 0 : i32
    %dma_wait3A_231 = tpu.memref_slice %arg8[%dma_wait3A_229, %dma_wait3A_230] : memref<200x128xf32, #tpu.memory_space<vmem>> -> memref<48x128xf32, #tpu.memory_space<vmem>>
    %dma_wait3A_232 = arith.constant 0 : i32
    %dma_wait3A_233 = tpu.memref_slice %arg7[%dma_wait3A_232] : memref<25600xi32, #tpu.memory_space<vmem>> -> memref<48xi32, #tpu.memory_space<vmem>>
    %dma_wait3A_234 = arith.constant 0 : i32
    %dma_wait3A_235 = arith.constant 0 : i32
    %dma_wait3A_236 = tpu.memref_slice %arg3[%dma_wait3A_234, %dma_wait3A_235] : memref<1000000x128xf32, #tpu.memory_space<hbm>> -> memref<1000000x128xf32, #tpu.memory_space<hbm>>
    tpu.wait_indirect_dma semaphore(%arg17 : memref<!tpu.dma_semaphore, #tpu.memory_space<semaphore_mem>>) src(%dma_wait3A_236 : memref<1000000x128xf32, #tpu.memory_space<hbm>>) dst(%dma_wait3A_231 : memref<48x128xf32, #tpu.memory_space<vmem>>)
    %dma_wait3A_237 = arith.constant 0 : i32
    %dma_wait3A_238 = arith.constant 0 : i32
    %dma_wait3A_239 = tpu.memref_slice %arg9[%dma_wait3A_237, %dma_wait3A_238] : memref<200x128xf32, #tpu.memory_space<vmem>> -> memref<56x128xf32, #tpu.memory_space<vmem>>
    %dma_wait3A_240 = arith.constant 0 : i32
    %dma_wait3A_241 = tpu.memref_slice %arg7[%dma_wait3A_240] : memref<25600xi32, #tpu.memory_space<vmem>> -> memref<56xi32, #tpu.memory_space<vmem>>
    %dma_wait3A_242 = arith.constant 0 : i32
    %dma_wait3A_243 = arith.constant 0 : i32
    %dma_wait3A_244 = tpu.memref_slice %arg3[%dma_wait3A_242, %dma_wait3A_243] : memref<1000000x128xf32, #tpu.memory_space<hbm>> -> memref<1000000x128xf32, #tpu.memory_space<hbm>>
    tpu.wait_indirect_dma semaphore(%arg18 : memref<!tpu.dma_semaphore, #tpu.memory_space<semaphore_mem>>) src(%dma_wait3A_244 : memref<1000000x128xf32, #tpu.memory_space<hbm>>) dst(%dma_wait3A_239 : memref<56x128xf32, #tpu.memory_space<vmem>>)
    %dma_wait3A_245 = arith.constant 56 : i32
    %dma_wait3A_246 = arith.constant 0 : i32
    %dma_wait3A_247 = tpu.memref_slice %arg9[%dma_wait3A_245, %dma_wait3A_246] : memref<200x128xf32, #tpu.memory_space<vmem>> -> memref<48x128xf32, #tpu.memory_space<vmem>>
    %dma_wait3A_248 = arith.constant 0 : i32
    %dma_wait3A_249 = tpu.memref_slice %arg7[%dma_wait3A_248] : memref<25600xi32, #tpu.memory_space<vmem>> -> memref<48xi32, #tpu.memory_space<vmem>>
    %dma_wait3A_250 = arith.constant 0 : i32
    %dma_wait3A_251 = arith.constant 0 : i32
    %dma_wait3A_252 = tpu.memref_slice %arg3[%dma_wait3A_250, %dma_wait3A_251] : memref<1000000x128xf32, #tpu.memory_space<hbm>> -> memref<1000000x128xf32, #tpu.memory_space<hbm>>
    tpu.wait_indirect_dma semaphore(%arg18 : memref<!tpu.dma_semaphore, #tpu.memory_space<semaphore_mem>>) src(%dma_wait3A_252 : memref<1000000x128xf32, #tpu.memory_space<hbm>>) dst(%dma_wait3A_247 : memref<48x128xf32, #tpu.memory_space<vmem>>)
    %dma_wait3A_253 = arith.constant 104 : i32
    %dma_wait3A_254 = arith.constant 0 : i32
    %dma_wait3A_255 = tpu.memref_slice %arg9[%dma_wait3A_253, %dma_wait3A_254] : memref<200x128xf32, #tpu.memory_space<vmem>> -> memref<48x128xf32, #tpu.memory_space<vmem>>
    %dma_wait3A_256 = arith.constant 0 : i32
    %dma_wait3A_257 = tpu.memref_slice %arg7[%dma_wait3A_256] : memref<25600xi32, #tpu.memory_space<vmem>> -> memref<48xi32, #tpu.memory_space<vmem>>
    %dma_wait3A_258 = arith.constant 0 : i32
    %dma_wait3A_259 = arith.constant 0 : i32
    %dma_wait3A_260 = tpu.memref_slice %arg3[%dma_wait3A_258, %dma_wait3A_259] : memref<1000000x128xf32, #tpu.memory_space<hbm>> -> memref<1000000x128xf32, #tpu.memory_space<hbm>>
    tpu.wait_indirect_dma semaphore(%arg18 : memref<!tpu.dma_semaphore, #tpu.memory_space<semaphore_mem>>) src(%dma_wait3A_260 : memref<1000000x128xf32, #tpu.memory_space<hbm>>) dst(%dma_wait3A_255 : memref<48x128xf32, #tpu.memory_space<vmem>>)
    %dma_wait3A_261 = arith.constant 152 : i32
    %dma_wait3A_262 = arith.constant 0 : i32
    %dma_wait3A_263 = tpu.memref_slice %arg9[%dma_wait3A_261, %dma_wait3A_262] : memref<200x128xf32, #tpu.memory_space<vmem>> -> memref<48x128xf32, #tpu.memory_space<vmem>>
    %dma_wait3A_264 = arith.constant 0 : i32
    %dma_wait3A_265 = tpu.memref_slice %arg7[%dma_wait3A_264] : memref<25600xi32, #tpu.memory_space<vmem>> -> memref<48xi32, #tpu.memory_space<vmem>>
    %dma_wait3A_266 = arith.constant 0 : i32
    %dma_wait3A_267 = arith.constant 0 : i32
    %dma_wait3A_268 = tpu.memref_slice %arg3[%dma_wait3A_266, %dma_wait3A_267] : memref<1000000x128xf32, #tpu.memory_space<hbm>> -> memref<1000000x128xf32, #tpu.memory_space<hbm>>
    tpu.wait_indirect_dma semaphore(%arg18 : memref<!tpu.dma_semaphore, #tpu.memory_space<semaphore_mem>>) src(%dma_wait3A_268 : memref<1000000x128xf32, #tpu.memory_space<hbm>>) dst(%dma_wait3A_263 : memref<48x128xf32, #tpu.memory_space<vmem>>)
    %mul3A_269 = arith.constant 2 : i32
    %mul3A_270 = arith.muli %mul3A_2, %mul3A_269 : i32
    "tpu.region"() ({
      %run_scoped3A = tpu.sem_alloc : memref<!tpu.dma_semaphore, #tpu.memory_space<semaphore_mem>>
      %dma_start3A_271 = tpu.memref_slice %arg6[%mul3A_270] : memref<8192xf32, #tpu.memory_space<hbm>> -> memref<256xf32, #tpu.memory_space<hbm>>
      %dma_start3A_272 = tpu.memref_slice %arg6[%mul3A_270] : memref<8192xf32, #tpu.memory_space<hbm>> -> memref<256xf32, #tpu.memory_space<hbm>>
      tpu.enqueue_dma source(%arg16 : memref<256xf32, #tpu.memory_space<vmem>>) target(%dma_start3A_272 : memref<256xf32, #tpu.memory_space<hbm>>) target_semaphore(%run_scoped3A : memref<!tpu.dma_semaphore, #tpu.memory_space<semaphore_mem>>)
      %dma_wait3A_273 = tpu.memref_slice %arg6[%mul3A_270] : memref<8192xf32, #tpu.memory_space<hbm>> -> memref<256xf32, #tpu.memory_space<hbm>>
      %dma_wait3A_274 = tpu.memref_slice %arg6[%mul3A_270] : memref<8192xf32, #tpu.memory_space<hbm>> -> memref<256xf32, #tpu.memory_space<hbm>>
      tpu.wait_dma2 semaphore(%run_scoped3A : memref<!tpu.dma_semaphore, #tpu.memory_space<semaphore_mem>>) src(%arg16 : memref<256xf32, #tpu.memory_space<vmem>>) dst(%dma_wait3A_274 : memref<256xf32, #tpu.memory_space<hbm>>)
      tpu.yield
    }) : () -> ()
    return
  }
}

</mosaic_0001>

<sc_bundles>
// kernel: kernel.3.cloned.1.call-start
scs
__scs_entry_jumppad:
0x0: {  	(pc) =	sbr.rel $0x88, $3  }
0x1: {  	(tag) =	ssettag $0x0;
	lr =	simm.s32 $0x1  }
0x2: {  	[smem:$0x3F9D] =	sst lr;
	_ =	strace $0xD0000000  }
0x3: {  	_ = 	snop  }
0x4: {  	_ = 	snop  }
0x5: {  	_ = 	snop  }
0x6: {  	_ = 	snop  }
0x7: {  	_ = 	snop  }
__scs_overlays_trampoline_lowered:
0x8: {  	[smem:$0x3FAC] =	sst s0  }
0x9: {  	[smem:$0x3FAD] =	sst s1  }
0xa: {  	[smem:$0x3FAE] =	sst s2  }
0xb: {  	[smem:$0x3FAF] =	sst s3  }
0xc: {  	[smem:$0x3FB0] =	sst s4  }
0xd: {  	[smem:$0x3FB1] =	sst s5  }
0xe: {  	[smem:$0x3FB2] =	sst s6  }
0xf: {  	[smem:$0x3FB3] =	sst s7  }
0x10: {  	[smem:$0x3FB4] =	sst s8  }
0x11: {  	[smem:$0x3FB5] =	sst s9;
	s0 =	simm.s32 @!p0 $0x0  }
0x12: {  	s1 =	sld [smem:$0x3F9B];
	s0 =	simm.s32 @p0 $0x1  }
0x13: {  	[smem:$0x3FB6] =	sst s0;
	s0 =	simm.s32 @!p1 $0x0  }
0x14: {  	s2 =	sld [smem:$0x3F9A];
	s0 =	simm.s32 @p1 $0x1  }
0x15: {  	[smem:$0x3FB7] =	sst s0;
	s0 =	simm.s32 @!p2 $0x0  }
0x16: {  	s3 =	sld [smem:$0x3FDB];
	s0 =	simm.s32 @p2 $0x1  }
0x17: {  	s4 =	simm.s32 $0x1BF5;
	[smem:$0x3FB9] =	sst s0  }
0x18: {  	s0 =	sld [smem:$0x3F9C];
	_ =	swait.ge [sflag:s4], $0x0  }
0x19: {  	s7 =	sld [smem:$0x3F9D]  }
0x1a: {  	s8 =	sadd.s32 $0xFFFFE003, lr  }
0x1b: {  	s9 =	sadd.s32 $0xFFFFFEF7, lr;
	s5 =	simm.s32 $0xFFFFFFFF;
	p2 =	slt.u32 s8, $0xFFFFF086  }
0x1c: {  	p1 =	slt.u32 s9, $0xF7A;
	s5 =	simm.s32 @!p2 $0x0  }
0x1d: {  	s5 =	simm.s32 @p1 $0x1;
	p0 =	seq.s32 s7, s2  }
0x1e: {  	s7 =	smul.u32 @!p0 $0xF7A, s2;
	p2 =	seq.s32 @!p0 s5, $0x0  }
0x1f: {  	s9 =	smul.u32 $0xF7A, s1;
	s8 =	simm.s32 @!p0 $0x1BF5;
	p2 =	por !p2, p0  }
0x20: {  	[sflag:s8] =	ssyncset.s32 @!p0 $0xFFFFF086;
	s6 =	sadd.s32 @!p0 s3, s7;
	s7 =	simm.s32 @!p0 $0x108  }
0x21: {  	s3 =	sadd.s32 s3, s9;
	s6 =	sadd.s32 @!p0 $0x88, s6;
	s7 =	simm.s32 @p2 $0x1082  }
0x22: {  	[simem:s7], [sflag:s8] =	dma.local @!p0 [hbm:s6], $0xF7A  }
0x23: {  	s9 =	sor.u32 $0xD0000000, s2;
	s6 =	simm.s32 $0x108;
	_ =	swait.ge @!p0 [sflag:s8], $0x0  }
0x24: {  	s3 =	sadd.s32 $0x88, s3;
	s6 =	simm.s32 @!p1 $0x1082;
	[sflag:s4] =	ssyncset.s32 $0xFFFFF086  }
0x25: {  	[simem:s6], [sflag:s4] =	dma.local [hbm:s3], $0xF7A  }
0x26: {  	[smem:$0x3F9D] =	sst s1;
	(tag) =	ssettag s2;
	_ =	strace s9  }
0x27: {  	s1 =	sld [smem:$0x3FAD]  }
0x28: {  	s2 =	sld [smem:$0x3FAE]  }
0x29: {  	s4 =	sld [smem:$0x3FB0]  }
0x2a: {  	p0 =	seq.s32 s5, $0x0;
	s5 =	sld [smem:$0x3FB1]  }
0x2b: {  	s6 =	sld [smem:$0x3FB2]  }
0x2c: {  	s7 =	sld [smem:$0x3FB3]  }
0x2d: {  	s3 =	simm.s32 $0x108;
	s8 =	sld [smem:$0x3FB4]  }
0x2e: {  	s3 =	simm.s32 @!p0 $0x1082;
	s9 =	sld [smem:$0x3FB5]  }
0x2f: {  	lr =	sadd.s32 s0, s3;
	s0 =	sld [smem:$0x3FAC]  }
0x30: {  	s3 =	sld [smem:$0x3FAF]  }
0x31: {  	[smem:$0x3FB8] =	sst s10  }
0x32: {  	s10 =	sld [smem:$0x3FB6];
	_ =	sdelay $0x3  }
0x33: {  	p0 =	seq.s32 s10, $0x1;
	s10 =	sld [smem:$0x3FB8];
	_ =	sdelay $0x3  }
0x34: {  	[smem:$0x3FB8] =	sst s10  }
0x35: {  	s10 =	sld [smem:$0x3FB7];
	_ =	sdelay $0x3  }
0x36: {  	p1 =	seq.s32 s10, $0x1;
	s10 =	sld [smem:$0x3FB8];
	_ =	sdelay $0x3  }
0x37: {  	[smem:$0x3FB8] =	sst s10  }
0x38: {  	s10 =	sld [smem:$0x3FB9]  }
0x39: {  	_ = 	snop;
	(pc) =	sbr.ind lr, $3  }
0x3a: {  	_ = 	snop  }
0x3b: {  	_ = 	snop  }
0x3c: {  	p2 =	seq.s32 s10, $0x1;
	s10 =	sld [smem:$0x3FB8]  }
0x3d: {  	_ =	shalt  }
0x3e: {  	_ =	shalt  }
0x3f: {  	_ =	shalt  }
0x40: {  	_ =	shalt  }
0x41: {  	_ =	shalt  }
0x42: {  	_ =	shalt  }
0x43: {  	_ =	shalt  }
0x44: {  	_ =	shalt  }
0x45: {  	_ =	shalt  }
0x46: {  	_ =	shalt  }
0x47: {  	_ =	shalt  }
0x48: {  	_ =	shalt  }
0x49: {  	_ =	shalt  }
0x4a: {  	_ =	shalt  }
0x4b: {  	_ =	shalt  }
0x4c: {  	_ =	shalt  }
0x4d: {  	_ =	shalt  }
0x4e: {  	_ =	shalt  }
0x4f: {  	_ =	shalt  }
0x50: {  	_ =	shalt  }
0x51: {  	_ =	shalt  }
0x52: {  	_ =	shalt  }
0x53: {  	_ =	shalt  }
0x54: {  	_ =	shalt  }
0x55: {  	_ =	shalt  }
0x56: {  	_ =	shalt  }
0x57: {  	_ =	shalt  }
0x58: {  	_ =	shalt  }
0x59: {  	_ =	shalt  }
0x5a: {  	_ =	shalt  }
0x5b: {  	_ =	shalt  }
0x5c: {  	_ =	shalt  }
0x5d: {  	_ =	shalt  }
0x5e: {  	_ =	shalt  }
0x5f: {  	_ =	shalt  }
0x60: {  	_ =	shalt  }
0x61: {  	_ =	shalt  }
0x62: {  	_ =	shalt  }
0x63: {  	_ =	shalt  }
0x64: {  	_ =	shalt  }
0x65: {  	_ =	shalt  }
0x66: {  	_ =	shalt  }
0x67: {  	_ =	shalt  }
0x68: {  	_ =	shalt  }
0x69: {  	_ =	shalt  }
0x6a: {  	_ =	shalt  }
0x6b: {  	_ =	shalt  }
0x6c: {  	_ =	shalt  }
0x6d: {  	_ =	shalt  }
0x6e: {  	_ =	shalt  }
0x6f: {  	_ =	shalt  }
0x70: {  	_ =	shalt  }
0x71: {  	_ =	shalt  }
0x72: {  	_ =	shalt  }
0x73: {  	_ =	shalt  }
0x74: {  	_ =	shalt  }
0x75: {  	_ =	shalt  }
0x76: {  	_ =	shalt  }
0x77: {  	_ =	shalt  }
0x78: {  	_ =	shalt  }
0x79: {  	_ =	shalt  }
0x7a: {  	_ =	shalt  }
0x7b: {  	_ =	shalt  }
0x7c: {  	_ =	shalt  }
0x7d: {  	_ =	shalt  }
0x7e: {  	_ =	shalt  }
0x7f: {  	_ =	shalt  }
0x80: {  	_ =	shalt  }
0x81: {  	_ =	shalt  }
0x82: {  	_ =	shalt  }
0x83: {  	_ =	shalt  }
0x84: {  	_ =	shalt  }
0x85: {  	_ =	shalt  }
0x86: {  	_ =	shalt  }
0x87: {  	_ =	shalt  }
.Lfunc_end0:
.L_simem_size_0:
called_computation_lowered:
.L_overlay_start_0:
0x88: {  	s2 =	sld [smem:$0x3FD9]  }
0x89: {  	s3 =	sld [smem:$0x3FFE];
	_ =	sdelay $0x1  }
0x8a: {  	s1 =	srdreg.scid  }
0x8b: {  	s0 =	sand.u32 $0x1, s1  }
0x8c: {  	s17 =	sshll.u32 s0, $0xA;
	s2 =	sadd.s32 s3, s2  }
0x8d: {  	s2 =	sadd.s32 s2, s17  }
0x8e: {  	[smem:$0x3FC4] =	sst s2  }
0x8f: {  	_ = 	snop  }
0x90: {  	s2 =	sld [smem:$0x3FC8]  }
0x91: {  	s18 =	sld [smem:$0x3FC7]  }
0x92: {  	s4 =	sld [smem:$0x3FC6]  }
0x93: {  	s5 =	sld [smem:$0x3FD0];
	(tm) =	ssettm $0x1  }
0x94: {  	s6 =	sld [smem:$0x3FFB];
	_ =	sdelay $0x3  }
0x95: {  	_ =	strace s6  }
0x96: {  	s6 =	sld [smem:$0x3FFC];
	_ =	sdelay $0x3  }
0x97: {  	_ =	strace s6  }
0x98: {  	s6 =	sld [smem:$0x3FFD];
	_ =	sdelay $0x3  }
0x99: {  	_ =	strace s6  }
0x9a: {  	_ =	strace $0x8FFFFFFF  }
0x9b: {  	s19 =	sld [smem:$0x3FDB];
	_ =	sdelay $0x1  }
0x9c: {  	s7 =	simm.s32 $_scs_section_size  }
0x9d: {  	s8 =	simm.s32 $_size__tile_overlayer_lowered;
	s9 =	simm.s32 $_tile_overlayer_lowered  }
0x9e: {  	s22 =	simm.s32 $0x1BFF;
	s21 =	sshll.u32 s9, $0x1;
	s6 =	sadd.s32 s7, s19  }
0x9f: {  	s10 =	simm.s32 $0x0;
	s20 =	sshll.u32 s8, $0x1;
	s8 =	sadd.s32 s21, s6  }
0xa0: {  	[timem:s10], [sflag:s22] =	dma.local [hbm:s8], s20  }
0xa1: {  	_ =	swait.ge [sflag:s22], s20  }
0xa2: {  	s7 =	ssub.s32 $0x0, s20;
	[sflag:s22] =	ssyncset.done $0x0  }
0xa3: {  	[sflag:s22] =	ssyncadd.s32 s7;
	_ =	sdelay $0x1  }
0xa4: {  	s23 =	simm.s32 $0x1B8B  }
0xa5: {  	_ =	swait.ge [sflag:s23], $0x1  }
0xa6: {  	[sflag:s23] =	ssyncset.done $0x0  }
0xa7: {  	s25 =	simm.s32 $0x1B8E;
	s24 =	sld [smem:$0x3FFE];
	[sflag:s23] =	ssyncadd.s32 $0xFFFFFFFF  }
0xa8: {  	s26 =	simm.s32 $execute0_lowered;
	[smem:$0x3FD2] =	sst s25  }
0xa9: {  	s8 =	sshll.u32 s26, $0x1;
	_ =	strace $0x80000046;
	[dreg:$0x1] =	wrdreg $0xFFFFFFFF  }
0xaa: {  	s28 =	simm.s32 $_size_execute0_lowered;
	s6 =	sadd.s32 s6, s8;
	[dreg:$0x0] =	wrdreg $0x0  }
0xab: {  	s8 =	sshll.u32 s28, $0x1;
	[dreg:$0x2] =	wrdreg s6  }
0xac: {  	[dreg:$0x3] =	wrdreg s8  }
0xad: {  	[dreg:$0x4] =	wrdreg $0xC0  }
0xae: {  	_ =	task [dreg:s10], $0x5FFFF  }
0xaf: {  	[dreg:$0x1] =	wrdreg $0xFFFFFFFF  }
0xb0: {  	[dreg:$0x0] =	wrdreg $0x60  }
0xb1: {  	[dreg:$0x2] =	wrdreg s24  }
0xb2: {  	[dreg:$0x3] =	wrdreg s2  }
0xb3: {  	[dreg:$0x4] =	wrdreg s18  }
0xb4: {  	[dreg:$0x5] =	wrdreg s4  }
0xb5: {  	[dreg:$0x6] =	wrdreg s5  }
0xb6: {  	[dreg:$0x7] =	wrdreg $0x9  }
0xb7: {  	_ =	task.clear_ibuf [dreg:s10], $0x8FFFF;
	_ =	strace $0x90000046  }
0xb8: {  	s29 =	simm.s32 $0x9;
	_ =	strace $0x80000048  }
0xb9: {  	_ =	swait.ge [sflag:s29], $0x1  }
0xba: {  	[sflag:s29] =	ssyncadd.s32 $0xFFFFFFFF  }
0xbb: {  	_ =	strace $0x90000048  }
0xbc: {  	_ =	sfence  }
0xbd: {  	s30 =	sld [smem:$0x0];
	_ =	sdelay $0x2  }
0xbe: {  	s31 =	sshll.u32 s1, $0xD;
	s1 =	sshrl.u32 s1, $0x2  }
0xbf: {  	s3 =	sand.u32 $0x4000, s31;
	s1 =	sadd.s32 s1, s30  }
0xc0: {  	s0 =	sor.u32 s3, s0;
	s1 =	sshll.u32 s1, $0x11  }
0xc1: {  	s0 =	sor.u32 s1, s0  }
0xc2: {  	s0 =	sadd.s32 $0x8F2B, s0  }
0xc3: {  	[sflag:s0] =	ssyncadd.remote.s32 $0x1  }
0xc4: {  	_ =	sfence.sel $0xFFFF  }
0xc5: {  	[dreg:$0x0] =	wrdreg $0xFFFFFFFF;
	(pc) =	sbr.abs _section_cstart, $3  }
0xc6: {  	[dreg:$0x1] =	wrdreg $0xFFFFFFFF  }
0xc7: {  	_ =	task.clear_ibuf [dreg:s10], $0x2FFFF;
	_ =	strace $0x9FFFFFFF  }
0xc8: {  	(tm) =	ssettm $0x7FFFFFFF  }
0xc9: {  	_ =	shalt  }
tec
execute0_lowered:
.L_overlay_start_1:
0x0: {  	(tag) =	ssettag $0x1  }
0x1: {  	s0 =	rddreg [dreg:$0x0];
	v0 =	vlaneseq.u32  }
0x2: {  	s1 =	rddreg [dreg:$0x1];
	s5 =	simm.s32 $0x0;
	v0 =	vmul.u32 $0x10, v0  }
0x3: {  	[smem:$0x7FF] =	sst s5  }
0x4: {  	s4 =	rddreg [dreg:$0x4];
	_ =	strace $0x80000047;
	v1 =	vor.u32 $0x1, v0;
	[tilespmem:$0x1FFD0] =	vst v0  }
0x5: {  	v11 =	vimm.s32 $0x15051404;
	v12 =	vimm.s32 $0x17071606;
	v51 =	vor.u32 $0x2, v0;
	[tilespmem:$0x1FF10] =	vst v1  }
0x6: {  	s12 =	simm.s32 $0x38;
	s13 =	simm.s32 $0x6400;
	s14 =	simm.s32 $0x8000;
	vm0 =	vcmask $0x1F10;
	v14 =	vimm.s32 $0x11011000;
	v52 =	vor.u32 $0x3, v0;
	[tilespmem:$0x1FF20] =	vst v51  }
0x7: {  	s2 =	srdreg.scid;
	s3 =	stileid.u32;
	s11 =	simm.s32 $0x4;
	v15 =	vimm.s32 $0x1F0F1E0E;
	v18 =	vimm.s32 $0x1B0B1A0A;
	v53 =	vor.u32 $0x4, v0;
	[tilespmem:$0x1FF30] =	vst v52  }
0x8: {  	s16 =	simm.s32 $0x9800;
	s18 =	simm.s32 $0xB000;
	s20 =	simm.s32 $0xC800;
	v13 =	vunpack.c.0.s8.s32 v11;
	v12 =	vunpack.c.0.s8.s32 v12;
	v54 =	vor.u32 $0x5, v0;
	[tilespmem:$0x1FF40] =	vst v53  }
0x9: {  	s21 =	simm.s32 $0xE400;
	s24 =	simm.s32 $0xFC00;
	s28 =	simm.s32 $0x11400;
	v15 =	vunpack.c.0.s8.s32 v15;
	v55 =	vor.u32 $0x6, v0;
	v56 =	vor.u32 $0x7, v0;
	[tilespmem:$0x1FF50] =	vst v54  }
0xa: {  	s22 =	simm.s32 $0x30;
	s29 =	simm.s32 $0x12C00;
	s30 =	simm.s32 $0x14800;
	v57 =	vor.u32 $0x8, v0;
	v16 =	vsel vm0, v12, v13;
	v12 =	vimm.s32 $0x13031202;
	[tilespmem:$0x1FF60] =	vst v55  }
0xb: {  	s31 =	simm.s32 $0x16000;
	s2 =	sand.u32 $0x1, s2;
	s3 =	sshll.u32 s3, $0x1;
	v13 =	vunpack.c.0.s8.s32 v14;
	[tilespmem:$0x1FF70] =	vst v56;
	v14 =	vunpack.c.0.s8.s32 v12;
	v12 =	vimm.s32 $0x1D0D1C0C  }
0xc: {  	s8 =	simm.s32 $0x19380;
	s9 =	simm.s32 $0x2;
	s3 =	sor.u32 s2, s3;
	v58 =	vor.u32 $0x9, v0;
	[tilespmem:$0x1FF80] =	vst v57;
	v17 =	vunpack.c.0.s8.s32 v12;
	v12 =	vimm.s32 $0x19091808  }
0xd: {  	s15 =	simm.s32 $0x3;
	v18 =	vunpack.c.0.s8.s32 v18;
	s2 =	ssub.s32 $0x2, s2;
	s6 =	smul.u32 $0xC80, s3;
	v59 =	vor.u32 $0xA, v0;
	[tilespmem:$0x1FF90] =	vst v58;
	v19 =	vunpack.c.0.s8.s32 v12  }
.Ltmp0:
0xe: {  	s19 =	simm.s32 $0x0;
	s25 =	sshrl.u32 s2, $0x1;
	v60 =	vor.u32 $0xB, v0;
	v61 =	vor.u32 $0xC, v0;
	[tilespmem:$0x1FFA0] =	vst v59;
	v20 =	vsel vm0, v14, v13;
	(pc) =	sbr.rel .LBB2_1-.Ltmp0, $4  }
0xf: {  	s26 =	sshll.u32 s3, $0x5;
	s2 =	ssub.s32 s2, s25;
	[tilespmem:$0x1FFB0] =	vst v60;
	s0 =	sadd.s32 s6, s0;
	v17 =	vsel vm0, v15, v17;
	v62 =	vcombine.low v20, v16;
	v18 =	vsel vm0, v18, v19  }
0x10: {  	s3 =	simm.s32 $0x17800;
	[tilespmem:$0x1FFC0] =	vst v61;
	s10 =	smax.u32 s2, $0x1;
	s0 =	sadd.s32 $0x400, s0;
	v63 =	vcombine.low v18, v17  }
0x11: {  	s2 =	simm.s32 $0x19180;
	[dreg:$0x6] =	wrdreg s0;
	s0 =	sadd.s32 s4, s26;
	[tilespmem:$0x1FFE0] =	vst v62  }
0x12: {  	v13 =	vor.u32 $0xD, v0;
	v14 =	vor.u32 $0xE, v0;
	s4 =	simm.s32 $0x19280;
	v15 =	vor.u32 $0xF, v0;
	[dreg:$0x7] =	wrdreg s0;
	s0 =	simm.s32 $0x1;
	[tilespmem:$0x1FFF0] =	vst v63  }
.LBB2_15:
0x13: {  	_ =	swait.ge [sflag:s0], $0x1C00  }
0x14: {  	[sflag:s0] =	ssyncset.done $0x0  }
0x15: {  	[sflag:s0] =	ssyncadd.s32 $0xFFFFE400  }
0x16: {  	_ =	swait.ge [sflag:s0], $0x1800  }
0x17: {  	[sflag:s0] =	ssyncset.done $0x0  }
0x18: {  	[sflag:s0] =	ssyncadd.s32 $0xFFFFE800  }
0x19: {  	_ =	swait.ge [sflag:s0], $0x1800  }
0x1a: {  	[sflag:s0] =	ssyncset.done $0x0  }
0x1b: {  	[sflag:s0] =	ssyncadd.s32 $0xFFFFE800  }
0x1c: {  	_ =	swait.ge [sflag:s0], $0x1800  }
0x1d: {  	[sflag:s0] =	ssyncset.done $0x0  }
0x1e: {  	[sflag:s0] =	ssyncadd.s32 $0xFFFFE800  }
0x1f: {  	_ =	swait.ge [sflag:s9], $0x1C00  }
0x20: {  	[sflag:s9] =	ssyncset.done $0x0  }
0x21: {  	[sflag:s9] =	ssyncadd.s32 $0xFFFFE400  }
0x22: {  	_ =	swait.ge [sflag:s9], $0x1800  }
0x23: {  	[sflag:s9] =	ssyncset.done $0x0  }
0x24: {  	[sflag:s9] =	ssyncadd.s32 $0xFFFFE800  }
0x25: {  	_ =	swait.ge [sflag:s9], $0x1800  }
0x26: {  	[sflag:s9] =	ssyncset.done $0x0  }
0x27: {  	[sflag:s9] =	ssyncadd.s32 $0xFFFFE800  }
0x28: {  	s19 =	sadd.s32 $0x1, s19;
	_ =	swait.ge [sflag:s9], $0x1800  }
0x29: {  	s7 =	simm.s32 $0x19400;
	p0 =	sne.s32 s19, s10;
	[sflag:s9] =	ssyncset.done $0x0  }
.Ltmp1:
0x2a: {  	s6 =	rddreg [dreg:$0x7];
	[sflag:s9] =	ssyncadd.s32 $0xFFFFE800;
	(pc) =	sbr.rel @!p0 .LBB2_16-.Ltmp1, $4  }
0x2b: {  	[hbm4b:s6+s5] =	stream.linear.scatter [tilespmem:s7], [sflag:$0x4], $0x100, $0x38;
	[tilespmem:$0x19500] =	vst v63  }
0x2c: {  	_ =	swait.ge [sflag:s11], $0x100  }
0x2d: {  	[sflag:s11] =	ssyncset.done $0x0  }
0x2e: {  	[sflag:s11] =	ssyncadd.s32 $0xFFFFFF00  }
.LBB2_1:
0x2f: {  	s6 =	rddreg [dreg:$0x6]  }
0x30: {  	[tilespmem:s5], [sflag:$0x4] =	stream.linear.gather [hbm4b:s6+s5], $0x6400, $0x38;
	[tilespmem:$0x19500] =	vst v63  }
0x31: {  	_ =	swait.ge [sflag:s11], $0x6400  }
0x32: {  	[sflag:s11] =	ssyncset.done $0x0  }
0x33: {  	[sflag:s11] =	ssyncadd.s32 $0xFFFF9C00  }
0x34: {  	s7 =	simm.s32 $0x19000;
	s17 =	rddreg [dreg:$0x2]  }
0x35: {  	[tilespmem:s7], [sflag:$0x4] =	stream.linear.gather [hbm4b:s17+s5], $0x100, $0x38;
	[tilespmem:$0x19500] =	vst v63  }
0x36: {  	_ =	swait.ge [sflag:s11], $0x100  }
0x37: {  	[sflag:s11] =	ssyncset.done $0x0  }
0x38: {  	[sflag:s11] =	ssyncadd.s32 $0xFFFFFF00  }
0x39: {  	s25 =	simm.s32 $0x19100;
	s23 =	rddreg [dreg:$0x3]  }
0x3a: {  	[tilespmem:s25], [sflag:$0x4] =	stream.linear.gather [hbm4b:s23+s5], $0x2, $0x38;
	[tilespmem:$0x19500] =	vst v63  }
0x3b: {  	_ =	swait.ge [sflag:s11], $0x2  }
0x3c: {  	[sflag:s11] =	ssyncset.done $0x0  }
0x3d: {  	[sflag:s11] =	ssyncadd.s32 $0xFFFFFFFE  }
0x3e: {  	v35 =	vld [tilespmem:$0x19100]  }
0x3f: {  	v18 =	vld [tilespmem:$0x19000]  }
0x40: {  	v19 =	vld [tilespmem:$0x19010]  }
0x41: {  	v20 =	vld [tilespmem:$0x19020]  }
0x42: {  	v21 =	vld [tilespmem:$0x19030]  }
0x43: {  	v22 =	vld [tilespmem:$0x19040]  }
0x44: {  	v23 =	vld [tilespmem:$0x19050]  }
0x45: {  	v24 =	vld [tilespmem:$0x19060]  }
0x46: {  	v25 =	vld [tilespmem:$0x19070]  }
0x47: {  	v26 =	vld [tilespmem:$0x19080]  }
0x48: {  	v27 =	vld [tilespmem:$0x19090]  }
0x49: {  	v28 =	vld [tilespmem:$0x190A0]  }
0x4a: {  	v29 =	vld [tilespmem:$0x190B0]  }
0x4b: {  	v30 =	vld [tilespmem:$0x190C0]  }
0x4c: {  	v31 =	vld [tilespmem:$0x190D0]  }
0x4d: {  	v32 =	vld [tilespmem:$0x190E0]  }
0x4e: {  	v33 =	vld [tilespmem:$0x190F0];
	[tilespmem:s13], [sflag:$0x1] =	stream.indirect.gather [hbm4b:s1+s12], $0x80, s5, s12, $0xb8  }
0x4f: {  	_ = 	snop  }
0x50: {  	[tilespmem:s14], [sflag:$0x1] =	stream.indirect.gather [hbm4b:s1+s22], $0x80, s12, s22, $0xb8;
	[tilespmem:$0x19500] =	vst v63  }
0x51: {  	s26 =	simm.s32 $0x68  }
0x52: {  	[tilespmem:s16], [sflag:$0x1] =	stream.indirect.gather [hbm4b:s1+s22], $0x80, s26, s22, $0xb8;
	[tilespmem:$0x19500] =	vst v63  }
0x53: {  	s7 =	simm.s32 $0x98  }
0x54: {  	[tilespmem:s18], [sflag:$0x1] =	stream.indirect.gather [hbm4b:s1+s22], $0x80, s7, s22, $0xb8;
	[tilespmem:$0x19500] =	vst v63  }
0x55: {  	s17 =	simm.s32 $0xC8  }
0x56: {  	[tilespmem:s20], [sflag:$0x2] =	stream.indirect.gather [hbm4b:s1+s12], $0x80, s17, s12, $0xb8;
	[tilespmem:$0x19500] =	vst v63  }
0x57: {  	s23 =	simm.s32 $0x100  }
0x58: {  	v0 =	vbroadcast v35, $0x0;
	[tilespmem:s21], [sflag:$0x2] =	stream.indirect.gather [hbm4b:s1+s22], $0x80, s23, s22, $0xb8;
	[tilespmem:$0x19500] =	vst v63  }
.Ltmp2:
0x59: {  	_ = 	snop;
	(pc) =	sbr.rel .LBB2_2-.Ltmp2, $4  }
0x5a: {  	s25 =	simm.s32 $0x130;
	v63 =	vbroadcast v35, $0x1;
	[tilespmem:$0x1FEF0] =	vst v0  }
0x5b: {  	[tilespmem:s24], [sflag:$0x2] =	stream.indirect.gather [hbm4b:s1+s22], $0x80, s25, s22, $0xb8;
	[tilespmem:$0x19500] =	vst v63  }
0x5c: {  	s26 =	simm.s32 $0x160;
	[tilespmem:$0x1FF00] =	vst v63;
	s23 =	simm.s32 $0x0  }
0x5d: {  	[tilespmem:s28], [sflag:$0x2] =	stream.indirect.gather [hbm4b:s1+s22], $0x80, s26, s22, $0xb8;
	[tilespmem:$0x19500] =	vst v63  }
.LBB2_14:
0x5e: {  	s23 =	sadd.s32 $0x1, s23  }
0x5f: {  	p0 =	sne.s32 s23, $0x2B  }
.Ltmp3:
0x60: {  	_ = 	snop;
	(pc) =	sbr.rel @!p0 .LBB2_15-.Ltmp3, $1  }
0x61: {  	_ =	sdelay $0x3  }
.LBB2_2:
0x62: {  	s26 =	smul.u32 $0x3, s23;
	_ =	sdelay $0x1  }
0x63: {  	s25 =	sadd.s32 $0x2, s26  }
0x64: {  	s6 =	smin.u32 s25, $0x7F  }
0x65: {  	s6 =	smul.u32 $0x320, s6;
	_ =	sdelay $0x1  }
0x66: {  	s6 =	sshrl.u32 s6, $0x2  }
0x67: {  	[tilespmem:s29], [sflag:$0x3] =	stream.indirect.gather [hbm4b:s1+s12], $0x80, s6, s12, $0xb8;
	[tilespmem:$0x19500] =	vst v63  }
0x68: {  	s17 =	sadd.s32 $0x38, s6  }
0x69: {  	[tilespmem:s30], [sflag:$0x3] =	stream.indirect.gather [hbm4b:s1+s22], $0x80, s17, s22, $0xb8;
	[tilespmem:$0x19500] =	vst v63  }
0x6a: {  	s7 =	sadd.s32 $0x68, s6  }
0x6b: {  	[tilespmem:s31], [sflag:$0x3] =	stream.indirect.gather [hbm4b:s1+s22], $0x80, s7, s22, $0xb8;
	[tilespmem:$0x19500] =	vst v63  }
0x6c: {  	s6 =	sadd.s32 $0x98, s6  }
0x6d: {  	[tilespmem:s3], [sflag:$0x3] =	stream.indirect.gather [hbm4b:s1+s22], $0x80, s6, s22, $0xb8;
	[tilespmem:$0x19500] =	vst v63  }
0x6e: {  	_ =	swait.ge [sflag:s0], $0x1C00  }
0x6f: {  	[sflag:s0] =	ssyncset.done $0x0  }
0x70: {  	[sflag:s0] =	ssyncadd.s32 $0xFFFFE400  }
0x71: {  	_ =	swait.ge [sflag:s0], $0x1800  }
0x72: {  	[sflag:s0] =	ssyncset.done $0x0  }
0x73: {  	[sflag:s0] =	ssyncadd.s32 $0xFFFFE800  }
0x74: {  	_ =	swait.ge [sflag:s0], $0x1800  }
0x75: {  	[sflag:s0] =	ssyncset.done $0x0  }
0x76: {  	[sflag:s0] =	ssyncadd.s32 $0xFFFFE800  }
0x77: {  	_ =	swait.ge [sflag:s0], $0x1800  }
0x78: {  	[sflag:s0] =	ssyncset.done $0x0  }
0x79: {  	s7 =	simm.s32 $0x6600;
	[sflag:s0] =	ssyncadd.s32 $0xFFFFE800  }
0x7a: {  	v40 =	vld [tilespmem:s7+$0x180]  }
0x7b: {  	v41 =	vld [tilespmem:s7+$0x190]  }
0x7c: {  	v44 =	vld [tilespmem:s7+$0x1A0]  }
0x7d: {  	v45 =	vld [tilespmem:s7+$0x1B0]  }
0x7e: {  	v37 =	vld [tilespmem:s7+$0x1C0]  }
0x7f: {  	v36 =	vld [tilespmem:s7+$0x1D0]  }
0x80: {  	v42 =	vld [tilespmem:s7+$0x100]  }
0x81: {  	v43 =	vld [tilespmem:s7+$0x110]  }
0x82: {  	v46 =	vld [tilespmem:s7+$0x120]  }
0x83: {  	v47 =	vld [tilespmem:s7+$0x130]  }
0x84: {  	v39 =	vld [tilespmem:s7+$0x140]  }
0x85: {  	v38 =	vld [tilespmem:s7+$0x150]  }
0x86: {  	v48 =	vld [tilespmem:s7+$0x80]  }
0x87: {  	v49 =	vld [tilespmem:s7+$0x90]  }
0x88: {  	v50 =	vld [tilespmem:s7+$0xA0]  }
0x89: {  	v51 =	vld [tilespmem:s7+$0xB0]  }
0x8a: {  	v53 =	vld [tilespmem:s7+$0xC0]  }
0x8b: {  	v55 =	vld [tilespmem:s7+$0xD0]  }
0x8c: {  	v52 =	vld [tilespmem:s7+$0x0]  }
0x8d: {  	v54 =	vld [tilespmem:s7+$0x10]  }
0x8e: {  	v56 =	vld [tilespmem:s7+$0x20]  }
0x8f: {  	v57 =	vld [tilespmem:s7+$0x30]  }
0x90: {  	v58 =	vld [tilespmem:s7+$0x40]  }
0x91: {  	v59 =	vld [tilespmem:s7+$0x50]  }
0x92: {  	v60 =	vld [tilespmem:s7+$0xFFFFFF80]  }
0x93: {  	v61 =	vld [tilespmem:s7+$0xFFFFFF90]  }
0x94: {  	v62 =	vld [tilespmem:s7+$0xFFFFFF00]  }
0x95: {  	v63 =	vld [tilespmem:s7+$0xFFFFFF10]  }
0x96: {  	v16 =	vld [tilespmem:s7+$0xFFFFFE80]  }
0x97: {  	v17 =	vld [tilespmem:s7+$0xFFFFFE90]  }
0x98: {  	v34 =	vld [tilespmem:s7+$0xFFFFFE00]  }
0x99: {  	v35 =	vld [tilespmem:s7+$0xFFFFFE10]  }
0x9a: {  	v1 =	vld [tilespmem:s7+$0xFFFFFE20]  }
0x9b: {  	v2 =	vld [tilespmem:s7+$0xFFFFFE30]  }
0x9c: {  	v0 =	vld [tilespmem:s7+$0xFFFFFEA0]  }
0x9d: {  	v3 =	vld [tilespmem:s7+$0xFFFFFEB0]  }
0x9e: {  	v4 =	vimm.f32 $0.0e+00;
	v5 =	vld [tilespmem:s7+$0xFFFFFF20]  }
0x9f: {  	v6 =	vld [tilespmem:s7+$0xFFFFFF30];
	v34 =	vadd.f32 v34, v4;
	v35 =	vadd.f32 v35, v4  }
0xa0: {  	v7 =	vld [tilespmem:s7+$0xFFFFFFA0];
	v1 =	vadd.f32 v1, v4;
	v2 =	vadd.f32 v2, v4  }
0xa1: {  	v10 =	vld [tilespmem:s7+$0xFFFFFFB0];
	v16 =	vadd.f32 v16, v34;
	v17 =	vadd.f32 v17, v35  }
0xa2: {  	v8 =	vld [tilespmem:s7+$0xFFFFFE70];
	v0 =	vadd.f32 v0, v1;
	v11 =	vadd.f32 v3, v2  }
0xa3: {  	v35 =	vadd.f32 v62, v16;
	v16 =	vadd.f32 v63, v17;
	v62 =	vld [tilespmem:s7+$0xFFFFFE50]  }
0xa4: {  	v0 =	vadd.f32 v5, v0;
	v1 =	vadd.f32 v6, v11;
	v63 =	vld [tilespmem:s7+$0xFFFFFE60]  }
0xa5: {  	v9 =	vld [tilespmem:s7+$0xFFFFFEE0];
	v3 =	vadd.f32 v60, v35;
	v16 =	vadd.f32 v61, v16  }
0xa6: {  	v2 =	vld [tilespmem:s7+$0xFFFFFFC0];
	v0 =	vadd.f32 v7, v0;
	v1 =	vadd.f32 v10, v1  }
0xa7: {  	v61 =	vld [tilespmem:s7+$0xFFFFFE40];
	v3 =	vadd.f32 v52, v3;
	v16 =	vadd.f32 v54, v16  }
0xa8: {  	v17 =	vld [tilespmem:s7+$0xFFFFFFD0];
	v0 =	vadd.f32 v56, v0;
	v1 =	vadd.f32 v57, v1  }
0xa9: {  	v5 =	vld [tilespmem:s7+$0xFFFFFF40];
	v52 =	vadd.f32 v62, v4;
	v54 =	vadd.f32 v63, v4  }
0xaa: {  	v6 =	vld [tilespmem:s7+$0xFFFFFF50];
	v3 =	vadd.f32 v48, v3;
	v16 =	vadd.f32 v49, v16  }
0xab: {  	v35 =	vld [tilespmem:s7+$0xFFFFFEC0];
	v0 =	vadd.f32 v50, v0;
	v1 =	vadd.f32 v51, v1  }
0xac: {  	v60 =	vld [tilespmem:s7+$0xFFFFFED0];
	v51 =	vadd.f32 v61, v4;
	v4 =	vadd.f32 v8, v4  }
0xad: {  	v10 =	vld [tilespmem:s7+$0xFFFFFEF0];
	v3 =	vadd.f32 v42, v3;
	v16 =	vadd.f32 v43, v16  }
0xae: {  	v11 =	vld [tilespmem:s7+$0xFFFFFF60];
	v0 =	vadd.f32 v46, v0;
	v1 =	vadd.f32 v47, v1  }
0xaf: {  	v42 =	vadd.f32 v40, v3;
	v43 =	vadd.f32 v41, v16;
	v16 =	vld [tilespmem:s7+$0xFFFFFF70]  }
0xb0: {  	v56 =	vld [tilespmem:s7+$0xFFFFFFE0];
	v41 =	vadd.f32 v44, v0;
	v40 =	vadd.f32 v45, v1  }
0xb1: {  	v57 =	vld [tilespmem:s7+$0xFFFFFFF0];
	v0 =	vadd.f32 v35, v51;
	v1 =	vadd.f32 v60, v52  }
0xb2: {  	v34 =	vadd.f32 v9, v54;
	v61 =	vld [tilespmem:s7+$0x70];
	v4 =	vadd.f32 v10, v4  }
0xb3: {  	v60 =	vld [tilespmem:s7+$0x60];
	v0 =	vadd.f32 v5, v0;
	v1 =	vadd.f32 v6, v1  }
0xb4: {  	v48 =	vld [tilespmem:s7+$0xF0];
	v3 =	vadd.f32 v11, v34;
	v4 =	vadd.f32 v16, v4  }
0xb5: {  	v47 =	vld [tilespmem:s7+$0xE0];
	v0 =	vadd.f32 v2, v0;
	v1 =	vadd.f32 v17, v1  }
0xb6: {  	v49 =	vld [tilespmem:s7+$0x160];
	v62 =	vadd.f32 v56, v3;
	v63 =	vadd.f32 v57, v4  }
0xb7: {  	v50 =	vld [tilespmem:s7+$0x170];
	v0 =	vadd.f32 v58, v0;
	v1 =	vadd.f32 v59, v1  }
0xb8: {  	v51 =	vld [tilespmem:s7+$0x1E0];
	v54 =	vadd.f32 v60, v62;
	v52 =	vadd.f32 v61, v63  }
0xb9: {  	s17 =	simm.s32 $0x0;
	s6 =	simm.s32 $0x6A00;
	v44 =	vld [tilespmem:s7+$0x1F0];
	v53 =	vadd.f32 v53, v0;
	v45 =	vadd.f32 v55, v1  }
.LBB2_3:
0xba: {  	v46 =	vld [tilespmem:s6+$0x180];
	v0 =	vadd.f32 v47, v54;
	v1 =	vadd.f32 v48, v52  }
0xbb: {  	v47 =	vld [tilespmem:s6+$0x190];
	v2 =	vadd.f32 v39, v53;
	v3 =	vadd.f32 v38, v45  }
0xbc: {  	v48 =	vld [tilespmem:s6+$0x1A0];
	v0 =	vadd.f32 v49, v0;
	v1 =	vadd.f32 v50, v1  }
0xbd: {  	v53 =	vld [tilespmem:s6+$0x1B0];
	v49 =	vadd.f32 v37, v2;
	v50 =	vadd.f32 v36, v3  }
0xbe: {  	v37 =	vld [tilespmem:s6+$0x1C0];
	v51 =	vadd.f32 v51, v0;
	v52 =	vadd.f32 v44, v1  }
0xbf: {  	v36 =	vld [tilespmem:s6+$0x1D0]  }
0xc0: {  	v0 =	vld [tilespmem:s6+$0x100]  }
0xc1: {  	v1 =	vld [tilespmem:s6+$0x110]  }
0xc2: {  	v2 =	vld [tilespmem:s6+$0x120]  }
0xc3: {  	v3 =	vld [tilespmem:s6+$0x130]  }
0xc4: {  	v39 =	vld [tilespmem:s6+$0x140]  }
0xc5: {  	v38 =	vld [tilespmem:s6+$0x150]  }
0xc6: {  	v4 =	vld [tilespmem:s6+$0x80]  }
0xc7: {  	v5 =	vld [tilespmem:s6+$0x90]  }
0xc8: {  	v6 =	vld [tilespmem:s6+$0xA0]  }
0xc9: {  	v7 =	vld [tilespmem:s6+$0xB0]  }
0xca: {  	v44 =	vld [tilespmem:s6+$0xC0]  }
0xcb: {  	v45 =	vld [tilespmem:s6+$0xD0]  }
0xcc: {  	v16 =	vld [tilespmem:s6+$0x0]  }
0xcd: {  	v17 =	vld [tilespmem:s6+$0x10]  }
0xce: {  	v34 =	vld [tilespmem:s6+$0x20]  }
0xcf: {  	v35 =	vld [tilespmem:s6+$0x30]  }
0xd0: {  	v54 =	vld [tilespmem:s6+$0x40]  }
0xd1: {  	v55 =	vld [tilespmem:s6+$0x50]  }
0xd2: {  	v56 =	vld [tilespmem:s6+$0xFFFFFF80]  }
0xd3: {  	v57 =	vld [tilespmem:s6+$0xFFFFFF90]  }
0xd4: {  	v58 =	vld [tilespmem:s6+$0xFFFFFF00]  }
0xd5: {  	v59 =	vld [tilespmem:s6+$0xFFFFFF10]  }
0xd6: {  	v60 =	vld [tilespmem:s6+$0xFFFFFE80]  }
0xd7: {  	v61 =	vld [tilespmem:s6+$0xFFFFFE90]  }
0xd8: {  	v62 =	vld [tilespmem:s6+$0xFFFFFE00]  }
0xd9: {  	v63 =	vld [tilespmem:s6+$0xFFFFFE10]  }
0xda: {  	v8 =	vld [tilespmem:s6+$0xFFFFFE20]  }
0xdb: {  	v9 =	vld [tilespmem:s6+$0xFFFFFE30]  }
0xdc: {  	v10 =	vld [tilespmem:s6+$0xFFFFFEA0]  }
0xdd: {  	v11 =	vld [tilespmem:s6+$0xFFFFFEB0]  }
0xde: {  	v12 =	vld [tilespmem:s6+$0xFFFFFF20]  }
0xdf: {  	v42 =	vadd.f32 v62, v42;
	v43 =	vadd.f32 v63, v43;
	v62 =	vld [tilespmem:s6+$0xFFFFFF30]  }
0xe0: {  	v8 =	vadd.f32 v8, v41;
	v9 =	vadd.f32 v9, v40;
	v40 =	vld [tilespmem:s6+$0xFFFFFFA0]  }
0xe1: {  	v41 =	vadd.f32 v60, v42;
	v42 =	vadd.f32 v61, v43;
	v43 =	vld [tilespmem:s6+$0xFFFFFFB0]  }
0xe2: {  	v8 =	vadd.f32 v10, v8;
	v9 =	vadd.f32 v11, v9;
	v10 =	vld [tilespmem:s6+$0xFFFFFFC0]  }
0xe3: {  	v11 =	vadd.f32 v58, v41;
	v41 =	vadd.f32 v59, v42;
	v58 =	vld [tilespmem:s6+$0xFFFFFFD0]  }
0xe4: {  	v8 =	vadd.f32 v12, v8;
	v9 =	vadd.f32 v62, v9;
	v12 =	vld [tilespmem:s6+$0xFFFFFF40]  }
0xe5: {  	v11 =	vadd.f32 v56, v11;
	v41 =	vadd.f32 v57, v41;
	v59 =	vld [tilespmem:s6+$0xFFFFFF50]  }
0xe6: {  	v8 =	vadd.f32 v40, v8;
	v56 =	vld [tilespmem:s6+$0xFFFFFEC0];
	v9 =	vadd.f32 v43, v9  }
0xe7: {  	v11 =	vadd.f32 v16, v11;
	v16 =	vadd.f32 v17, v41;
	v57 =	vld [tilespmem:s6+$0xFFFFFED0]  }
0xe8: {  	v8 =	vadd.f32 v34, v8;
	v17 =	vld [tilespmem:s6+$0xFFFFFE40];
	v9 =	vadd.f32 v35, v9  }
0xe9: {  	v4 =	vadd.f32 v4, v11;
	v5 =	vadd.f32 v5, v16;
	v34 =	vld [tilespmem:s6+$0xFFFFFE50]  }
0xea: {  	v6 =	vadd.f32 v6, v8;
	v11 =	vld [tilespmem:s6+$0xFFFFFE60];
	v7 =	vadd.f32 v7, v9  }
0xeb: {  	s17 =	sadd.s32 $0x8, s17;
	v0 =	vadd.f32 v0, v4;
	v1 =	vadd.f32 v1, v5;
	v8 =	vld [tilespmem:s6+$0xFFFFFE70]  }
0xec: {  	p0 =	slt.u32 s17, $0xC0;
	v2 =	vadd.f32 v2, v6;
	v4 =	vld [tilespmem:s6+$0xFFFFFEE0];
	v3 =	vadd.f32 v3, v7  }
0xed: {  	v42 =	vadd.f32 v46, v0;
	v43 =	vadd.f32 v47, v1;
	v5 =	vld [tilespmem:s6+$0xFFFFFEF0]  }
0xee: {  	v41 =	vadd.f32 v48, v2;
	v0 =	vld [tilespmem:s6+$0xFFFFFF60];
	v40 =	vadd.f32 v53, v3  }
0xef: {  	v1 =	vadd.f32 v17, v49;
	v2 =	vadd.f32 v34, v50;
	v3 =	vld [tilespmem:s6+$0xFFFFFF70]  }
0xf0: {  	v6 =	vadd.f32 v11, v51;
	v7 =	vadd.f32 v8, v52;
	v8 =	vld [tilespmem:s6+$0xFFFFFFE0]  }
0xf1: {  	v1 =	vadd.f32 v56, v1;
	v2 =	vadd.f32 v57, v2;
	v9 =	vld [tilespmem:s6+$0xFFFFFFF0]  }
0xf2: {  	v4 =	vadd.f32 v4, v6;
	v5 =	vadd.f32 v5, v7;
	v6 =	vld [tilespmem:s6+$0x60]  }
0xf3: {  	v1 =	vadd.f32 v12, v1;
	v2 =	vadd.f32 v59, v2;
	v7 =	vld [tilespmem:s6+$0x70]  }
0xf4: {  	v0 =	vadd.f32 v0, v4;
	v3 =	vadd.f32 v3, v5;
	v47 =	vld [tilespmem:s6+$0xE0]  }
.Ltmp4:
0xf5: {  	v1 =	vadd.f32 v10, v1;
	v2 =	vadd.f32 v58, v2;
	v48 =	vld [tilespmem:s6+$0xF0];
	(pc) =	sbr.rel @p0 .LBB2_3-.Ltmp4, $4  }
0xf6: {  	v0 =	vadd.f32 v8, v0;
	v3 =	vadd.f32 v9, v3;
	v49 =	vld [tilespmem:s6+$0x160]  }
0xf7: {  	v1 =	vadd.f32 v54, v1;
	v2 =	vadd.f32 v55, v2;
	v50 =	vld [tilespmem:s6+$0x170]  }
0xf8: {  	v54 =	vadd.f32 v6, v0;
	v52 =	vadd.f32 v7, v3;
	v51 =	vld [tilespmem:s6+$0x1E0]  }
0xf9: {  	v53 =	vadd.f32 v44, v1;
	v45 =	vadd.f32 v45, v2;
	v44 =	vld [tilespmem:s6+$0x1F0];
	s6 =	sadd.s32 $0x400, s6  }
0xfa: {  	v0 =	vadd.f32 v47, v54;
	v1 =	vmul.f32 v42, v18;
	v2 =	vmul.f32 v43, v19  }
0xfb: {  	v3 =	vadd.f32 v48, v52;
	v4 =	vmul.f32 v42, v26;
	v5 =	vmul.f32 v43, v27  }
0xfc: {  	v54 =	vmul.f32 v41, v20;
	v6 =	vadd.f32 v39, v53;
	v1 =	vadd.f32 v2, v1  }
0xfd: {  	v55 =	vmul.f32 v41, v28;
	v7 =	vadd.f32 v38, v45;
	v4 =	vadd.f32 v5, v4  }
0xfe: {  	v56 =	vmul.f32 v40, v21;
	v6 =	vadd.f32 v37, v6;
	v1 =	vadd.f32 v54, v1  }
0xff: {  	v57 =	vmul.f32 v40, v29;
	v0 =	vadd.f32 v49, v0;
	v4 =	vadd.f32 v55, v4  }
0x100: {  	v7 =	vadd.f32 v36, v7;
	v58 =	vmul.f32 v6, v22;
	v1 =	vadd.f32 v56, v1  }
0x101: {  	v3 =	vadd.f32 v50, v3;
	v59 =	vmul.f32 v6, v30;
	v4 =	vadd.f32 v57, v4  }
0x102: {  	v0 =	vadd.f32 v51, v0;
	v60 =	vmul.f32 v7, v23;
	v1 =	vadd.f32 v58, v1  }
0x103: {  	v61 =	vmul.f32 v7, v31;
	v4 =	vadd.f32 v59, v4  }
0x104: {  	v3 =	vadd.f32 v44, v3;
	v62 =	vmul.f32 v0, v24;
	v1 =	vadd.f32 v60, v1  }
0x105: {  	s17 =	sand.u32 $0xF, s26;
	v0 =	vmul.f32 v0, v32;
	v4 =	vadd.f32 v61, v4  }
0x106: {  	s6 =	smul.u32 $0x30, s23;
	p0 =	sne.s32 s17, $0xF;
	v63 =	vmul.f32 v3, v25;
	v1 =	vadd.f32 v62, v1  }
.Ltmp5:
0x107: {  	v3 =	vmul.f32 v3, v33;
	v0 =	vadd.f32 v0, v4;
	(pc) =	sbr.rel @p0 .LBB2_6-.Ltmp5, $4  }
0x108: {  	v1 =	vadd.f32 v63, v1  }
0x109: {  	s6 =	sand.u32 $0xF0, s6;
	v0 =	vadd.f32 v3, v0  }
0x10a: {  	[tilespmem:s6+$0x19180] =	vst v1  }
0x10b: {  	[tilespmem:s6+$0x19280] =	vst v0  }
0x10c: {  	v4 =	vld [tilespmem:$0x1FFD0];
	_ =	sdelay $0x1  }
0x10d: {  	v5 =	vld [tilespmem:$0x1FF10];
	_ =	sdelay $0x1  }
0x10e: {  	v6 =	vld [tilespmem:$0x1FF20];
	_ =	sdelay $0x1  }
0x10f: {  	v7 =	vld [tilespmem:$0x1FF30]  }
0x110: {  	v8 =	vld [tilespmem:$0x1FF40]  }
0x111: {  	v0 =	vld.idx.msk [tilespmem:v4+s2+$0x0], $0xffff  }
0x112: {  	v9 =	vld [tilespmem:$0x1FF50]  }
0x113: {  	v1 =	vld.idx.msk [tilespmem:v5+s2+$0x0], $0xffff  }
0x114: {  	v10 =	vld [tilespmem:$0x1FF60]  }
0x115: {  	v2 =	vld.idx.msk [tilespmem:v6+s2+$0x0], $0xffff  }
0x116: {  	v11 =	vld [tilespmem:$0x1FF70];
	v0 =	vadd.f32 $0.0e+00, v0  }
0x117: {  	v3 =	vld.idx.msk [tilespmem:v7+s2+$0x0], $0xffff  }
0x118: {  	v12 =	vld [tilespmem:$0x1FF80];
	v0 =	vadd.f32 v1, v0  }
0x119: {  	v63 =	vld.idx.msk [tilespmem:v8+s2+$0x0], $0xffff  }
0x11a: {  	v0 =	vadd.f32 v2, v0  }
0x11b: {  	v34 =	vld.idx.msk [tilespmem:v9+s2+$0x0], $0xffff  }
0x11c: {  	v16 =	vld [tilespmem:$0x1FF90];
	v0 =	vadd.f32 v3, v0  }
0x11d: {  	v35 =	vld.idx.msk [tilespmem:v10+s2+$0x0], $0xffff  }
0x11e: {  	v17 =	vld [tilespmem:$0x1FFA0];
	v0 =	vadd.f32 v63, v0  }
0x11f: {  	v36 =	vld.idx.msk [tilespmem:v11+s2+$0x0], $0xffff  }
0x120: {  	v0 =	vadd.f32 v34, v0;
	v34 =	vld [tilespmem:$0x1FFB0]  }
0x121: {  	v37 =	vld.idx.msk [tilespmem:v12+s2+$0x0], $0xffff  }
0x122: {  	v0 =	vadd.f32 v35, v0;
	v35 =	vld [tilespmem:$0x1FFC0];
	_ =	sdelay $0x1  }
0x123: {  	v38 =	vld.idx.msk [tilespmem:v16+s2+$0x0], $0xffff  }
0x124: {  	v0 =	vadd.f32 v36, v0  }
0x125: {  	v39 =	vld.idx.msk [tilespmem:v17+s2+$0x0], $0xffff  }
0x126: {  	v0 =	vadd.f32 v37, v0  }
0x127: {  	v40 =	vld.idx.msk [tilespmem:v34+s2+$0x0], $0xffff  }
0x128: {  	v0 =	vadd.f32 v38, v0  }
0x129: {  	v41 =	vld.idx.msk [tilespmem:v35+s2+$0x0], $0xffff  }
0x12a: {  	v0 =	vadd.f32 v39, v0  }
0x12b: {  	v42 =	vld.idx.msk [tilespmem:v13+s2+$0x0], $0xffff  }
0x12c: {  	v0 =	vadd.f32 v40, v0  }
0x12d: {  	v43 =	vld.idx.msk [tilespmem:v14+s2+$0x0], $0xffff  }
0x12e: {  	v0 =	vadd.f32 v41, v0  }
0x12f: {  	v44 =	vld.idx.msk [tilespmem:v15+s2+$0x0], $0xffff  }
0x130: {  	v0 =	vadd.f32 v42, v0;
	_ =	sdelay $0x1  }
0x131: {  	v0 =	vadd.f32 v43, v0  }
0x132: {  	v45 =	vld [tilespmem:$0x1FEF0]  }
0x133: {  	v0 =	vadd.f32 v44, v0;
	_ =	sdelay $0x1  }
0x134: {  	v0 =	vmul.f32 $4.999999890e-03, v0;
	_ =	sdelay $0x1  }
0x135: {  	v0 =	vadd.f32 v0, v45;
	_ =	sdelay $0x1  }
0x136: {  	[tilespmem:$0x19380] =	vst v0  }
0x137: {  	v0 =	vld.idx.msk [tilespmem:v4+s4+$0x0], $0xffff;
	_ =	sdelay $0x1  }
0x138: {  	v46 =	vld.idx.msk [tilespmem:v5+s4+$0x0], $0xffff;
	_ =	sdelay $0x1  }
0x139: {  	v47 =	vld.idx.msk [tilespmem:v6+s4+$0x0], $0xffff  }
0x13a: {  	v0 =	vadd.f32 $0.0e+00, v0  }
0x13b: {  	v48 =	vld.idx.msk [tilespmem:v7+s4+$0x0], $0xffff  }
0x13c: {  	v0 =	vadd.f32 v46, v0  }
0x13d: {  	v49 =	vld.idx.msk [tilespmem:v8+s4+$0x0], $0xffff  }
0x13e: {  	v0 =	vadd.f32 v47, v0  }
0x13f: {  	v50 =	vld.idx.msk [tilespmem:v9+s4+$0x0], $0xffff  }
0x140: {  	v0 =	vadd.f32 v48, v0  }
0x141: {  	v51 =	vld.idx.msk [tilespmem:v10+s4+$0x0], $0xffff  }
0x142: {  	v0 =	vadd.f32 v49, v0  }
0x143: {  	v52 =	vld.idx.msk [tilespmem:v11+s4+$0x0], $0xffff  }
0x144: {  	v0 =	vadd.f32 v50, v0  }
0x145: {  	v53 =	vld.idx.msk [tilespmem:v12+s4+$0x0], $0xffff  }
0x146: {  	v0 =	vadd.f32 v51, v0  }
0x147: {  	v54 =	vld.idx.msk [tilespmem:v16+s4+$0x0], $0xffff  }
0x148: {  	v0 =	vadd.f32 v52, v0  }
0x149: {  	v55 =	vld.idx.msk [tilespmem:v17+s4+$0x0], $0xffff  }
0x14a: {  	v0 =	vadd.f32 v53, v0  }
0x14b: {  	v56 =	vld.idx.msk [tilespmem:v34+s4+$0x0], $0xffff  }
0x14c: {  	v0 =	vadd.f32 v54, v0  }
0x14d: {  	v57 =	vld.idx.msk [tilespmem:v35+s4+$0x0], $0xffff  }
0x14e: {  	v0 =	vadd.f32 v55, v0  }
0x14f: {  	v58 =	vld.idx.msk [tilespmem:v13+s4+$0x0], $0xffff  }
0x150: {  	v0 =	vadd.f32 v56, v0  }
0x151: {  	v59 =	vld.idx.msk [tilespmem:v14+s4+$0x0], $0xffff  }
0x152: {  	v0 =	vadd.f32 v57, v0  }
0x153: {  	v60 =	vld.idx.msk [tilespmem:v15+s4+$0x0], $0xffff  }
0x154: {  	v0 =	vadd.f32 v58, v0;
	_ =	sdelay $0x1  }
0x155: {  	v61 =	vld [tilespmem:$0x1FF00];
	v0 =	vadd.f32 v59, v0  }
0x156: {  	v62 =	vld [tilespmem:$0x1FFE0]  }
0x157: {  	v0 =	vadd.f32 v60, v0;
	_ =	sdelay $0x1  }
0x158: {  	v0 =	vmul.f32 $4.999999890e-03, v0;
	_ =	sdelay $0x1  }
0x159: {  	v0 =	vadd.f32 v0, v61  }
0x15a: {  	v63 =	vld [tilespmem:$0x1FFF0]  }
0x15b: {  	[tilespmem:$0x19390] =	vst v0  }
0x15c: {  	p0 =	seq.s32 s23, $0x0;
	s6 =	simm.s32 $0x1;
	v0 =	vld.idx.msk [tilespmem:v62+s8+$0x0], $0xffff  }
0x15d: {  	s17 =	sshrl.u32 s26, $0x4;
	s6 =	simm.s32 @!p0 $0x0  }
0x15e: {  	s6 =	ssub.s32 s17, s6  }
0x15f: {  	s6 =	sshll.u32 s6, $0x7  }
0x160: {  	s6 =	sshra.s32 s6, $0x2  }
0x161: {  	[tilespmem:s6+$0x19400] =	vst v0  }
0x162: {  	v0 =	vld.idx.msk [tilespmem:v63+s8+$0x0], $0xffff;
	_ =	sdelay $0x4  }
0x163: {  	[tilespmem:s6+$0x19410] =	vst v0  }
.LBB2_6:
0x164: {  	s6 =	smin.u32 s26, $0x7C  }
0x165: {  	s6 =	smul.u32 $0x320, s6;
	_ =	sdelay $0x1  }
0x166: {  	s6 =	sshrl.u32 s6, $0x2  }
0x167: {  	s17 =	sadd.s32 $0x258, s6  }
0x168: {  	[tilespmem:s13], [sflag:$0x1] =	stream.indirect.gather [hbm4b:s1+s12], $0x80, s17, s12, $0xb8;
	[tilespmem:$0x19500] =	vst v63  }
0x169: {  	s7 =	sadd.s32 $0x290, s6  }
0x16a: {  	[tilespmem:s14], [sflag:$0x1] =	stream.indirect.gather [hbm4b:s1+s22], $0x80, s7, s22, $0xb8;
	[tilespmem:$0x19500] =	vst v63  }
0x16b: {  	s7 =	sadd.s32 $0x2C0, s6  }
0x16c: {  	[tilespmem:s16], [sflag:$0x1] =	stream.indirect.gather [hbm4b:s1+s22], $0x80, s7, s22, $0xb8;
	[tilespmem:$0x19500] =	vst v63  }
0x16d: {  	s6 =	sadd.s32 $0x2F0, s6  }
0x16e: {  	[tilespmem:s18], [sflag:$0x1] =	stream.indirect.gather [hbm4b:s1+s22], $0x80, s6, s22, $0xb8;
	[tilespmem:$0x19500] =	vst v63  }
0x16f: {  	_ =	swait.ge [sflag:s9], $0x1C00  }
0x170: {  	[sflag:s9] =	ssyncset.done $0x0  }
0x171: {  	[sflag:s9] =	ssyncadd.s32 $0xFFFFE400  }
0x172: {  	_ =	swait.ge [sflag:s9], $0x1800  }
0x173: {  	[sflag:s9] =	ssyncset.done $0x0  }
0x174: {  	[sflag:s9] =	ssyncadd.s32 $0xFFFFE800  }
0x175: {  	_ =	swait.ge [sflag:s9], $0x1800  }
0x176: {  	[sflag:s9] =	ssyncset.done $0x0  }
0x177: {  	[sflag:s9] =	ssyncadd.s32 $0xFFFFE800  }
0x178: {  	_ =	swait.ge [sflag:s9], $0x1800  }
0x179: {  	[sflag:s9] =	ssyncset.done $0x0  }
0x17a: {  	s7 =	simm.s32 $0xCA00;
	[sflag:s9] =	ssyncadd.s32 $0xFFFFE800  }
0x17b: {  	v0 =	vld [tilespmem:s7+$0x180]  }
0x17c: {  	v1 =	vld [tilespmem:s7+$0x190]  }
0x17d: {  	v2 =	vld [tilespmem:s7+$0x1A0]  }
0x17e: {  	v3 =	vld [tilespmem:s7+$0x1B0]  }
0x17f: {  	v37 =	vld [tilespmem:s7+$0x1C0]  }
0x180: {  	v36 =	vld [tilespmem:s7+$0x1D0]  }
0x181: {  	v4 =	vld [tilespmem:s7+$0x100]  }
0x182: {  	v5 =	vld [tilespmem:s7+$0x110]  }
0x183: {  	v6 =	vld [tilespmem:s7+$0x120]  }
0x184: {  	v7 =	vld [tilespmem:s7+$0x130]  }
0x185: {  	v39 =	vld [tilespmem:s7+$0x140]  }
0x186: {  	v38 =	vld [tilespmem:s7+$0x150]  }
0x187: {  	v8 =	vld [tilespmem:s7+$0x80]  }
0x188: {  	v9 =	vld [tilespmem:s7+$0x90]  }
0x189: {  	v10 =	vld [tilespmem:s7+$0xA0]  }
0x18a: {  	v11 =	vld [tilespmem:s7+$0xB0]  }
0x18b: {  	v12 =	vld [tilespmem:s7+$0xC0]  }
0x18c: {  	v16 =	vld [tilespmem:s7+$0xD0]  }
0x18d: {  	v17 =	vld [tilespmem:s7+$0x0]  }
0x18e: {  	v34 =	vld [tilespmem:s7+$0x10]  }
0x18f: {  	v35 =	vld [tilespmem:s7+$0x20]  }
0x190: {  	v40 =	vld [tilespmem:s7+$0x30]  }
0x191: {  	v44 =	vld [tilespmem:s7+$0x40]  }
0x192: {  	v45 =	vld [tilespmem:s7+$0x50]  }
0x193: {  	v41 =	vld [tilespmem:s7+$0xFFFFFF80]  }
0x194: {  	v42 =	vld [tilespmem:s7+$0xFFFFFF90]  }
0x195: {  	v43 =	vld [tilespmem:s7+$0xFFFFFF00]  }
0x196: {  	v46 =	vld [tilespmem:s7+$0xFFFFFF10]  }
0x197: {  	v47 =	vld [tilespmem:s7+$0xFFFFFE80]  }
0x198: {  	v48 =	vld [tilespmem:s7+$0xFFFFFE90]  }
0x199: {  	v49 =	vld [tilespmem:s7+$0xFFFFFE00]  }
0x19a: {  	v50 =	vld [tilespmem:s7+$0xFFFFFE10]  }
0x19b: {  	v51 =	vld [tilespmem:s7+$0xFFFFFE20]  }
0x19c: {  	v52 =	vld [tilespmem:s7+$0xFFFFFE30]  }
0x19d: {  	v53 =	vld [tilespmem:s7+$0xFFFFFEA0]  }
0x19e: {  	v54 =	vld [tilespmem:s7+$0xFFFFFEB0]  }
0x19f: {  	v55 =	vimm.f32 $0.0e+00;
	v59 =	vld [tilespmem:s7+$0xFFFFFE40]  }
0x1a0: {  	v56 =	vld [tilespmem:s7+$0xFFFFFF20];
	v49 =	vadd.f32 v49, v55;
	v50 =	vadd.f32 v50, v55  }
0x1a1: {  	v57 =	vld [tilespmem:s7+$0xFFFFFF30];
	v51 =	vadd.f32 v51, v55;
	v52 =	vadd.f32 v52, v55  }
0x1a2: {  	v58 =	vld [tilespmem:s7+$0xFFFFFFA0];
	v47 =	vadd.f32 v47, v49;
	v48 =	vadd.f32 v48, v50  }
0x1a3: {  	v60 =	vld [tilespmem:s7+$0xFFFFFFB0];
	v61 =	vadd.f32 v53, v51;
	v62 =	vadd.f32 v54, v52  }
0x1a4: {  	v52 =	vld [tilespmem:s7+$0xFFFFFFC0];
	v54 =	vadd.f32 v59, v55;
	v43 =	vadd.f32 v43, v47  }
0x1a5: {  	v46 =	vadd.f32 v46, v48;
	v63 =	vadd.f32 v56, v61;
	v61 =	vld [tilespmem:s7+$0xFFFFFE70]  }
0x1a6: {  	v51 =	vld [tilespmem:s7+$0xFFFFFF40];
	v56 =	vadd.f32 v57, v62;
	v41 =	vadd.f32 v41, v43  }
0x1a7: {  	v53 =	vld [tilespmem:s7+$0xFFFFFF50];
	v42 =	vadd.f32 v42, v46;
	v57 =	vadd.f32 v58, v63  }
0x1a8: {  	v58 =	vadd.f32 v60, v56;
	v60 =	vld [tilespmem:s7+$0xFFFFFE50];
	v17 =	vadd.f32 v17, v41  }
0x1a9: {  	v49 =	vld [tilespmem:s7+$0xFFFFFED0];
	v34 =	vadd.f32 v34, v42;
	v35 =	vadd.f32 v35, v57  }
0x1aa: {  	v48 =	vld [tilespmem:s7+$0xFFFFFFD0];
	v40 =	vadd.f32 v40, v58;
	v59 =	vadd.f32 v61, v55  }
0x1ab: {  	v62 =	vld [tilespmem:s7+$0xFFFFFEE0];
	v8 =	vadd.f32 v8, v17;
	v9 =	vadd.f32 v9, v34  }
0x1ac: {  	v17 =	vld [tilespmem:s7+$0xFFFFFE60];
	v10 =	vadd.f32 v10, v35;
	v11 =	vadd.f32 v11, v40  }
0x1ad: {  	v46 =	vld [tilespmem:s7+$0xFFFFFEC0];
	v56 =	vadd.f32 v60, v55;
	v4 =	vadd.f32 v4, v8  }
0x1ae: {  	v63 =	vld [tilespmem:s7+$0xFFFFFEF0];
	v5 =	vadd.f32 v5, v9;
	v6 =	vadd.f32 v6, v10  }
0x1af: {  	v57 =	vld [tilespmem:s7+$0xFFFFFF70];
	v7 =	vadd.f32 v7, v11;
	v42 =	vadd.f32 v0, v4  }
0x1b0: {  	v35 =	vld [tilespmem:s7+$0xFFFFFF60];
	v43 =	vadd.f32 v1, v5;
	v41 =	vadd.f32 v2, v6  }
0x1b1: {  	v61 =	vld [tilespmem:s7+$0xFFFFFFF0];
	v40 =	vadd.f32 v3, v7;
	v58 =	vadd.f32 v17, v55  }
0x1b2: {  	v60 =	vld [tilespmem:s7+$0xFFFFFFE0];
	v1 =	vadd.f32 v46, v54;
	v2 =	vadd.f32 v49, v56  }
0x1b3: {  	v5 =	vadd.f32 v63, v59;
	v63 =	vld [tilespmem:s7+$0x70];
	v4 =	vadd.f32 v62, v58  }
0x1b4: {  	v1 =	vadd.f32 v51, v1;
	v2 =	vadd.f32 v53, v2;
	v62 =	vld [tilespmem:s7+$0x60]  }
0x1b5: {  	v47 =	vld [tilespmem:s7+$0xE0];
	v3 =	vadd.f32 v57, v5;
	v0 =	vadd.f32 v35, v4  }
0x1b6: {  	v1 =	vadd.f32 v52, v1;
	v2 =	vadd.f32 v48, v2;
	v48 =	vld [tilespmem:s7+$0xF0]  }
0x1b7: {  	v50 =	vld [tilespmem:s7+$0x170];
	v3 =	vadd.f32 v61, v3;
	v0 =	vadd.f32 v60, v0  }
0x1b8: {  	v49 =	vld [tilespmem:s7+$0x160];
	v1 =	vadd.f32 v44, v1;
	v2 =	vadd.f32 v45, v2  }
0x1b9: {  	v51 =	vld [tilespmem:s7+$0x1E0];
	v52 =	vadd.f32 v63, v3;
	v54 =	vadd.f32 v62, v0  }
0x1ba: {  	s17 =	simm.s32 $0x0;
	s6 =	simm.s32 $0xCE00;
	v44 =	vld [tilespmem:s7+$0x1F0];
	v53 =	vadd.f32 v12, v1;
	v45 =	vadd.f32 v16, v2  }
.LBB2_7:
0x1bb: {  	v46 =	vld [tilespmem:s6+$0x180];
	v0 =	vadd.f32 v47, v54;
	v1 =	vadd.f32 v48, v52  }
0x1bc: {  	v47 =	vld [tilespmem:s6+$0x190];
	v2 =	vadd.f32 v39, v53;
	v3 =	vadd.f32 v38, v45  }
0x1bd: {  	v48 =	vld [tilespmem:s6+$0x1A0];
	v0 =	vadd.f32 v49, v0;
	v1 =	vadd.f32 v50, v1  }
0x1be: {  	v53 =	vld [tilespmem:s6+$0x1B0];
	v49 =	vadd.f32 v37, v2;
	v50 =	vadd.f32 v36, v3  }
0x1bf: {  	v37 =	vld [tilespmem:s6+$0x1C0];
	v51 =	vadd.f32 v51, v0;
	v52 =	vadd.f32 v44, v1  }
0x1c0: {  	v36 =	vld [tilespmem:s6+$0x1D0]  }
0x1c1: {  	v0 =	vld [tilespmem:s6+$0x100]  }
0x1c2: {  	v1 =	vld [tilespmem:s6+$0x110]  }
0x1c3: {  	v2 =	vld [tilespmem:s6+$0x120]  }
0x1c4: {  	v3 =	vld [tilespmem:s6+$0x130]  }
0x1c5: {  	v39 =	vld [tilespmem:s6+$0x140]  }
0x1c6: {  	v38 =	vld [tilespmem:s6+$0x150]  }
0x1c7: {  	v4 =	vld [tilespmem:s6+$0x80]  }
0x1c8: {  	v5 =	vld [tilespmem:s6+$0x90]  }
0x1c9: {  	v6 =	vld [tilespmem:s6+$0xA0]  }
0x1ca: {  	v7 =	vld [tilespmem:s6+$0xB0]  }
0x1cb: {  	v44 =	vld [tilespmem:s6+$0xC0]  }
0x1cc: {  	v45 =	vld [tilespmem:s6+$0xD0]  }
0x1cd: {  	v8 =	vld [tilespmem:s6+$0x0]  }
0x1ce: {  	v9 =	vld [tilespmem:s6+$0x10]  }
0x1cf: {  	v10 =	vld [tilespmem:s6+$0x20]  }
0x1d0: {  	v11 =	vld [tilespmem:s6+$0x30]  }
0x1d1: {  	v12 =	vld [tilespmem:s6+$0x40]  }
0x1d2: {  	v16 =	vld [tilespmem:s6+$0x50]  }
0x1d3: {  	v17 =	vld [tilespmem:s6+$0xFFFFFF80]  }
0x1d4: {  	v34 =	vld [tilespmem:s6+$0xFFFFFF90]  }
0x1d5: {  	v35 =	vld [tilespmem:s6+$0xFFFFFF00]  }
0x1d6: {  	v54 =	vld [tilespmem:s6+$0xFFFFFF10]  }
0x1d7: {  	v55 =	vld [tilespmem:s6+$0xFFFFFE80]  }
0x1d8: {  	v56 =	vld [tilespmem:s6+$0xFFFFFE90]  }
0x1d9: {  	v57 =	vld [tilespmem:s6+$0xFFFFFE00]  }
0x1da: {  	v58 =	vld [tilespmem:s6+$0xFFFFFE10]  }
0x1db: {  	v59 =	vld [tilespmem:s6+$0xFFFFFE20]  }
0x1dc: {  	v60 =	vld [tilespmem:s6+$0xFFFFFE30]  }
0x1dd: {  	v61 =	vld [tilespmem:s6+$0xFFFFFEA0]  }
0x1de: {  	v62 =	vld [tilespmem:s6+$0xFFFFFEB0]  }
0x1df: {  	v63 =	vld [tilespmem:s6+$0xFFFFFF20]  }
0x1e0: {  	v42 =	vadd.f32 v57, v42;
	v43 =	vadd.f32 v58, v43;
	v57 =	vld [tilespmem:s6+$0xFFFFFF30]  }
0x1e1: {  	v41 =	vadd.f32 v59, v41;
	v40 =	vadd.f32 v60, v40;
	v58 =	vld [tilespmem:s6+$0xFFFFFFA0]  }
0x1e2: {  	v42 =	vadd.f32 v55, v42;
	v43 =	vadd.f32 v56, v43;
	v55 =	vld [tilespmem:s6+$0xFFFFFFB0]  }
0x1e3: {  	v41 =	vadd.f32 v61, v41;
	v40 =	vadd.f32 v62, v40;
	v56 =	vld [tilespmem:s6+$0xFFFFFFC0]  }
0x1e4: {  	v35 =	vadd.f32 v35, v42;
	v42 =	vadd.f32 v54, v43;
	v54 =	vld [tilespmem:s6+$0xFFFFFFD0]  }
0x1e5: {  	v41 =	vadd.f32 v63, v41;
	v40 =	vadd.f32 v57, v40;
	v57 =	vld [tilespmem:s6+$0xFFFFFF40]  }
0x1e6: {  	v17 =	vadd.f32 v17, v35;
	v34 =	vadd.f32 v34, v42;
	v59 =	vld [tilespmem:s6+$0xFFFFFF50]  }
0x1e7: {  	v41 =	vadd.f32 v58, v41;
	v35 =	vld [tilespmem:s6+$0xFFFFFEC0];
	v40 =	vadd.f32 v55, v40  }
0x1e8: {  	v8 =	vadd.f32 v8, v17;
	v9 =	vadd.f32 v9, v34;
	v55 =	vld [tilespmem:s6+$0xFFFFFED0]  }
0x1e9: {  	v10 =	vadd.f32 v10, v41;
	v17 =	vld [tilespmem:s6+$0xFFFFFE40];
	v11 =	vadd.f32 v11, v40  }
0x1ea: {  	v4 =	vadd.f32 v4, v8;
	v5 =	vadd.f32 v5, v9;
	v34 =	vld [tilespmem:s6+$0xFFFFFE50]  }
0x1eb: {  	v6 =	vadd.f32 v6, v10;
	v8 =	vld [tilespmem:s6+$0xFFFFFE60];
	v7 =	vadd.f32 v7, v11  }
0x1ec: {  	s17 =	sadd.s32 $0x8, s17;
	v0 =	vadd.f32 v0, v4;
	v1 =	vadd.f32 v1, v5;
	v9 =	vld [tilespmem:s6+$0xFFFFFE70]  }
0x1ed: {  	p0 =	slt.u32 s17, $0xC0;
	v2 =	vadd.f32 v2, v6;
	v4 =	vld [tilespmem:s6+$0xFFFFFEE0];
	v3 =	vadd.f32 v3, v7  }
0x1ee: {  	v42 =	vadd.f32 v46, v0;
	v43 =	vadd.f32 v47, v1;
	v5 =	vld [tilespmem:s6+$0xFFFFFEF0]  }
0x1ef: {  	v41 =	vadd.f32 v48, v2;
	v0 =	vld [tilespmem:s6+$0xFFFFFF60];
	v40 =	vadd.f32 v53, v3  }
0x1f0: {  	v1 =	vadd.f32 v17, v49;
	v2 =	vadd.f32 v34, v50;
	v3 =	vld [tilespmem:s6+$0xFFFFFF70]  }
0x1f1: {  	v6 =	vadd.f32 v8, v51;
	v7 =	vadd.f32 v9, v52;
	v8 =	vld [tilespmem:s6+$0xFFFFFFE0]  }
0x1f2: {  	v1 =	vadd.f32 v35, v1;
	v2 =	vadd.f32 v55, v2;
	v9 =	vld [tilespmem:s6+$0xFFFFFFF0]  }
0x1f3: {  	v4 =	vadd.f32 v4, v6;
	v5 =	vadd.f32 v5, v7;
	v6 =	vld [tilespmem:s6+$0x60]  }
0x1f4: {  	v1 =	vadd.f32 v57, v1;
	v2 =	vadd.f32 v59, v2;
	v7 =	vld [tilespmem:s6+$0x70]  }
0x1f5: {  	v0 =	vadd.f32 v0, v4;
	v3 =	vadd.f32 v3, v5;
	v47 =	vld [tilespmem:s6+$0xE0]  }
.Ltmp6:
0x1f6: {  	v1 =	vadd.f32 v56, v1;
	v2 =	vadd.f32 v54, v2;
	v48 =	vld [tilespmem:s6+$0xF0];
	(pc) =	sbr.rel @p0 .LBB2_7-.Ltmp6, $4  }
0x1f7: {  	v0 =	vadd.f32 v8, v0;
	v3 =	vadd.f32 v9, v3;
	v49 =	vld [tilespmem:s6+$0x160]  }
0x1f8: {  	v1 =	vadd.f32 v12, v1;
	v2 =	vadd.f32 v16, v2;
	v50 =	vld [tilespmem:s6+$0x170]  }
0x1f9: {  	v54 =	vadd.f32 v6, v0;
	v52 =	vadd.f32 v7, v3;
	v51 =	vld [tilespmem:s6+$0x1E0]  }
0x1fa: {  	v53 =	vadd.f32 v44, v1;
	v45 =	vadd.f32 v45, v2;
	v44 =	vld [tilespmem:s6+$0x1F0];
	s6 =	sadd.s32 $0x400, s6  }
0x1fb: {  	v0 =	vadd.f32 v47, v54;
	v1 =	vmul.f32 v42, v18;
	v2 =	vmul.f32 v43, v19  }
0x1fc: {  	v3 =	vadd.f32 v48, v52;
	v4 =	vmul.f32 v42, v26;
	v5 =	vmul.f32 v43, v27  }
0x1fd: {  	v54 =	vmul.f32 v41, v20;
	v6 =	vadd.f32 v39, v53;
	v1 =	vadd.f32 v2, v1  }
0x1fe: {  	v55 =	vmul.f32 v41, v28;
	v7 =	vadd.f32 v38, v45;
	v4 =	vadd.f32 v5, v4  }
0x1ff: {  	v56 =	vmul.f32 v40, v21;
	v6 =	vadd.f32 v37, v6;
	v1 =	vadd.f32 v54, v1  }
0x200: {  	v57 =	vmul.f32 v40, v29;
	v0 =	vadd.f32 v49, v0;
	v4 =	vadd.f32 v55, v4  }
0x201: {  	v7 =	vadd.f32 v36, v7;
	v58 =	vmul.f32 v6, v22;
	v1 =	vadd.f32 v56, v1  }
0x202: {  	v3 =	vadd.f32 v50, v3;
	v59 =	vmul.f32 v6, v30;
	v4 =	vadd.f32 v57, v4  }
0x203: {  	v0 =	vadd.f32 v51, v0;
	v60 =	vmul.f32 v7, v23;
	v1 =	vadd.f32 v58, v1  }
0x204: {  	v61 =	vmul.f32 v7, v31;
	v4 =	vadd.f32 v59, v4  }
0x205: {  	s6 =	sadd.s32 $0x1, s26;
	v3 =	vadd.f32 v44, v3;
	v62 =	vmul.f32 v0, v24;
	v1 =	vadd.f32 v60, v1  }
0x206: {  	s7 =	sand.u32 $0xF, s6;
	v0 =	vmul.f32 v0, v32;
	v4 =	vadd.f32 v61, v4  }
0x207: {  	p0 =	sne.s32 s7, $0xF;
	v63 =	vmul.f32 v3, v25;
	v1 =	vadd.f32 v62, v1  }
.Ltmp7:
0x208: {  	v3 =	vmul.f32 v3, v33;
	v0 =	vadd.f32 v0, v4;
	(pc) =	sbr.rel @p0 .LBB2_10-.Ltmp7, $4  }
0x209: {  	s17 =	sshll.u32 s6, $0x4;
	v1 =	vadd.f32 v63, v1  }
0x20a: {  	s17 =	sand.u32 $0xF0, s17;
	v0 =	vadd.f32 v3, v0  }
0x20b: {  	[tilespmem:s17+$0x19180] =	vst v1  }
0x20c: {  	[tilespmem:s17+$0x19280] =	vst v0  }
0x20d: {  	v4 =	vld [tilespmem:$0x1FFD0];
	_ =	sdelay $0x1  }
0x20e: {  	v5 =	vld [tilespmem:$0x1FF10];
	_ =	sdelay $0x1  }
0x20f: {  	v6 =	vld [tilespmem:$0x1FF20];
	_ =	sdelay $0x1  }
0x210: {  	v7 =	vld [tilespmem:$0x1FF30]  }
0x211: {  	v8 =	vld [tilespmem:$0x1FF40]  }
0x212: {  	v0 =	vld.idx.msk [tilespmem:v4+s2+$0x0], $0xffff  }
0x213: {  	v9 =	vld [tilespmem:$0x1FF50]  }
0x214: {  	v1 =	vld.idx.msk [tilespmem:v5+s2+$0x0], $0xffff  }
0x215: {  	v10 =	vld [tilespmem:$0x1FF60]  }
0x216: {  	v2 =	vld.idx.msk [tilespmem:v6+s2+$0x0], $0xffff  }
0x217: {  	v11 =	vld [tilespmem:$0x1FF70];
	v0 =	vadd.f32 $0.0e+00, v0  }
0x218: {  	v3 =	vld.idx.msk [tilespmem:v7+s2+$0x0], $0xffff  }
0x219: {  	v12 =	vld [tilespmem:$0x1FF80];
	v0 =	vadd.f32 v1, v0  }
0x21a: {  	v63 =	vld.idx.msk [tilespmem:v8+s2+$0x0], $0xffff  }
0x21b: {  	v0 =	vadd.f32 v2, v0  }
0x21c: {  	v34 =	vld.idx.msk [tilespmem:v9+s2+$0x0], $0xffff  }
0x21d: {  	v16 =	vld [tilespmem:$0x1FF90];
	v0 =	vadd.f32 v3, v0  }
0x21e: {  	v35 =	vld.idx.msk [tilespmem:v10+s2+$0x0], $0xffff  }
0x21f: {  	v17 =	vld [tilespmem:$0x1FFA0];
	v0 =	vadd.f32 v63, v0  }
0x220: {  	v36 =	vld.idx.msk [tilespmem:v11+s2+$0x0], $0xffff  }
0x221: {  	v0 =	vadd.f32 v34, v0;
	v34 =	vld [tilespmem:$0x1FFB0]  }
0x222: {  	v37 =	vld.idx.msk [tilespmem:v12+s2+$0x0], $0xffff  }
0x223: {  	v0 =	vadd.f32 v35, v0;
	v35 =	vld [tilespmem:$0x1FFC0];
	_ =	sdelay $0x1  }
0x224: {  	v38 =	vld.idx.msk [tilespmem:v16+s2+$0x0], $0xffff  }
0x225: {  	v0 =	vadd.f32 v36, v0  }
0x226: {  	v39 =	vld.idx.msk [tilespmem:v17+s2+$0x0], $0xffff  }
0x227: {  	v0 =	vadd.f32 v37, v0  }
0x228: {  	v40 =	vld.idx.msk [tilespmem:v34+s2+$0x0], $0xffff  }
0x229: {  	v0 =	vadd.f32 v38, v0  }
0x22a: {  	v41 =	vld.idx.msk [tilespmem:v35+s2+$0x0], $0xffff  }
0x22b: {  	v0 =	vadd.f32 v39, v0  }
0x22c: {  	v42 =	vld.idx.msk [tilespmem:v13+s2+$0x0], $0xffff  }
0x22d: {  	v0 =	vadd.f32 v40, v0  }
0x22e: {  	v43 =	vld.idx.msk [tilespmem:v14+s2+$0x0], $0xffff  }
0x22f: {  	v0 =	vadd.f32 v41, v0  }
0x230: {  	v44 =	vld.idx.msk [tilespmem:v15+s2+$0x0], $0xffff  }
0x231: {  	v0 =	vadd.f32 v42, v0;
	_ =	sdelay $0x1  }
0x232: {  	v0 =	vadd.f32 v43, v0  }
0x233: {  	v45 =	vld [tilespmem:$0x1FEF0]  }
0x234: {  	v0 =	vadd.f32 v44, v0;
	_ =	sdelay $0x1  }
0x235: {  	v0 =	vmul.f32 $4.999999890e-03, v0;
	_ =	sdelay $0x1  }
0x236: {  	v0 =	vadd.f32 v0, v45;
	_ =	sdelay $0x1  }
0x237: {  	[tilespmem:$0x19380] =	vst v0  }
0x238: {  	v0 =	vld.idx.msk [tilespmem:v4+s4+$0x0], $0xffff;
	_ =	sdelay $0x1  }
0x239: {  	v46 =	vld.idx.msk [tilespmem:v5+s4+$0x0], $0xffff;
	_ =	sdelay $0x1  }
0x23a: {  	v47 =	vld.idx.msk [tilespmem:v6+s4+$0x0], $0xffff  }
0x23b: {  	v0 =	vadd.f32 $0.0e+00, v0  }
0x23c: {  	v48 =	vld.idx.msk [tilespmem:v7+s4+$0x0], $0xffff  }
0x23d: {  	v0 =	vadd.f32 v46, v0  }
0x23e: {  	v49 =	vld.idx.msk [tilespmem:v8+s4+$0x0], $0xffff  }
0x23f: {  	v0 =	vadd.f32 v47, v0  }
0x240: {  	v50 =	vld.idx.msk [tilespmem:v9+s4+$0x0], $0xffff  }
0x241: {  	v0 =	vadd.f32 v48, v0  }
0x242: {  	v51 =	vld.idx.msk [tilespmem:v10+s4+$0x0], $0xffff  }
0x243: {  	v0 =	vadd.f32 v49, v0  }
0x244: {  	v52 =	vld.idx.msk [tilespmem:v11+s4+$0x0], $0xffff  }
0x245: {  	v0 =	vadd.f32 v50, v0  }
0x246: {  	v53 =	vld.idx.msk [tilespmem:v12+s4+$0x0], $0xffff  }
0x247: {  	v0 =	vadd.f32 v51, v0  }
0x248: {  	v54 =	vld.idx.msk [tilespmem:v16+s4+$0x0], $0xffff  }
0x249: {  	v0 =	vadd.f32 v52, v0  }
0x24a: {  	v55 =	vld.idx.msk [tilespmem:v17+s4+$0x0], $0xffff  }
0x24b: {  	v0 =	vadd.f32 v53, v0  }
0x24c: {  	v56 =	vld.idx.msk [tilespmem:v34+s4+$0x0], $0xffff  }
0x24d: {  	v0 =	vadd.f32 v54, v0  }
0x24e: {  	v57 =	vld.idx.msk [tilespmem:v35+s4+$0x0], $0xffff  }
0x24f: {  	v0 =	vadd.f32 v55, v0  }
0x250: {  	v58 =	vld.idx.msk [tilespmem:v13+s4+$0x0], $0xffff  }
0x251: {  	v0 =	vadd.f32 v56, v0  }
0x252: {  	v59 =	vld.idx.msk [tilespmem:v14+s4+$0x0], $0xffff  }
0x253: {  	v0 =	vadd.f32 v57, v0  }
0x254: {  	v60 =	vld.idx.msk [tilespmem:v15+s4+$0x0], $0xffff  }
0x255: {  	v0 =	vadd.f32 v58, v0;
	_ =	sdelay $0x1  }
0x256: {  	v61 =	vld [tilespmem:$0x1FF00];
	v0 =	vadd.f32 v59, v0  }
0x257: {  	v62 =	vld [tilespmem:$0x1FFE0]  }
0x258: {  	v0 =	vadd.f32 v60, v0;
	_ =	sdelay $0x1  }
0x259: {  	v0 =	vmul.f32 $4.999999890e-03, v0;
	_ =	sdelay $0x1  }
0x25a: {  	v0 =	vadd.f32 v0, v61  }
0x25b: {  	v63 =	vld [tilespmem:$0x1FFF0]  }
0x25c: {  	[tilespmem:$0x19390] =	vst v0  }
0x25d: {  	v0 =	vld.idx.msk [tilespmem:v62+s8+$0x0], $0xffff;
	_ =	sdelay $0x2  }
0x25e: {  	s6 =	sshll.u32 s6, $0x1  }
0x25f: {  	s6 =	sand.u32 $0x3E0, s6  }
0x260: {  	[tilespmem:s6+$0x19400] =	vst v0  }
0x261: {  	v0 =	vld.idx.msk [tilespmem:v63+s8+$0x0], $0xffff;
	_ =	sdelay $0x4  }
0x262: {  	[tilespmem:s6+$0x19410] =	vst v0  }
.LBB2_10:
0x263: {  	s6 =	smin.u32 s26, $0x7B  }
0x264: {  	s6 =	smul.u32 $0x320, s6;
	_ =	sdelay $0x1  }
0x265: {  	s6 =	sshrl.u32 s6, $0x2  }
0x266: {  	s7 =	sadd.s32 $0x320, s6  }
0x267: {  	[tilespmem:s20], [sflag:$0x2] =	stream.indirect.gather [hbm4b:s1+s12], $0x80, s7, s12, $0xb8;
	[tilespmem:$0x19500] =	vst v63  }
0x268: {  	s26 =	sadd.s32 $0x358, s6  }
0x269: {  	[tilespmem:s21], [sflag:$0x2] =	stream.indirect.gather [hbm4b:s1+s22], $0x80, s26, s22, $0xb8;
	[tilespmem:$0x19500] =	vst v63  }
0x26a: {  	s17 =	sadd.s32 $0x388, s6  }
0x26b: {  	[tilespmem:s24], [sflag:$0x2] =	stream.indirect.gather [hbm4b:s1+s22], $0x80, s17, s22, $0xb8;
	[tilespmem:$0x19500] =	vst v63  }
0x26c: {  	s6 =	sadd.s32 $0x3B8, s6  }
0x26d: {  	[tilespmem:s28], [sflag:$0x2] =	stream.indirect.gather [hbm4b:s1+s22], $0x80, s6, s22, $0xb8;
	[tilespmem:$0x19500] =	vst v63  }
0x26e: {  	_ =	swait.ge [sflag:s15], $0x1C00  }
0x26f: {  	[sflag:s15] =	ssyncset.done $0x0  }
0x270: {  	[sflag:s15] =	ssyncadd.s32 $0xFFFFE400  }
0x271: {  	_ =	swait.ge [sflag:s15], $0x1800  }
0x272: {  	[sflag:s15] =	ssyncset.done $0x0  }
0x273: {  	[sflag:s15] =	ssyncadd.s32 $0xFFFFE800  }
0x274: {  	_ =	swait.ge [sflag:s15], $0x1800  }
0x275: {  	[sflag:s15] =	ssyncset.done $0x0  }
0x276: {  	[sflag:s15] =	ssyncadd.s32 $0xFFFFE800  }
0x277: {  	_ =	swait.ge [sflag:s15], $0x1800  }
0x278: {  	[sflag:s15] =	ssyncset.done $0x0  }
0x279: {  	s26 =	simm.s32 $0x12E00;
	[sflag:s15] =	ssyncadd.s32 $0xFFFFE800  }
0x27a: {  	v0 =	vld [tilespmem:s26+$0x180]  }
0x27b: {  	v1 =	vld [tilespmem:s26+$0x190]  }
0x27c: {  	v2 =	vld [tilespmem:s26+$0x1A0]  }
0x27d: {  	v3 =	vld [tilespmem:s26+$0x1B0]  }
0x27e: {  	v37 =	vld [tilespmem:s26+$0x1C0]  }
0x27f: {  	v36 =	vld [tilespmem:s26+$0x1D0]  }
0x280: {  	v4 =	vld [tilespmem:s26+$0x100]  }
0x281: {  	v5 =	vld [tilespmem:s26+$0x110]  }
0x282: {  	v6 =	vld [tilespmem:s26+$0x120]  }
0x283: {  	v7 =	vld [tilespmem:s26+$0x130]  }
0x284: {  	v39 =	vld [tilespmem:s26+$0x140]  }
0x285: {  	v38 =	vld [tilespmem:s26+$0x150]  }
0x286: {  	v8 =	vld [tilespmem:s26+$0x80]  }
0x287: {  	v9 =	vld [tilespmem:s26+$0x90]  }
0x288: {  	v10 =	vld [tilespmem:s26+$0xA0]  }
0x289: {  	v11 =	vld [tilespmem:s26+$0xB0]  }
0x28a: {  	v12 =	vld [tilespmem:s26+$0xC0]  }
0x28b: {  	v16 =	vld [tilespmem:s26+$0xD0]  }
0x28c: {  	v17 =	vld [tilespmem:s26+$0x0]  }
0x28d: {  	v34 =	vld [tilespmem:s26+$0x10]  }
0x28e: {  	v35 =	vld [tilespmem:s26+$0x20]  }
0x28f: {  	v40 =	vld [tilespmem:s26+$0x30]  }
0x290: {  	v44 =	vld [tilespmem:s26+$0x40]  }
0x291: {  	v45 =	vld [tilespmem:s26+$0x50]  }
0x292: {  	v41 =	vld [tilespmem:s26+$0xFFFFFF80]  }
0x293: {  	v42 =	vld [tilespmem:s26+$0xFFFFFF90]  }
0x294: {  	v43 =	vld [tilespmem:s26+$0xFFFFFF00]  }
0x295: {  	v46 =	vld [tilespmem:s26+$0xFFFFFF10]  }
0x296: {  	v47 =	vld [tilespmem:s26+$0xFFFFFE80]  }
0x297: {  	v48 =	vld [tilespmem:s26+$0xFFFFFE90]  }
0x298: {  	v49 =	vld [tilespmem:s26+$0xFFFFFE00]  }
0x299: {  	v50 =	vld [tilespmem:s26+$0xFFFFFE10]  }
0x29a: {  	v51 =	vld [tilespmem:s26+$0xFFFFFE20]  }
0x29b: {  	v52 =	vld [tilespmem:s26+$0xFFFFFE30]  }
0x29c: {  	v53 =	vld [tilespmem:s26+$0xFFFFFEA0]  }
0x29d: {  	v54 =	vld [tilespmem:s26+$0xFFFFFEB0]  }
0x29e: {  	v55 =	vimm.f32 $0.0e+00;
	v59 =	vld [tilespmem:s26+$0xFFFFFE40]  }
0x29f: {  	v56 =	vld [tilespmem:s26+$0xFFFFFF20];
	v49 =	vadd.f32 v49, v55;
	v50 =	vadd.f32 v50, v55  }
0x2a0: {  	v57 =	vld [tilespmem:s26+$0xFFFFFF30];
	v51 =	vadd.f32 v51, v55;
	v52 =	vadd.f32 v52, v55  }
0x2a1: {  	v58 =	vld [tilespmem:s26+$0xFFFFFFA0];
	v47 =	vadd.f32 v47, v49;
	v48 =	vadd.f32 v48, v50  }
0x2a2: {  	v60 =	vld [tilespmem:s26+$0xFFFFFFB0];
	v61 =	vadd.f32 v53, v51;
	v62 =	vadd.f32 v54, v52  }
0x2a3: {  	v52 =	vld [tilespmem:s26+$0xFFFFFFC0];
	v54 =	vadd.f32 v59, v55;
	v43 =	vadd.f32 v43, v47  }
0x2a4: {  	v46 =	vadd.f32 v46, v48;
	v63 =	vadd.f32 v56, v61;
	v61 =	vld [tilespmem:s26+$0xFFFFFE70]  }
0x2a5: {  	v51 =	vld [tilespmem:s26+$0xFFFFFF40];
	v56 =	vadd.f32 v57, v62;
	v41 =	vadd.f32 v41, v43  }
0x2a6: {  	v53 =	vld [tilespmem:s26+$0xFFFFFF50];
	v42 =	vadd.f32 v42, v46;
	v57 =	vadd.f32 v58, v63  }
0x2a7: {  	v58 =	vadd.f32 v60, v56;
	v60 =	vld [tilespmem:s26+$0xFFFFFE50];
	v17 =	vadd.f32 v17, v41  }
0x2a8: {  	v49 =	vld [tilespmem:s26+$0xFFFFFED0];
	v34 =	vadd.f32 v34, v42;
	v35 =	vadd.f32 v35, v57  }
0x2a9: {  	v48 =	vld [tilespmem:s26+$0xFFFFFFD0];
	v40 =	vadd.f32 v40, v58;
	v59 =	vadd.f32 v61, v55  }
0x2aa: {  	v62 =	vld [tilespmem:s26+$0xFFFFFEE0];
	v8 =	vadd.f32 v8, v17;
	v9 =	vadd.f32 v9, v34  }
0x2ab: {  	v17 =	vld [tilespmem:s26+$0xFFFFFE60];
	v10 =	vadd.f32 v10, v35;
	v11 =	vadd.f32 v11, v40  }
0x2ac: {  	v46 =	vld [tilespmem:s26+$0xFFFFFEC0];
	v56 =	vadd.f32 v60, v55;
	v4 =	vadd.f32 v4, v8  }
0x2ad: {  	v63 =	vld [tilespmem:s26+$0xFFFFFEF0];
	v5 =	vadd.f32 v5, v9;
	v6 =	vadd.f32 v6, v10  }
0x2ae: {  	v57 =	vld [tilespmem:s26+$0xFFFFFF70];
	v7 =	vadd.f32 v7, v11;
	v42 =	vadd.f32 v0, v4  }
0x2af: {  	v35 =	vld [tilespmem:s26+$0xFFFFFF60];
	v43 =	vadd.f32 v1, v5;
	v41 =	vadd.f32 v2, v6  }
0x2b0: {  	v61 =	vld [tilespmem:s26+$0xFFFFFFF0];
	v40 =	vadd.f32 v3, v7;
	v58 =	vadd.f32 v17, v55  }
0x2b1: {  	v60 =	vld [tilespmem:s26+$0xFFFFFFE0];
	v1 =	vadd.f32 v46, v54;
	v2 =	vadd.f32 v49, v56  }
0x2b2: {  	v5 =	vadd.f32 v63, v59;
	v63 =	vld [tilespmem:s26+$0x70];
	v4 =	vadd.f32 v62, v58  }
0x2b3: {  	v1 =	vadd.f32 v51, v1;
	v2 =	vadd.f32 v53, v2;
	v62 =	vld [tilespmem:s26+$0x60]  }
0x2b4: {  	v47 =	vld [tilespmem:s26+$0xE0];
	v3 =	vadd.f32 v57, v5;
	v0 =	vadd.f32 v35, v4  }
0x2b5: {  	v1 =	vadd.f32 v52, v1;
	v2 =	vadd.f32 v48, v2;
	v48 =	vld [tilespmem:s26+$0xF0]  }
0x2b6: {  	v50 =	vld [tilespmem:s26+$0x170];
	v3 =	vadd.f32 v61, v3;
	v0 =	vadd.f32 v60, v0  }
0x2b7: {  	v49 =	vld [tilespmem:s26+$0x160];
	v1 =	vadd.f32 v44, v1;
	v2 =	vadd.f32 v45, v2  }
0x2b8: {  	v51 =	vld [tilespmem:s26+$0x1E0];
	v52 =	vadd.f32 v63, v3;
	v54 =	vadd.f32 v62, v0  }
0x2b9: {  	s17 =	simm.s32 $0x0;
	s6 =	simm.s32 $0x13200;
	v44 =	vld [tilespmem:s26+$0x1F0];
	v53 =	vadd.f32 v12, v1;
	v45 =	vadd.f32 v16, v2  }
.LBB2_11:
0x2ba: {  	v46 =	vld [tilespmem:s6+$0x180];
	v0 =	vadd.f32 v47, v54;
	v1 =	vadd.f32 v48, v52  }
0x2bb: {  	v47 =	vld [tilespmem:s6+$0x190];
	v2 =	vadd.f32 v39, v53;
	v3 =	vadd.f32 v38, v45  }
0x2bc: {  	v48 =	vld [tilespmem:s6+$0x1A0];
	v0 =	vadd.f32 v49, v0;
	v1 =	vadd.f32 v50, v1  }
0x2bd: {  	v53 =	vld [tilespmem:s6+$0x1B0];
	v49 =	vadd.f32 v37, v2;
	v50 =	vadd.f32 v36, v3  }
0x2be: {  	v37 =	vld [tilespmem:s6+$0x1C0];
	v51 =	vadd.f32 v51, v0;
	v52 =	vadd.f32 v44, v1  }
0x2bf: {  	v36 =	vld [tilespmem:s6+$0x1D0]  }
0x2c0: {  	v0 =	vld [tilespmem:s6+$0x100]  }
0x2c1: {  	v1 =	vld [tilespmem:s6+$0x110]  }
0x2c2: {  	v2 =	vld [tilespmem:s6+$0x120]  }
0x2c3: {  	v3 =	vld [tilespmem:s6+$0x130]  }
0x2c4: {  	v39 =	vld [tilespmem:s6+$0x140]  }
0x2c5: {  	v38 =	vld [tilespmem:s6+$0x150]  }
0x2c6: {  	v4 =	vld [tilespmem:s6+$0x80]  }
0x2c7: {  	v5 =	vld [tilespmem:s6+$0x90]  }
0x2c8: {  	v6 =	vld [tilespmem:s6+$0xA0]  }
0x2c9: {  	v7 =	vld [tilespmem:s6+$0xB0]  }
0x2ca: {  	v44 =	vld [tilespmem:s6+$0xC0]  }
0x2cb: {  	v45 =	vld [tilespmem:s6+$0xD0]  }
0x2cc: {  	v8 =	vld [tilespmem:s6+$0x0]  }
0x2cd: {  	v9 =	vld [tilespmem:s6+$0x10]  }
0x2ce: {  	v10 =	vld [tilespmem:s6+$0x20]  }
0x2cf: {  	v11 =	vld [tilespmem:s6+$0x30]  }
0x2d0: {  	v12 =	vld [tilespmem:s6+$0x40]  }
0x2d1: {  	v16 =	vld [tilespmem:s6+$0x50]  }
0x2d2: {  	v17 =	vld [tilespmem:s6+$0xFFFFFF80]  }
0x2d3: {  	v34 =	vld [tilespmem:s6+$0xFFFFFF90]  }
0x2d4: {  	v35 =	vld [tilespmem:s6+$0xFFFFFF00]  }
0x2d5: {  	v54 =	vld [tilespmem:s6+$0xFFFFFF10]  }
0x2d6: {  	v55 =	vld [tilespmem:s6+$0xFFFFFE80]  }
0x2d7: {  	v56 =	vld [tilespmem:s6+$0xFFFFFE90]  }
0x2d8: {  	v57 =	vld [tilespmem:s6+$0xFFFFFE00]  }
0x2d9: {  	v58 =	vld [tilespmem:s6+$0xFFFFFE10]  }
0x2da: {  	v59 =	vld [tilespmem:s6+$0xFFFFFE20]  }
0x2db: {  	v60 =	vld [tilespmem:s6+$0xFFFFFE30]  }
0x2dc: {  	v61 =	vld [tilespmem:s6+$0xFFFFFEA0]  }
0x2dd: {  	v62 =	vld [tilespmem:s6+$0xFFFFFEB0]  }
0x2de: {  	v63 =	vld [tilespmem:s6+$0xFFFFFF20]  }
0x2df: {  	v42 =	vadd.f32 v57, v42;
	v43 =	vadd.f32 v58, v43;
	v57 =	vld [tilespmem:s6+$0xFFFFFF30]  }
0x2e0: {  	v41 =	vadd.f32 v59, v41;
	v40 =	vadd.f32 v60, v40;
	v58 =	vld [tilespmem:s6+$0xFFFFFFA0]  }
0x2e1: {  	v42 =	vadd.f32 v55, v42;
	v43 =	vadd.f32 v56, v43;
	v55 =	vld [tilespmem:s6+$0xFFFFFFB0]  }
0x2e2: {  	v41 =	vadd.f32 v61, v41;
	v40 =	vadd.f32 v62, v40;
	v56 =	vld [tilespmem:s6+$0xFFFFFFC0]  }
0x2e3: {  	v35 =	vadd.f32 v35, v42;
	v42 =	vadd.f32 v54, v43;
	v54 =	vld [tilespmem:s6+$0xFFFFFFD0]  }
0x2e4: {  	v41 =	vadd.f32 v63, v41;
	v40 =	vadd.f32 v57, v40;
	v57 =	vld [tilespmem:s6+$0xFFFFFF40]  }
0x2e5: {  	v17 =	vadd.f32 v17, v35;
	v34 =	vadd.f32 v34, v42;
	v59 =	vld [tilespmem:s6+$0xFFFFFF50]  }
0x2e6: {  	v41 =	vadd.f32 v58, v41;
	v35 =	vld [tilespmem:s6+$0xFFFFFEC0];
	v40 =	vadd.f32 v55, v40  }
0x2e7: {  	v8 =	vadd.f32 v8, v17;
	v9 =	vadd.f32 v9, v34;
	v55 =	vld [tilespmem:s6+$0xFFFFFED0]  }
0x2e8: {  	v10 =	vadd.f32 v10, v41;
	v17 =	vld [tilespmem:s6+$0xFFFFFE40];
	v11 =	vadd.f32 v11, v40  }
0x2e9: {  	v4 =	vadd.f32 v4, v8;
	v5 =	vadd.f32 v5, v9;
	v34 =	vld [tilespmem:s6+$0xFFFFFE50]  }
0x2ea: {  	v6 =	vadd.f32 v6, v10;
	v8 =	vld [tilespmem:s6+$0xFFFFFE60];
	v7 =	vadd.f32 v7, v11  }
0x2eb: {  	s17 =	sadd.s32 $0x8, s17;
	v0 =	vadd.f32 v0, v4;
	v1 =	vadd.f32 v1, v5;
	v9 =	vld [tilespmem:s6+$0xFFFFFE70]  }
0x2ec: {  	p0 =	slt.u32 s17, $0xC0;
	v2 =	vadd.f32 v2, v6;
	v4 =	vld [tilespmem:s6+$0xFFFFFEE0];
	v3 =	vadd.f32 v3, v7  }
0x2ed: {  	v42 =	vadd.f32 v46, v0;
	v43 =	vadd.f32 v47, v1;
	v5 =	vld [tilespmem:s6+$0xFFFFFEF0]  }
0x2ee: {  	v41 =	vadd.f32 v48, v2;
	v0 =	vld [tilespmem:s6+$0xFFFFFF60];
	v40 =	vadd.f32 v53, v3  }
0x2ef: {  	v1 =	vadd.f32 v17, v49;
	v2 =	vadd.f32 v34, v50;
	v3 =	vld [tilespmem:s6+$0xFFFFFF70]  }
0x2f0: {  	v6 =	vadd.f32 v8, v51;
	v7 =	vadd.f32 v9, v52;
	v8 =	vld [tilespmem:s6+$0xFFFFFFE0]  }
0x2f1: {  	v1 =	vadd.f32 v35, v1;
	v2 =	vadd.f32 v55, v2;
	v9 =	vld [tilespmem:s6+$0xFFFFFFF0]  }
0x2f2: {  	v4 =	vadd.f32 v4, v6;
	v5 =	vadd.f32 v5, v7;
	v6 =	vld [tilespmem:s6+$0x60]  }
0x2f3: {  	v1 =	vadd.f32 v57, v1;
	v2 =	vadd.f32 v59, v2;
	v7 =	vld [tilespmem:s6+$0x70]  }
0x2f4: {  	v0 =	vadd.f32 v0, v4;
	v3 =	vadd.f32 v3, v5;
	v47 =	vld [tilespmem:s6+$0xE0]  }
.Ltmp8:
0x2f5: {  	v1 =	vadd.f32 v56, v1;
	v2 =	vadd.f32 v54, v2;
	v48 =	vld [tilespmem:s6+$0xF0];
	(pc) =	sbr.rel @p0 .LBB2_11-.Ltmp8, $4  }
0x2f6: {  	v0 =	vadd.f32 v8, v0;
	v3 =	vadd.f32 v9, v3;
	v49 =	vld [tilespmem:s6+$0x160]  }
0x2f7: {  	v1 =	vadd.f32 v12, v1;
	v2 =	vadd.f32 v16, v2;
	v50 =	vld [tilespmem:s6+$0x170]  }
0x2f8: {  	v54 =	vadd.f32 v6, v0;
	v52 =	vadd.f32 v7, v3;
	v51 =	vld [tilespmem:s6+$0x1E0]  }
0x2f9: {  	v53 =	vadd.f32 v44, v1;
	v45 =	vadd.f32 v45, v2;
	v44 =	vld [tilespmem:s6+$0x1F0];
	s6 =	sadd.s32 $0x400, s6  }
0x2fa: {  	v0 =	vadd.f32 v47, v54;
	v1 =	vmul.f32 v42, v18;
	v2 =	vmul.f32 v43, v19  }
0x2fb: {  	v3 =	vadd.f32 v48, v52;
	v4 =	vmul.f32 v42, v26;
	v5 =	vmul.f32 v43, v27  }
0x2fc: {  	v54 =	vmul.f32 v41, v20;
	v6 =	vadd.f32 v39, v53;
	v1 =	vadd.f32 v2, v1  }
0x2fd: {  	v55 =	vmul.f32 v41, v28;
	v7 =	vadd.f32 v38, v45;
	v4 =	vadd.f32 v5, v4  }
0x2fe: {  	v56 =	vmul.f32 v40, v21;
	v6 =	vadd.f32 v37, v6;
	v1 =	vadd.f32 v54, v1  }
0x2ff: {  	v57 =	vmul.f32 v40, v29;
	v0 =	vadd.f32 v49, v0;
	v4 =	vadd.f32 v55, v4  }
0x300: {  	v7 =	vadd.f32 v36, v7;
	v58 =	vmul.f32 v6, v22;
	v1 =	vadd.f32 v56, v1  }
0x301: {  	v3 =	vadd.f32 v50, v3;
	v59 =	vmul.f32 v6, v30;
	v4 =	vadd.f32 v57, v4  }
0x302: {  	v0 =	vadd.f32 v51, v0;
	v60 =	vmul.f32 v7, v23;
	v1 =	vadd.f32 v58, v1  }
0x303: {  	v61 =	vmul.f32 v7, v31;
	v4 =	vadd.f32 v59, v4  }
0x304: {  	v3 =	vadd.f32 v44, v3;
	v62 =	vmul.f32 v0, v24;
	v1 =	vadd.f32 v60, v1  }
0x305: {  	s7 =	sand.u32 $0xF, s25;
	v0 =	vmul.f32 v0, v32;
	v4 =	vadd.f32 v61, v4  }
0x306: {  	p0 =	sne.s32 s7, $0xF;
	v63 =	vmul.f32 v3, v25;
	v1 =	vadd.f32 v62, v1  }
.Ltmp9:
0x307: {  	v3 =	vmul.f32 v3, v33;
	v0 =	vadd.f32 v0, v4;
	(pc) =	sbr.rel @p0 .LBB2_14-.Ltmp9, $4  }
0x308: {  	s6 =	sshll.u32 s25, $0x4;
	v1 =	vadd.f32 v63, v1  }
0x309: {  	s6 =	sand.u32 $0xF0, s6;
	v0 =	vadd.f32 v3, v0  }
0x30a: {  	[tilespmem:s6+$0x19180] =	vst v1  }
0x30b: {  	[tilespmem:s6+$0x19280] =	vst v0  }
0x30c: {  	v4 =	vld [tilespmem:$0x1FFD0];
	_ =	sdelay $0x1  }
0x30d: {  	v5 =	vld [tilespmem:$0x1FF10];
	_ =	sdelay $0x1  }
0x30e: {  	v6 =	vld [tilespmem:$0x1FF20];
	_ =	sdelay $0x1  }
0x30f: {  	v7 =	vld [tilespmem:$0x1FF30]  }
0x310: {  	v8 =	vld [tilespmem:$0x1FF40]  }
0x311: {  	v0 =	vld.idx.msk [tilespmem:v4+s2+$0x0], $0xffff  }
0x312: {  	v9 =	vld [tilespmem:$0x1FF50]  }
0x313: {  	v1 =	vld.idx.msk [tilespmem:v5+s2+$0x0], $0xffff  }
0x314: {  	v10 =	vld [tilespmem:$0x1FF60]  }
0x315: {  	v2 =	vld.idx.msk [tilespmem:v6+s2+$0x0], $0xffff  }
0x316: {  	v11 =	vld [tilespmem:$0x1FF70];
	v0 =	vadd.f32 $0.0e+00, v0  }
0x317: {  	v3 =	vld.idx.msk [tilespmem:v7+s2+$0x0], $0xffff  }
0x318: {  	v12 =	vld [tilespmem:$0x1FF80];
	v0 =	vadd.f32 v1, v0  }
0x319: {  	v63 =	vld.idx.msk [tilespmem:v8+s2+$0x0], $0xffff  }
0x31a: {  	v0 =	vadd.f32 v2, v0  }
0x31b: {  	v34 =	vld.idx.msk [tilespmem:v9+s2+$0x0], $0xffff  }
0x31c: {  	v16 =	vld [tilespmem:$0x1FF90];
	v0 =	vadd.f32 v3, v0  }
0x31d: {  	v35 =	vld.idx.msk [tilespmem:v10+s2+$0x0], $0xffff  }
0x31e: {  	v17 =	vld [tilespmem:$0x1FFA0];
	v0 =	vadd.f32 v63, v0  }
0x31f: {  	v36 =	vld.idx.msk [tilespmem:v11+s2+$0x0], $0xffff  }
0x320: {  	v0 =	vadd.f32 v34, v0;
	v34 =	vld [tilespmem:$0x1FFB0]  }
0x321: {  	v37 =	vld.idx.msk [tilespmem:v12+s2+$0x0], $0xffff  }
0x322: {  	v0 =	vadd.f32 v35, v0;
	v35 =	vld [tilespmem:$0x1FFC0];
	_ =	sdelay $0x1  }
0x323: {  	v38 =	vld.idx.msk [tilespmem:v16+s2+$0x0], $0xffff  }
0x324: {  	v0 =	vadd.f32 v36, v0  }
0x325: {  	v39 =	vld.idx.msk [tilespmem:v17+s2+$0x0], $0xffff  }
0x326: {  	v0 =	vadd.f32 v37, v0  }
0x327: {  	v40 =	vld.idx.msk [tilespmem:v34+s2+$0x0], $0xffff  }
0x328: {  	v0 =	vadd.f32 v38, v0  }
0x329: {  	v41 =	vld.idx.msk [tilespmem:v35+s2+$0x0], $0xffff  }
0x32a: {  	v0 =	vadd.f32 v39, v0  }
0x32b: {  	v42 =	vld.idx.msk [tilespmem:v13+s2+$0x0], $0xffff  }
0x32c: {  	v0 =	vadd.f32 v40, v0  }
0x32d: {  	v43 =	vld.idx.msk [tilespmem:v14+s2+$0x0], $0xffff  }
0x32e: {  	v0 =	vadd.f32 v41, v0  }
0x32f: {  	v44 =	vld.idx.msk [tilespmem:v15+s2+$0x0], $0xffff  }
0x330: {  	v0 =	vadd.f32 v42, v0;
	_ =	sdelay $0x1  }
0x331: {  	v0 =	vadd.f32 v43, v0  }
0x332: {  	v45 =	vld [tilespmem:$0x1FEF0]  }
0x333: {  	v0 =	vadd.f32 v44, v0;
	_ =	sdelay $0x1  }
0x334: {  	v0 =	vmul.f32 $4.999999890e-03, v0;
	_ =	sdelay $0x1  }
0x335: {  	v0 =	vadd.f32 v0, v45;
	_ =	sdelay $0x1  }
0x336: {  	[tilespmem:$0x19380] =	vst v0  }
0x337: {  	v0 =	vld.idx.msk [tilespmem:v4+s4+$0x0], $0xffff;
	_ =	sdelay $0x1  }
0x338: {  	v46 =	vld.idx.msk [tilespmem:v5+s4+$0x0], $0xffff;
	_ =	sdelay $0x1  }
0x339: {  	v47 =	vld.idx.msk [tilespmem:v6+s4+$0x0], $0xffff  }
0x33a: {  	v0 =	vadd.f32 $0.0e+00, v0  }
0x33b: {  	v48 =	vld.idx.msk [tilespmem:v7+s4+$0x0], $0xffff  }
0x33c: {  	v0 =	vadd.f32 v46, v0  }
0x33d: {  	v49 =	vld.idx.msk [tilespmem:v8+s4+$0x0], $0xffff  }
0x33e: {  	v0 =	vadd.f32 v47, v0  }
0x33f: {  	v50 =	vld.idx.msk [tilespmem:v9+s4+$0x0], $0xffff  }
0x340: {  	v0 =	vadd.f32 v48, v0  }
0x341: {  	v51 =	vld.idx.msk [tilespmem:v10+s4+$0x0], $0xffff  }
0x342: {  	v0 =	vadd.f32 v49, v0  }
0x343: {  	v52 =	vld.idx.msk [tilespmem:v11+s4+$0x0], $0xffff  }
0x344: {  	v0 =	vadd.f32 v50, v0  }
0x345: {  	v53 =	vld.idx.msk [tilespmem:v12+s4+$0x0], $0xffff  }
0x346: {  	v0 =	vadd.f32 v51, v0  }
0x347: {  	v54 =	vld.idx.msk [tilespmem:v16+s4+$0x0], $0xffff  }
0x348: {  	v0 =	vadd.f32 v52, v0  }
0x349: {  	v55 =	vld.idx.msk [tilespmem:v17+s4+$0x0], $0xffff  }
0x34a: {  	v0 =	vadd.f32 v53, v0  }
0x34b: {  	v56 =	vld.idx.msk [tilespmem:v34+s4+$0x0], $0xffff  }
0x34c: {  	v0 =	vadd.f32 v54, v0  }
0x34d: {  	v57 =	vld.idx.msk [tilespmem:v35+s4+$0x0], $0xffff  }
0x34e: {  	v0 =	vadd.f32 v55, v0  }
0x34f: {  	v58 =	vld.idx.msk [tilespmem:v13+s4+$0x0], $0xffff  }
0x350: {  	v0 =	vadd.f32 v56, v0  }
0x351: {  	v59 =	vld.idx.msk [tilespmem:v14+s4+$0x0], $0xffff  }
0x352: {  	v0 =	vadd.f32 v57, v0  }
0x353: {  	v60 =	vld.idx.msk [tilespmem:v15+s4+$0x0], $0xffff  }
0x354: {  	v0 =	vadd.f32 v58, v0;
	_ =	sdelay $0x1  }
0x355: {  	v61 =	vld [tilespmem:$0x1FF00];
	v0 =	vadd.f32 v59, v0  }
0x356: {  	v62 =	vld [tilespmem:$0x1FFE0]  }
0x357: {  	v0 =	vadd.f32 v60, v0;
	_ =	sdelay $0x1  }
0x358: {  	v0 =	vmul.f32 $4.999999890e-03, v0;
	_ =	sdelay $0x1  }
0x359: {  	v0 =	vadd.f32 v0, v61  }
0x35a: {  	v63 =	vld [tilespmem:$0x1FFF0]  }
0x35b: {  	[tilespmem:$0x19390] =	vst v0  }
0x35c: {  	v0 =	vld.idx.msk [tilespmem:v62+s8+$0x0], $0xffff;
	_ =	sdelay $0x2  }
0x35d: {  	s6 =	sshll.u32 s25, $0x1  }
0x35e: {  	s6 =	sand.u32 $0x3E0, s6  }
0x35f: {  	[tilespmem:s6+$0x19400] =	vst v0  }
0x360: {  	v0 =	vld.idx.msk [tilespmem:v63+s8+$0x0], $0xffff  }
.Ltmp10:
0x361: {  	_ = 	snop;
	(pc) =	sbr.rel .LBB2_14-.Ltmp10, $2  }
0x362: {  	_ =	sdelay $0x2  }
0x363: {  	[tilespmem:s6+$0x19410] =	vst v0  }
.LBB2_16:
0x364: {  	_ =	sfence.sel $0x180000  }
0x365: {  	[bflag:$0x0] =	sbarrier.arrive $0xFFFF  }
0x366: {  	_ =	strace $0x90000047  }
0x367: {  	s0 =	stileid.u32;
	[bflag:$0x2] =	sbarrier.arrive $0xFFFF  }
0x368: {  	p0 =	sne.s32 s0, $0x0;
	s0 =	rddreg [dreg:$0x5]  }
0x369: {  	s0 =	sadd.s32 @!p0 $0x100000, s0  }
0x36a: {  	[sflag:s0] =	ssyncadd.tile.s32 @!p0 $0x1;
	_ =	shalt  }
.Lfunc_end2:
_tile_overlayer_lowered:
.L_overlay_start_2:
0x36b: {  	(tag) =	ssettag $0x2  }
0x36c: {  	s0 =	rddreg [dreg:$0x0];
	s2 =	stileid.u32  }
0x36d: {  	s1 =	rddreg [dreg:$0x1];
	p0 =	sne.s32 s2, $0x0  }
0x36e: {  	s3 =	rddreg [dreg:$0x2];
	[bflag:$0x3] =	sbarrier.arrive $0xFFFF;
	s2 =	simm.s32 @!p0 $0x1C04  }
0x36f: {  	[timem:s3], [sflag:s2] =	dma.local @!p0 [hbm:s0], s1  }
0x370: {  	s0 =	simm.s32 @!p0 $0x4  }
0x371: {  	_ =	swait.ge @!p0 [sflag:s0], s1  }
0x372: {  	s1 =	ssub.s32 @!p0 $0x0, s1;
	[sflag:s0] =	ssyncset.done @!p0 $0x0  }
0x373: {  	[sflag:s0] =	ssyncadd.s32 @!p0 s1  }
0x374: {  	[bflag:$0x3] =	sbarrier.arrive $0xFFFF  }
0x375: {  	_ =	shalt  }

</sc_bundles>
